<compile_context>
chip_gen: v7x
topology: tpu7x:2x2x1
jax: 0.10.2.dev20260603
libtpu: 0.0.44.dev20260713+nightly
codegen_flags: <defaults>
</compile_context>

<pallas_src>
import jax
import jax.numpy as jnp
from jax import lax
from jax.experimental import pallas as pl
from jax.experimental.pallas import tpu as pltpu
from jax.experimental.pallas import tpu_sc as plsc

jax.config.update("jax_enable_x64", True)

B = 1024
T = 4096
MB = 16
L = 16
NC, NS = 2, 16
NW = NC * NS
RPW = B // NW
FB_POS = 256
FB_F = FB_POS * 2
ROW_F = 2 * T


def _seg_update(t, im, imp, cnt, sm, cref, ci, ones):
    edge = im * (1 - imp)
    c = cref[ci]
    cs = plsc.cumsum(edge) + c
    label = jnp.where(jnp.logical_and(im > 0, cs < MB), cs, 0)
    plsc.addupdate_scatter(cnt, [label], ones)
    plsc.addupdate_scatter(sm, [label], t)
    cref[ci] = c + jnp.sum(edge, dtype=jnp.int32)


def _chunk_masks(vals):
    a0, a1, am, bm = vals
    im = (jnp.minimum(a0, a1) < 0.5).astype(jnp.int32)
    imp = (jnp.minimum(am, bm) < 0.5).astype(jnp.int32)
    return im, imp


def _row_scan(buf, n_chunks, cnt, sm, cref, ci, lane):
    ones = jnp.ones((L,), jnp.int32)

    def chunk(i, carry):
        @pl.when(cref[ci] < MB)
        def _():
            t = i * L + lane
            tm = jnp.maximum(t - 1, 0)
            f0 = ((t >> 7) << 8) + (t & 127)
            fm0 = ((tm >> 7) << 8) + (tm & 127)
            im, imp = _chunk_masks([plsc.load_gather(buf, [f]) for f in
                                    (f0, f0 + 128, fm0, fm0 + 128)])
            first = jnp.logical_and(lane == 0, i == 0)
            imp = jnp.where(first, 0, imp)
            _seg_update(t, im, imp, cnt, sm, cref, ci, ones)
        return carry

    lax.fori_loop(jnp.int32(0), jnp.int32(n_chunks), chunk, jnp.int32(0))


def _multi_scan(streams, n_chunks, cref, lane):
    ones = jnp.ones((L,), jnp.int32)
    UNROLL = 2

    def subchunk(t, first_flag):
        tm = jnp.maximum(t - 1, 0)
        f0 = ((t >> 7) << 8) + (t & 127)
        fm0 = ((tm >> 7) << 8) + (tm & 127)
        masks = []
        for fb, rsel, ci, cnt, sm in streams:
            im, imp = _chunk_masks([plsc.load_gather(fb, [rsel, f]) for
                                    f in (f0, f0 + 128, fm0, fm0 + 128)])
            masks.append((im, jnp.where(first_flag, 0, imp)))
        for (fb, rsel, ci, cnt, sm), (im, imp) in zip(streams, masks):
            _seg_update(t, im, imp, cnt, sm, cref, ci, ones)

    def chunk(i, carry):
        active = cref[streams[0][2]] < MB
        for _, _, ci, _, _ in streams[1:]:
            active = jnp.logical_or(active, cref[ci] < MB)

        @pl.when(active)
        def _():
            for u in range(UNROLL):
                t = (i * UNROLL + u) * L + lane
                first = (jnp.logical_and(lane == 0, i == 0) if u == 0
                         else jnp.zeros((L,), jnp.bool_))
                subchunk(t, first)
        return carry

    lax.fori_loop(jnp.int32(0), jnp.int32(n_chunks // UNROLL), chunk,
                  jnp.int32(0))


def _sc_body(t_hbm, p_hbm, out_hbm, fb_t, fb_p, rest, cnt0, sm0, cnt1, sm1,
             outv, cref, sem_a, sem_b):
    cid = lax.axis_index("c")
    sid = lax.axis_index("s")
    wid = sid * NC + cid
    base = wid * RPW
    lane = lax.iota(jnp.int32, L)
    zeros = jnp.zeros((L,), jnp.int32)
    bins = ((cnt0, sm0), (cnt1, sm1))

    cp_a = pltpu.async_copy(
        t_hbm.at[pl.ds(base, RPW), pl.ds(0, FB_F)], fb_t, sem_a)
    cp_b = pltpu.async_copy(
        p_hbm.at[pl.ds(base, RPW), pl.ds(0, FB_F)], fb_p, sem_b)
    cp_a.wait()
    cp_b.wait()

    outv[...] = jnp.zeros((L,), jnp.float32)

    def stats_from(cnt, sm):
        cntv = cnt[...]
        smv = sm[...]
        nb = jnp.max(jnp.where(jnp.logical_and(cntv > 0, lane >= 1), lane, 0))
        pos = smv.astype(jnp.float32) / jnp.maximum(cntv, 1).astype(jnp.float32)
        valid = jnp.logical_and(lane >= 1, lane <= nb)
        return nb, valid, pos

    def row_metrics(nb_t, valid_t, pos_t, nb_p, valid_p, pos_p):
        post = jnp.where(valid_t, pos_t, jnp.float32(1e9))
        dn = lax.GatherDimensionNumbers(
            offset_dims=(), collapsed_slice_dims=(0,), start_index_map=(0,))
        closest = jnp.abs(pos_p - post)
        for s in range(1, MB):
            idx = (lane + s) & (L - 1)
            pr = lax.gather(post, idx[:, None], dn, (1,),
                            mode=lax.GatherScatterMode.PROMISE_IN_BOUNDS)
            closest = jnp.minimum(closest, jnp.abs(pos_p - pr))
        radius = jnp.max(jnp.where(valid_p, closest, jnp.float32(-1.0)))
        counted = jnp.logical_and(nb_t > 0, nb_p > 0)
        r_c = jnp.where(counted, radius, jnp.float32(0.0))
        n_c = jnp.where(counted, jnp.float32(1.0), jnp.float32(0.0))
        mae_c = jnp.abs(nb_t - nb_p).astype(jnp.float32)
        contrib = (jnp.where(lane == 0, mae_c, jnp.float32(0.0))
                   + jnp.where(lane == 1, r_c, jnp.float32(0.0))
                   + jnp.where(lane == 2, n_c, jnp.float32(0.0)))
        outv[...] = outv[...] + contrib

    def row_body(r, carry):
        streams = []
        rsel = lax.broadcast_in_dim(r, (L,), ())
        for k in range(2):
            cnt, sm = bins[k]
            cnt[...] = zeros
            sm[...] = zeros
            cref[k] = jnp.int32(0)
            streams.append((fb_t if k == 0 else fb_p, rsel, k, cnt, sm))
        _multi_scan(streams, FB_POS // L, cref, lane)

        for k in range(2):
            cnt, sm = bins[k]
            hbm = t_hbm if k == 0 else p_hbm

            @pl.when(cref[k] < MB)
            def _slow(cnt=cnt, sm=sm, hbm=hbm, k=k):
                pltpu.sync_copy(hbm.at[base + r], rest)
                cnt[...] = zeros
                sm[...] = zeros
                cref[k] = jnp.int32(0)
                _row_scan(rest, T // L, cnt, sm, cref, k, lane)

        st = [stats_from(*bins[k]) for k in range(2)]
        row_metrics(*st[0], *st[1])
        return carry

    lax.fori_loop(jnp.int32(0), jnp.int32(RPW), row_body, jnp.int32(0))
    pltpu.sync_copy(outv, out_hbm.at[wid])


@jax.jit
def _run(t2d, p2d):
    mesh = plsc.VectorSubcoreMesh(
        core_axis_name="c", subcore_axis_name="s",
        num_cores=NC, num_subcores=NS)
    kern = pl.kernel(
        _sc_body,
        out_type=jax.ShapeDtypeStruct((NW, L), jnp.float32),
        mesh=mesh,
        compiler_params=pltpu.CompilerParams(
            needs_layout_passes=False, use_tc_tiling_on_sc=False),
        scratch_types=[
            pltpu.VMEM((RPW, FB_F), jnp.float32),
            pltpu.VMEM((RPW, FB_F), jnp.float32),
            pltpu.VMEM((ROW_F,), jnp.float32),
            pltpu.VMEM((L,), jnp.int32),
            pltpu.VMEM((L,), jnp.int32),
            pltpu.VMEM((L,), jnp.int32),
            pltpu.VMEM((L,), jnp.int32),
            pltpu.VMEM((L,), jnp.float32),
            pltpu.SMEM((2,), jnp.int32),
            pltpu.SemaphoreType.DMA,
            pltpu.SemaphoreType.DMA,
        ],
    )
    return kern(t2d, p2d)


def _native_view(x):
    return x.reshape(B, T // 128, 128, 2).transpose(0, 1, 3, 2).reshape(B, ROW_F)


def kernel(y_true_affinity, y_pred_affinity):
    t2d = _native_view(y_true_affinity)
    p2d = _native_view(y_pred_affinity)
    parts = _run(t2d, p2d)
    packed = jnp.sum(parts[:, :3], axis=0).astype(jnp.float64)
    n_delta = jnp.asarray(float(B), jnp.float64)
    return (packed[0], n_delta, packed[1], packed[2])

# --- scband reference (transcript-rebuilt; emitter-appended) ---
"""Pipeline reference for scband-break-stats-60129542204 (READ-ONLY COPY).

The authoritative reference and input builder live on the scoring server;
editing this copy changes nothing except your own understanding.
"""

import jax, jax.numpy as jnp
import numpy as np

jax.config.update("jax_enable_x64", True)

BATCH_N = 1024
DEPTH = 4096
MAX_BREAKS = 16
CUTOFF = 0.5
_EFFECTIVE_ONE = 0.99


def _label_breaks(interior_mask):
    # interior_mask: [B, T] float32
    im = 1.0 - interior_mask[:, :, None]                      # [B, T, 1]
    padded = jnp.pad(im, ((0, 0), (1, 0), (0, 0)))            # [B, T+1, 1]
    # TF conv1d SAME, kernel [-1, 1]: out[t] = padded[t+1] - padded[t], padded[T+1] := 0
    shifted = jnp.concatenate([padded[:, 1:, :], jnp.zeros_like(padded[:, :1, :])], axis=1)
    edges = ((shifted - padded) > _EFFECTIVE_ONE).astype(jnp.float32)
    labeled = (jnp.cumsum(edges, axis=1) * padded)[:, 1:, 0]  # [B, T]
    labeled = jnp.where(labeled >= MAX_BREAKS, 0.0, labeled)
    return labeled.astype(jnp.int32)


def _break_counts_and_positions(affinity):
    interior = jnp.all(affinity >= CUTOFF, axis=-1).astype(jnp.float32)  # [B, T]
    labeled = _label_breaks(interior)                                    # [B, T] int32
    B, T = BATCH_N, DEPTH
    n_idx = (jnp.arange(B * T) // T).astype(jnp.int32)
    time_range = (jnp.arange(B * T) % T).astype(jnp.int32)
    labels_flat = labeled.reshape(-1)
    agg = jnp.zeros((B, MAX_BREAKS + 1), jnp.int32)
    acc_seg_positions = agg.at[n_idx, labels_flat].add(time_range)[:, 1:]
    seg_counts = agg.at[n_idx, labels_flat].add(jnp.ones_like(time_range))[:, 1:]
    denom = jnp.where(seg_counts != 0, seg_counts, 1)
    break_positions = jnp.where(
        seg_counts != 0,
        acc_seg_positions.astype(jnp.float64) / denom.astype(jnp.float64),
        jnp.float64(0.0),
    )
    num_breaks = jnp.max(labeled, axis=1, keepdims=True)
    bpi = jnp.tile(jnp.arange(MAX_BREAKS)[None, :], (B, 1))
    break_positions = jnp.where(bpi >= num_breaks, jnp.float64(jnp.nan), break_positions)
    return num_breaks.astype(jnp.float64), break_positions


def setup_inputs(seed: int = 0) -> dict:
    key = jax.random.key(seed)
    k1, k2 = jax.random.split(key)
    y_true_affinity = jax.random.uniform(k1, (BATCH_N, DEPTH, 2), dtype=jnp.float32)
    y_pred_affinity = jax.random.uniform(k2, (BATCH_N, DEPTH, 2), dtype=jnp.float32)
    return {"y_true_affinity": y_true_affinity, "y_pred_affinity": y_pred_affinity}


def reference(y_true_affinity, y_pred_affinity):
    true_counts, true_positions = _break_counts_and_positions(y_true_affinity)
    pred_counts, pred_positions = _break_counts_and_positions(y_pred_affinity)
    mb = MAX_BREAKS
    n_delta = jnp.asarray(BATCH_N, jnp.float64)
    mae_delta = jnp.sum(jnp.abs(true_counts - pred_counts))
    true_tiled = jnp.tile(true_positions, (1, mb))                                  # [B, mb*mb]
    pred_tiled = jnp.tile(pred_positions[:, :, None], (1, 1, mb)).reshape(-1, mb * mb)
    abs_diff = jnp.abs(true_tiled - pred_tiled).reshape(-1, mb, mb)
    abs_diff = jnp.where(jnp.isnan(abs_diff), jnp.float64(jnp.inf), abs_diff)
    closest = jnp.min(abs_diff, axis=-1)
    closest = jnp.where(jnp.isinf(closest), jnp.float64(-jnp.inf), closest)
    radius = jnp.max(closest, axis=-1)
    non_inf = radius != jnp.float64(-jnp.inf)
    radius = jnp.where(non_inf, radius, jnp.float64(0.0))
    radius_n_delta = jnp.sum(non_inf.astype(jnp.float64))
    radius_acc_delta = jnp.sum(radius)
    return (mae_delta, n_delta, radius_acc_delta, radius_n_delta)

if __name__ == "__main__":
    import jax
    _d = setup_inputs()
    print(jax.jit(kernel)(*tuple(_d.values())))

</pallas_src>

<mosaic_0001>
#map = affine_map<(d0, d1) -> (0, 0)>
module attributes {stable_mosaic.version = 14 : i64} {
  func.func @_sc_body(%arg0: i32, %arg1: i32, %arg2: memref<1024x8192xf32, #tpu.memory_space<hbm>>, %arg3: memref<1024x8192xf32, #tpu.memory_space<hbm>>, %arg4: memref<32x16xf32, #tpu.memory_space<hbm>>, %arg5: memref<32x512xf32, #tpu.memory_space<vmem>>, %arg6: memref<32x512xf32, #tpu.memory_space<vmem>>, %arg7: memref<8192xf32, #tpu.memory_space<vmem>>, %arg8: memref<16xi32, #tpu.memory_space<vmem>>, %arg9: memref<16xi32, #tpu.memory_space<vmem>>, %arg10: memref<16xi32, #tpu.memory_space<vmem>>, %arg11: memref<16xi32, #tpu.memory_space<vmem>>, %arg12: memref<16xf32, #tpu.memory_space<vmem>>, %arg13: memref<2xi32, #tpu.memory_space<smem>>, %arg14: memref<!tpu.dma_semaphore, #tpu.memory_space<semaphore_mem>>, %arg15: memref<!tpu.dma_semaphore, #tpu.memory_space<semaphore_mem>>) attributes {dimension_semantics = [#tpu.dimension_semantics<core_parallel>, #tpu.dimension_semantics<subcore_parallel>], iteration_bounds = array<i64: 2, 16>, scalar_prefetch = 0 : i64, scratch_operands = 11 : i64, tpu.core_type = #tpu.core_type<sc_vector_subcore>, window_params = [{transform_indices = #map}, {transform_indices = #map}, {transform_indices = #map}]} {
    %mul3A = arith.constant 2 : i32
    %mul3A_0 = arith.muli %arg1, %mul3A : i32
    %add3A = arith.addi %mul3A_0, %arg0 : i32
    %mul3A_1 = arith.constant 32 : i32
    %mul3A_2 = arith.muli %add3A, %mul3A_1 : i32
    %iota3A = tpu.iota {dimensions = array<i32: 0>} : vector<16xi32>
    %broadcast_in_dim3A = arith.constant 0 : i32
    %broadcast_in_dim3A_3 = vector.broadcast %broadcast_in_dim3A : i32 to vector<16xi32>
    %dma_start3A = arith.constant 0 : i32
    %dma_start3A_4 = tpu.memref_slice %arg2[%mul3A_2, %dma_start3A] : memref<1024x8192xf32, #tpu.memory_space<hbm>> -> memref<32x512xf32, #tpu.memory_space<hbm>>
    %dma_start3A_5 = arith.constant 0 : i32
    %dma_start3A_6 = tpu.memref_slice %arg2[%mul3A_2, %dma_start3A_5] : memref<1024x8192xf32, #tpu.memory_space<hbm>> -> memref<32x512xf32, #tpu.memory_space<hbm>>
    tpu.enqueue_dma source(%dma_start3A_6 : memref<32x512xf32, #tpu.memory_space<hbm>>) target(%arg5 : memref<32x512xf32, #tpu.memory_space<vmem>>) target_semaphore(%arg14 : memref<!tpu.dma_semaphore, #tpu.memory_space<semaphore_mem>>)
    %dma_start3A_7 = arith.constant 0 : i32
    %dma_start3A_8 = tpu.memref_slice %arg3[%mul3A_2, %dma_start3A_7] : memref<1024x8192xf32, #tpu.memory_space<hbm>> -> memref<32x512xf32, #tpu.memory_space<hbm>>
    %dma_start3A_9 = arith.constant 0 : i32
    %dma_start3A_10 = tpu.memref_slice %arg3[%mul3A_2, %dma_start3A_9] : memref<1024x8192xf32, #tpu.memory_space<hbm>> -> memref<32x512xf32, #tpu.memory_space<hbm>>
    tpu.enqueue_dma source(%dma_start3A_10 : memref<32x512xf32, #tpu.memory_space<hbm>>) target(%arg6 : memref<32x512xf32, #tpu.memory_space<vmem>>) target_semaphore(%arg15 : memref<!tpu.dma_semaphore, #tpu.memory_space<semaphore_mem>>)
    %dma_wait3A = arith.constant 0 : i32
    %dma_wait3A_11 = tpu.memref_slice %arg2[%mul3A_2, %dma_wait3A] : memref<1024x8192xf32, #tpu.memory_space<hbm>> -> memref<32x512xf32, #tpu.memory_space<hbm>>
    %dma_wait3A_12 = arith.constant 0 : i32
    %dma_wait3A_13 = tpu.memref_slice %arg2[%mul3A_2, %dma_wait3A_12] : memref<1024x8192xf32, #tpu.memory_space<hbm>> -> memref<32x512xf32, #tpu.memory_space<hbm>>
    tpu.wait_dma2 semaphore(%arg14 : memref<!tpu.dma_semaphore, #tpu.memory_space<semaphore_mem>>) src(%dma_wait3A_13 : memref<32x512xf32, #tpu.memory_space<hbm>>) dst(%arg5 : memref<32x512xf32, #tpu.memory_space<vmem>>)
    %dma_wait3A_14 = arith.constant 0 : i32
    %dma_wait3A_15 = tpu.memref_slice %arg3[%mul3A_2, %dma_wait3A_14] : memref<1024x8192xf32, #tpu.memory_space<hbm>> -> memref<32x512xf32, #tpu.memory_space<hbm>>
    %dma_wait3A_16 = arith.constant 0 : i32
    %dma_wait3A_17 = tpu.memref_slice %arg3[%mul3A_2, %dma_wait3A_16] : memref<1024x8192xf32, #tpu.memory_space<hbm>> -> memref<32x512xf32, #tpu.memory_space<hbm>>
    tpu.wait_dma2 semaphore(%arg15 : memref<!tpu.dma_semaphore, #tpu.memory_space<semaphore_mem>>) src(%dma_wait3A_17 : memref<32x512xf32, #tpu.memory_space<hbm>>) dst(%arg6 : memref<32x512xf32, #tpu.memory_space<vmem>>)
    %broadcast_in_dim3A_18 = arith.constant 0.000000e+00 : f32
    %broadcast_in_dim3A_19 = vector.broadcast %broadcast_in_dim3A_18 : f32 to vector<16xf32>
    %swap3A = arith.constant 0 : index
    %swap3A_20 = tpu.vector_load %arg12[%swap3A] {strides = array<i32>} : memref<16xf32, #tpu.memory_space<vmem>>, vector<16xf32>,
    tpu.vector_store %arg12[%swap3A], %broadcast_in_dim3A_19 {strides = array<i32>} : memref<16xf32, #tpu.memory_space<vmem>>, vector<16xf32>,
    %while3A = arith.constant 0 : i32
    %while3A_21 = arith.constant 0 : i32
    %while3A_22 = arith.constant 32 : i32
    %while3A_23 = arith.subi %while3A_22, %while3A_21 : i32
    %while3A_24 = arith.addi %while3A_21, %while3A_23 : i32
    %while3A_25 = arith.constant 1 : i32
    %while3A_26 = arith.divsi %while3A_23, %while3A_25 : i32
    %while3A_27 = arith.muli %while3A_26, %while3A_25 : i32
    %while3A_28 = arith.addi %while3A_21, %while3A_27 : i32
    %while3A_29 = arith.constant 1 : i32
    scf.for %while3A_31 = %while3A_21 to %while3A_28 step %while3A_29  : i32 {
      %broadcast_in_dim3A_32 = vector.broadcast %while3A_31 : i32 to vector<16xi32>
      %swap3A_33 = arith.constant 0 : index
      %swap3A_34 = tpu.vector_load %arg8[%swap3A_33] {strides = array<i32>} : memref<16xi32, #tpu.memory_space<vmem>>, vector<16xi32>,
      tpu.vector_store %arg8[%swap3A_33], %broadcast_in_dim3A_3 {strides = array<i32>} : memref<16xi32, #tpu.memory_space<vmem>>, vector<16xi32>,
      %swap3A_35 = arith.constant 0 : index
      %swap3A_36 = tpu.vector_load %arg9[%swap3A_35] {strides = array<i32>} : memref<16xi32, #tpu.memory_space<vmem>>, vector<16xi32>,
      tpu.vector_store %arg9[%swap3A_35], %broadcast_in_dim3A_3 {strides = array<i32>} : memref<16xi32, #tpu.memory_space<vmem>>, vector<16xi32>,
      %swap3A_37 = arith.constant 0 : i32
      %swap3A_38 = arith.constant 0 : i64
      %swap3A_39 = arith.index_cast %swap3A_38 : i64 to index
      %swap3A_40 = memref.load %arg13[%swap3A_39] : memref<2xi32, #tpu.memory_space<smem>>
      memref.store %swap3A_37, %arg13[%swap3A_39] : memref<2xi32, #tpu.memory_space<smem>>
      %swap3A_41 = arith.constant 0 : index
      %swap3A_42 = tpu.vector_load %arg10[%swap3A_41] {strides = array<i32>} : memref<16xi32, #tpu.memory_space<vmem>>, vector<16xi32>,
      tpu.vector_store %arg10[%swap3A_41], %broadcast_in_dim3A_3 {strides = array<i32>} : memref<16xi32, #tpu.memory_space<vmem>>, vector<16xi32>,
      %swap3A_43 = arith.constant 0 : index
      %swap3A_44 = tpu.vector_load %arg11[%swap3A_43] {strides = array<i32>} : memref<16xi32, #tpu.memory_space<vmem>>, vector<16xi32>,
      tpu.vector_store %arg11[%swap3A_43], %broadcast_in_dim3A_3 {strides = array<i32>} : memref<16xi32, #tpu.memory_space<vmem>>, vector<16xi32>,
      %swap3A_45 = arith.constant 0 : i32
      %swap3A_46 = arith.constant 1 : i64
      %swap3A_47 = arith.index_cast %swap3A_46 : i64 to index
      %swap3A_48 = memref.load %arg13[%swap3A_47] : memref<2xi32, #tpu.memory_space<smem>>
      memref.store %swap3A_45, %arg13[%swap3A_47] : memref<2xi32, #tpu.memory_space<smem>>
      %broadcast_in_dim3A_49 = arith.constant 1 : i32
      %broadcast_in_dim3A_50 = vector.broadcast %broadcast_in_dim3A_49 : i32 to vector<16xi32>
      %while3A_51 = arith.constant 0 : i32
      %while3A_52 = arith.constant 0 : i32
      %while3A_53 = arith.constant 8 : i32
      %while3A_54 = arith.subi %while3A_53, %while3A_52 : i32
      %while3A_55 = arith.addi %while3A_52, %while3A_54 : i32
      %while3A_56 = arith.constant 1 : i32
      %while3A_57 = arith.divsi %while3A_54, %while3A_56 : i32
      %while3A_58 = arith.muli %while3A_57, %while3A_56 : i32
      %while3A_59 = arith.addi %while3A_52, %while3A_58 : i32
      %while3A_60 = arith.constant 1 : i32
      scf.for %while3A_363 = %while3A_52 to %while3A_59 step %while3A_60  : i32 {
        %get3A_364 = arith.constant 0 : i64
        %get3A_365 = arith.index_cast %get3A_364 : i64 to index
        %get3A_366 = memref.load %arg13[%get3A_365] : memref<2xi32, #tpu.memory_space<smem>>
        %lt3A_367 = arith.constant 16 : i32
        %lt3A_368 = arith.cmpi slt, %get3A_366, %lt3A_367 : i32
        %get3A_369 = arith.constant 1 : i64
        %get3A_370 = arith.index_cast %get3A_369 : i64 to index
        %get3A_371 = memref.load %arg13[%get3A_370] : memref<2xi32, #tpu.memory_space<smem>>
        %lt3A_372 = arith.constant 16 : i32
        %lt3A_373 = arith.cmpi slt, %get3A_371, %lt3A_372 : i32
        %or3A = arith.ori %lt3A_368, %lt3A_373 : i1
        %convert_element_type3A_374 = arith.extui %or3A : i1 to i32
        %cond3A_375 = arith.constant 0 : i32
        %cond3A_376 = arith.cmpi ne, %convert_element_type3A_374, %cond3A_375 : i32
        scf.if %cond3A_376 {
          %mul3A_377 = arith.constant 2 : i32
          %mul3A_378 = arith.muli %while3A_363, %mul3A_377 : i32
          %add3A_379 = arith.constant 0 : i32
          %add3A_380 = arith.addi %mul3A_378, %add3A_379 : i32
          %mul3A_381 = arith.constant 16 : i32
          %mul3A_382 = arith.muli %add3A_380, %mul3A_381 : i32
          %add3A_383 = vector.broadcast %mul3A_382 : i32 to vector<16xi32>
          %add3A_384 = arith.addi %add3A_383, %iota3A : vector<16xi32>
          %eq3A_385 = arith.constant 0 : i32
          %eq3A_386 = vector.broadcast %eq3A_385 : i32 to vector<16xi32>
          %eq3A_387 = arith.cmpi eq, %iota3A, %eq3A_386 : vector<16xi32>
          %eq3A_388 = arith.constant 0 : i32
          %eq3A_389 = arith.cmpi eq, %while3A_363, %eq3A_388 : i32
          %and3A_390 = vector.broadcast %eq3A_389 : i1 to vector<16xi1>
          %and3A_391 = arith.andi %eq3A_387, %and3A_390 : vector<16xi1>
          %sub3A_392 = arith.constant 1 : i32
          %sub3A_393 = vector.broadcast %sub3A_392 : i32 to vector<16xi32>
          %sub3A_394 = arith.subi %add3A_384, %sub3A_393 : vector<16xi32>
          %max3A_395 = arith.constant 0 : i32
          %max3A_396 = vector.broadcast %max3A_395 : i32 to vector<16xi32>
          %max3A_397 = arith.maxsi %sub3A_394, %max3A_396 : vector<16xi32>
          %shift_right_arithmetic3A = arith.constant 7 : i32
          %shift_right_arithmetic3A_398 = vector.broadcast %shift_right_arithmetic3A : i32 to vector<16xi32>
          %shift_right_arithmetic3A_399 = arith.shrsi %add3A_384, %shift_right_arithmetic3A_398 : vector<16xi32>
          %shift_left3A = arith.constant 8 : i32
          %shift_left3A_400 = vector.broadcast %shift_left3A : i32 to vector<16xi32>
          %shift_left3A_401 = arith.shli %shift_right_arithmetic3A_399, %shift_left3A_400 : vector<16xi32>
          %and3A_402 = arith.constant 127 : i32
          %and3A_403 = vector.broadcast %and3A_402 : i32 to vector<16xi32>
          %and3A_404 = arith.andi %add3A_384, %and3A_403 : vector<16xi32>
          %add3A_405 = arith.addi %shift_left3A_401, %and3A_404 : vector<16xi32>
          %shift_right_arithmetic3A_406 = arith.constant 7 : i32
          %shift_right_arithmetic3A_407 = vector.broadcast %shift_right_arithmetic3A_406 : i32 to vector<16xi32>
          %shift_right_arithmetic3A_408 = arith.shrsi %max3A_397, %shift_right_arithmetic3A_407 : vector<16xi32>
          %shift_left3A_409 = arith.constant 8 : i32
          %shift_left3A_410 = vector.broadcast %shift_left3A_409 : i32 to vector<16xi32>
          %shift_left3A_411 = arith.shli %shift_right_arithmetic3A_408, %shift_left3A_410 : vector<16xi32>
          %and3A_412 = arith.constant 127 : i32
          %and3A_413 = vector.broadcast %and3A_412 : i32 to vector<16xi32>
          %and3A_414 = arith.andi %max3A_397, %and3A_413 : vector<16xi32>
          %add3A_415 = arith.addi %shift_left3A_411, %and3A_414 : vector<16xi32>
          %add3A_416 = arith.constant 128 : i32
          %add3A_417 = vector.broadcast %add3A_416 : i32 to vector<16xi32>
          %add3A_418 = arith.addi %add3A_405, %add3A_417 : vector<16xi32>
          %add3A_419 = arith.constant 128 : i32
          %add3A_420 = vector.broadcast %add3A_419 : i32 to vector<16xi32>
          %add3A_421 = arith.addi %add3A_415, %add3A_420 : vector<16xi32>
          %gather3A_422 = tpu.vector_load_idx %arg5[%broadcast_in_dim3A_32, %add3A_405] : memref<32x512xf32, #tpu.memory_space<vmem>>[vector<16xi32>, vector<16xi32>], vector<16xf32>,
          %gather3A_423 = tpu.vector_load_idx %arg5[%broadcast_in_dim3A_32, %add3A_418] : memref<32x512xf32, #tpu.memory_space<vmem>>[vector<16xi32>, vector<16xi32>], vector<16xf32>,
          %gather3A_424 = tpu.vector_load_idx %arg5[%broadcast_in_dim3A_32, %add3A_415] : memref<32x512xf32, #tpu.memory_space<vmem>>[vector<16xi32>, vector<16xi32>], vector<16xf32>,
          %gather3A_425 = tpu.vector_load_idx %arg5[%broadcast_in_dim3A_32, %add3A_421] : memref<32x512xf32, #tpu.memory_space<vmem>>[vector<16xi32>, vector<16xi32>], vector<16xf32>,
          %min3A_426 = arith.minimumf %gather3A_422, %gather3A_423 : vector<16xf32>
          %lt3A_427 = arith.constant 5.000000e-01 : f32
          %lt3A_428 = vector.broadcast %lt3A_427 : f32 to vector<16xf32>
          %lt3A_429 = arith.cmpf olt, %min3A_426, %lt3A_428 : vector<16xf32>
          %convert_element_type3A_430 = arith.extui %lt3A_429 : vector<16xi1> to vector<16xi32>
          %min3A_431 = arith.minimumf %gather3A_424, %gather3A_425 : vector<16xf32>
          %lt3A_432 = arith.constant 5.000000e-01 : f32
          %lt3A_433 = vector.broadcast %lt3A_432 : f32 to vector<16xf32>
          %lt3A_434 = arith.cmpf olt, %min3A_431, %lt3A_433 : vector<16xf32>
          %convert_element_type3A_435 = arith.extui %lt3A_434 : vector<16xi1> to vector<16xi32>
          %jit3A_436 = arith.constant 0 : i64
          %convert_element_type3A_437 = arith.trunci %jit3A_436 : i64 to i32
          %broadcast_in_dim3A_438 = vector.broadcast %convert_element_type3A_437 : i32 to vector<16xi32>
          %select_n3A_439 = arith.select %and3A_391, %broadcast_in_dim3A_438, %convert_element_type3A_435 : vector<16xi1>, vector<16xi32>
          %add3A_440 = arith.constant 128 : i32
          %add3A_441 = vector.broadcast %add3A_440 : i32 to vector<16xi32>
          %add3A_442 = arith.addi %add3A_405, %add3A_441 : vector<16xi32>
          %add3A_443 = arith.constant 128 : i32
          %add3A_444 = vector.broadcast %add3A_443 : i32 to vector<16xi32>
          %add3A_445 = arith.addi %add3A_415, %add3A_444 : vector<16xi32>
          %gather3A_446 = tpu.vector_load_idx %arg6[%broadcast_in_dim3A_32, %add3A_405] : memref<32x512xf32, #tpu.memory_space<vmem>>[vector<16xi32>, vector<16xi32>], vector<16xf32>,
          %gather3A_447 = tpu.vector_load_idx %arg6[%broadcast_in_dim3A_32, %add3A_442] : memref<32x512xf32, #tpu.memory_space<vmem>>[vector<16xi32>, vector<16xi32>], vector<16xf32>,
          %gather3A_448 = tpu.vector_load_idx %arg6[%broadcast_in_dim3A_32, %add3A_415] : memref<32x512xf32, #tpu.memory_space<vmem>>[vector<16xi32>, vector<16xi32>], vector<16xf32>,
          %gather3A_449 = tpu.vector_load_idx %arg6[%broadcast_in_dim3A_32, %add3A_445] : memref<32x512xf32, #tpu.memory_space<vmem>>[vector<16xi32>, vector<16xi32>], vector<16xf32>,
          %min3A_450 = arith.minimumf %gather3A_446, %gather3A_447 : vector<16xf32>
          %lt3A_451 = arith.constant 5.000000e-01 : f32
          %lt3A_452 = vector.broadcast %lt3A_451 : f32 to vector<16xf32>
          %lt3A_453 = arith.cmpf olt, %min3A_450, %lt3A_452 : vector<16xf32>
          %convert_element_type3A_454 = arith.extui %lt3A_453 : vector<16xi1> to vector<16xi32>
          %min3A_455 = arith.minimumf %gather3A_448, %gather3A_449 : vector<16xf32>
          %lt3A_456 = arith.constant 5.000000e-01 : f32
          %lt3A_457 = vector.broadcast %lt3A_456 : f32 to vector<16xf32>
          %lt3A_458 = arith.cmpf olt, %min3A_455, %lt3A_457 : vector<16xf32>
          %convert_element_type3A_459 = arith.extui %lt3A_458 : vector<16xi1> to vector<16xi32>
          %jit3A_460 = arith.constant 0 : i64
          %convert_element_type3A_461 = arith.trunci %jit3A_460 : i64 to i32
          %broadcast_in_dim3A_462 = vector.broadcast %convert_element_type3A_461 : i32 to vector<16xi32>
          %select_n3A_463 = arith.select %and3A_391, %broadcast_in_dim3A_462, %convert_element_type3A_459 : vector<16xi1>, vector<16xi32>
          %sub3A_464 = arith.constant 1 : i32
          %sub3A_465 = vector.broadcast %sub3A_464 : i32 to vector<16xi32>
          %sub3A_466 = arith.subi %sub3A_465, %select_n3A_439 : vector<16xi32>
          %mul3A_467 = arith.muli %convert_element_type3A_430, %sub3A_466 : vector<16xi32>
          %get3A_468 = arith.constant 0 : i64
          %get3A_469 = arith.index_cast %get3A_468 : i64 to index
          %get3A_470 = memref.load %arg13[%get3A_469] : memref<2xi32, #tpu.memory_space<smem>>
          %broadcast_in_dim3A_471 = arith.constant true
          %broadcast_in_dim3A_472 = vector.broadcast %broadcast_in_dim3A_471 : i1 to vector<16xi1>
          %masked_cumsum3A = tpu.scan <sum>, %mul3A_467 masked %broadcast_in_dim3A_472 : vector<16xi32>, vector<16xi1> -> vector<16xi32>
          %add3A_473 = vector.broadcast %get3A_470 : i32 to vector<16xi32>
          %add3A_474 = arith.addi %masked_cumsum3A, %add3A_473 : vector<16xi32>
          %gt3A_475 = arith.constant 0 : i32
          %gt3A_476 = vector.broadcast %gt3A_475 : i32 to vector<16xi32>
          %gt3A_477 = arith.cmpi sgt, %convert_element_type3A_430, %gt3A_476 : vector<16xi32>
          %lt3A_478 = arith.constant 16 : i32
          %lt3A_479 = vector.broadcast %lt3A_478 : i32 to vector<16xi32>
          %lt3A_480 = arith.cmpi slt, %add3A_474, %lt3A_479 : vector<16xi32>
          %and3A_481 = arith.andi %gt3A_477, %lt3A_480 : vector<16xi1>
          %jit3A_482 = arith.constant 0 : i64
          %convert_element_type3A_483 = arith.trunci %jit3A_482 : i64 to i32
          %broadcast_in_dim3A_484 = vector.broadcast %convert_element_type3A_483 : i32 to vector<16xi32>
          %select_n3A_485 = arith.select %and3A_481, %add3A_474, %broadcast_in_dim3A_484 : vector<16xi1>, vector<16xi32>
          tpu.vector_store_idx %arg8[%select_n3A_485], %broadcast_in_dim3A_50 {add = true} : memref<16xi32, #tpu.memory_space<vmem>>[vector<16xi32>], vector<16xi32>,
          tpu.vector_store_idx %arg9[%select_n3A_485], %add3A_384 {add = true} : memref<16xi32, #tpu.memory_space<vmem>>[vector<16xi32>], vector<16xi32>,
          %reduce_sum3A = arith.constant true
          %reduce_sum3A_486 = vector.broadcast %reduce_sum3A : i1 to vector<16xi1>
          %reduce_sum3A_487 = tpu.scan <sum>, %mul3A_467 masked %reduce_sum3A_486 : vector<16xi32>, vector<16xi1> -> vector<16xi32>
          %reduce_sum3A_488 = vector.extract %reduce_sum3A_487[15] : i32 from vector<16xi32>
          %add3A_489 = arith.addi %get3A_470, %reduce_sum3A_488 : i32
          %swap3A_490 = arith.constant 0 : i64
          %swap3A_491 = arith.index_cast %swap3A_490 : i64 to index
          %swap3A_492 = memref.load %arg13[%swap3A_491] : memref<2xi32, #tpu.memory_space<smem>>
          memref.store %add3A_489, %arg13[%swap3A_491] : memref<2xi32, #tpu.memory_space<smem>>
          %sub3A_493 = arith.constant 1 : i32
          %sub3A_494 = vector.broadcast %sub3A_493 : i32 to vector<16xi32>
          %sub3A_495 = arith.subi %sub3A_494, %select_n3A_463 : vector<16xi32>
          %mul3A_496 = arith.muli %convert_element_type3A_454, %sub3A_495 : vector<16xi32>
          %get3A_497 = arith.constant 1 : i64
          %get3A_498 = arith.index_cast %get3A_497 : i64 to index
          %get3A_499 = memref.load %arg13[%get3A_498] : memref<2xi32, #tpu.memory_space<smem>>
          %broadcast_in_dim3A_500 = arith.constant true
          %broadcast_in_dim3A_501 = vector.broadcast %broadcast_in_dim3A_500 : i1 to vector<16xi1>
          %masked_cumsum3A_502 = tpu.scan <sum>, %mul3A_496 masked %broadcast_in_dim3A_501 : vector<16xi32>, vector<16xi1> -> vector<16xi32>
          %add3A_503 = vector.broadcast %get3A_499 : i32 to vector<16xi32>
          %add3A_504 = arith.addi %masked_cumsum3A_502, %add3A_503 : vector<16xi32>
          %gt3A_505 = arith.constant 0 : i32
          %gt3A_506 = vector.broadcast %gt3A_505 : i32 to vector<16xi32>
          %gt3A_507 = arith.cmpi sgt, %convert_element_type3A_454, %gt3A_506 : vector<16xi32>
          %lt3A_508 = arith.constant 16 : i32
          %lt3A_509 = vector.broadcast %lt3A_508 : i32 to vector<16xi32>
          %lt3A_510 = arith.cmpi slt, %add3A_504, %lt3A_509 : vector<16xi32>
          %and3A_511 = arith.andi %gt3A_507, %lt3A_510 : vector<16xi1>
          %jit3A_512 = arith.constant 0 : i64
          %convert_element_type3A_513 = arith.trunci %jit3A_512 : i64 to i32
          %broadcast_in_dim3A_514 = vector.broadcast %convert_element_type3A_513 : i32 to vector<16xi32>
          %select_n3A_515 = arith.select %and3A_511, %add3A_504, %broadcast_in_dim3A_514 : vector<16xi1>, vector<16xi32>
          tpu.vector_store_idx %arg10[%select_n3A_515], %broadcast_in_dim3A_50 {add = true} : memref<16xi32, #tpu.memory_space<vmem>>[vector<16xi32>], vector<16xi32>,
          tpu.vector_store_idx %arg11[%select_n3A_515], %add3A_384 {add = true} : memref<16xi32, #tpu.memory_space<vmem>>[vector<16xi32>], vector<16xi32>,
          %reduce_sum3A_516 = arith.constant true
          %reduce_sum3A_517 = vector.broadcast %reduce_sum3A_516 : i1 to vector<16xi1>
          %reduce_sum3A_518 = tpu.scan <sum>, %mul3A_496 masked %reduce_sum3A_517 : vector<16xi32>, vector<16xi1> -> vector<16xi32>
          %reduce_sum3A_519 = vector.extract %reduce_sum3A_518[15] : i32 from vector<16xi32>
          %add3A_520 = arith.addi %get3A_499, %reduce_sum3A_519 : i32
          %swap3A_521 = arith.constant 1 : i64
          %swap3A_522 = arith.index_cast %swap3A_521 : i64 to index
          %swap3A_523 = memref.load %arg13[%swap3A_522] : memref<2xi32, #tpu.memory_space<smem>>
          memref.store %add3A_520, %arg13[%swap3A_522] : memref<2xi32, #tpu.memory_space<smem>>
          %mul3A_524 = arith.constant 2 : i32
          %mul3A_525 = arith.muli %while3A_363, %mul3A_524 : i32
          %add3A_526 = arith.constant 1 : i32
          %add3A_527 = arith.addi %mul3A_525, %add3A_526 : i32
          %mul3A_528 = arith.constant 16 : i32
          %mul3A_529 = arith.muli %add3A_527, %mul3A_528 : i32
          %add3A_530 = vector.broadcast %mul3A_529 : i32 to vector<16xi32>
          %add3A_531 = arith.addi %add3A_530, %iota3A : vector<16xi32>
          %broadcast_in_dim3A_532 = arith.constant false
          %broadcast_in_dim3A_533 = vector.broadcast %broadcast_in_dim3A_532 : i1 to vector<16xi1>
          %sub3A_534 = arith.constant 1 : i32
          %sub3A_535 = vector.broadcast %sub3A_534 : i32 to vector<16xi32>
          %sub3A_536 = arith.subi %add3A_531, %sub3A_535 : vector<16xi32>
          %max3A_537 = arith.constant 0 : i32
          %max3A_538 = vector.broadcast %max3A_537 : i32 to vector<16xi32>
          %max3A_539 = arith.maxsi %sub3A_536, %max3A_538 : vector<16xi32>
          %shift_right_arithmetic3A_540 = arith.constant 7 : i32
          %shift_right_arithmetic3A_541 = vector.broadcast %shift_right_arithmetic3A_540 : i32 to vector<16xi32>
          %shift_right_arithmetic3A_542 = arith.shrsi %add3A_531, %shift_right_arithmetic3A_541 : vector<16xi32>
          %shift_left3A_543 = arith.constant 8 : i32
          %shift_left3A_544 = vector.broadcast %shift_left3A_543 : i32 to vector<16xi32>
          %shift_left3A_545 = arith.shli %shift_right_arithmetic3A_542, %shift_left3A_544 : vector<16xi32>
          %and3A_546 = arith.constant 127 : i32
          %and3A_547 = vector.broadcast %and3A_546 : i32 to vector<16xi32>
          %and3A_548 = arith.andi %add3A_531, %and3A_547 : vector<16xi32>
          %add3A_549 = arith.addi %shift_left3A_545, %and3A_548 : vector<16xi32>
          %shift_right_arithmetic3A_550 = arith.constant 7 : i32
          %shift_right_arithmetic3A_551 = vector.broadcast %shift_right_arithmetic3A_550 : i32 to vector<16xi32>
          %shift_right_arithmetic3A_552 = arith.shrsi %max3A_539, %shift_right_arithmetic3A_551 : vector<16xi32>
          %shift_left3A_553 = arith.constant 8 : i32
          %shift_left3A_554 = vector.broadcast %shift_left3A_553 : i32 to vector<16xi32>
          %shift_left3A_555 = arith.shli %shift_right_arithmetic3A_552, %shift_left3A_554 : vector<16xi32>
          %and3A_556 = arith.constant 127 : i32
          %and3A_557 = vector.broadcast %and3A_556 : i32 to vector<16xi32>
          %and3A_558 = arith.andi %max3A_539, %and3A_557 : vector<16xi32>
          %add3A_559 = arith.addi %shift_left3A_555, %and3A_558 : vector<16xi32>
          %add3A_560 = arith.constant 128 : i32
          %add3A_561 = vector.broadcast %add3A_560 : i32 to vector<16xi32>
          %add3A_562 = arith.addi %add3A_549, %add3A_561 : vector<16xi32>
          %add3A_563 = arith.constant 128 : i32
          %add3A_564 = vector.broadcast %add3A_563 : i32 to vector<16xi32>
          %add3A_565 = arith.addi %add3A_559, %add3A_564 : vector<16xi32>
          %gather3A_566 = tpu.vector_load_idx %arg5[%broadcast_in_dim3A_32, %add3A_549] : memref<32x512xf32, #tpu.memory_space<vmem>>[vector<16xi32>, vector<16xi32>], vector<16xf32>,
          %gather3A_567 = tpu.vector_load_idx %arg5[%broadcast_in_dim3A_32, %add3A_562] : memref<32x512xf32, #tpu.memory_space<vmem>>[vector<16xi32>, vector<16xi32>], vector<16xf32>,
          %gather3A_568 = tpu.vector_load_idx %arg5[%broadcast_in_dim3A_32, %add3A_559] : memref<32x512xf32, #tpu.memory_space<vmem>>[vector<16xi32>, vector<16xi32>], vector<16xf32>,
          %gather3A_569 = tpu.vector_load_idx %arg5[%broadcast_in_dim3A_32, %add3A_565] : memref<32x512xf32, #tpu.memory_space<vmem>>[vector<16xi32>, vector<16xi32>], vector<16xf32>,
          %min3A_570 = arith.minimumf %gather3A_566, %gather3A_567 : vector<16xf32>
          %lt3A_571 = arith.constant 5.000000e-01 : f32
          %lt3A_572 = vector.broadcast %lt3A_571 : f32 to vector<16xf32>
          %lt3A_573 = arith.cmpf olt, %min3A_570, %lt3A_572 : vector<16xf32>
          %convert_element_type3A_574 = arith.extui %lt3A_573 : vector<16xi1> to vector<16xi32>
          %min3A_575 = arith.minimumf %gather3A_568, %gather3A_569 : vector<16xf32>
          %lt3A_576 = arith.constant 5.000000e-01 : f32
          %lt3A_577 = vector.broadcast %lt3A_576 : f32 to vector<16xf32>
          %lt3A_578 = arith.cmpf olt, %min3A_575, %lt3A_577 : vector<16xf32>
          %convert_element_type3A_579 = arith.extui %lt3A_578 : vector<16xi1> to vector<16xi32>
          %jit3A_580 = arith.constant 0 : i64
          %convert_element_type3A_581 = arith.trunci %jit3A_580 : i64 to i32
          %broadcast_in_dim3A_582 = vector.broadcast %convert_element_type3A_581 : i32 to vector<16xi32>
          %select_n3A_583 = arith.select %broadcast_in_dim3A_533, %broadcast_in_dim3A_582, %convert_element_type3A_579 : vector<16xi1>, vector<16xi32>
          %add3A_584 = arith.constant 128 : i32
          %add3A_585 = vector.broadcast %add3A_584 : i32 to vector<16xi32>
          %add3A_586 = arith.addi %add3A_549, %add3A_585 : vector<16xi32>
          %add3A_587 = arith.constant 128 : i32
          %add3A_588 = vector.broadcast %add3A_587 : i32 to vector<16xi32>
          %add3A_589 = arith.addi %add3A_559, %add3A_588 : vector<16xi32>
          %gather3A_590 = tpu.vector_load_idx %arg6[%broadcast_in_dim3A_32, %add3A_549] : memref<32x512xf32, #tpu.memory_space<vmem>>[vector<16xi32>, vector<16xi32>], vector<16xf32>,
          %gather3A_591 = tpu.vector_load_idx %arg6[%broadcast_in_dim3A_32, %add3A_586] : memref<32x512xf32, #tpu.memory_space<vmem>>[vector<16xi32>, vector<16xi32>], vector<16xf32>,
          %gather3A_592 = tpu.vector_load_idx %arg6[%broadcast_in_dim3A_32, %add3A_559] : memref<32x512xf32, #tpu.memory_space<vmem>>[vector<16xi32>, vector<16xi32>], vector<16xf32>,
          %gather3A_593 = tpu.vector_load_idx %arg6[%broadcast_in_dim3A_32, %add3A_589] : memref<32x512xf32, #tpu.memory_space<vmem>>[vector<16xi32>, vector<16xi32>], vector<16xf32>,
          %min3A_594 = arith.minimumf %gather3A_590, %gather3A_591 : vector<16xf32>
          %lt3A_595 = arith.constant 5.000000e-01 : f32
          %lt3A_596 = vector.broadcast %lt3A_595 : f32 to vector<16xf32>
          %lt3A_597 = arith.cmpf olt, %min3A_594, %lt3A_596 : vector<16xf32>
          %convert_element_type3A_598 = arith.extui %lt3A_597 : vector<16xi1> to vector<16xi32>
          %min3A_599 = arith.minimumf %gather3A_592, %gather3A_593 : vector<16xf32>
          %lt3A_600 = arith.constant 5.000000e-01 : f32
          %lt3A_601 = vector.broadcast %lt3A_600 : f32 to vector<16xf32>
          %lt3A_602 = arith.cmpf olt, %min3A_599, %lt3A_601 : vector<16xf32>
          %convert_element_type3A_603 = arith.extui %lt3A_602 : vector<16xi1> to vector<16xi32>
          %jit3A_604 = arith.constant 0 : i64
          %convert_element_type3A_605 = arith.trunci %jit3A_604 : i64 to i32
          %broadcast_in_dim3A_606 = vector.broadcast %convert_element_type3A_605 : i32 to vector<16xi32>
          %select_n3A_607 = arith.select %broadcast_in_dim3A_533, %broadcast_in_dim3A_606, %convert_element_type3A_603 : vector<16xi1>, vector<16xi32>
          %sub3A_608 = arith.constant 1 : i32
          %sub3A_609 = vector.broadcast %sub3A_608 : i32 to vector<16xi32>
          %sub3A_610 = arith.subi %sub3A_609, %select_n3A_583 : vector<16xi32>
          %mul3A_611 = arith.muli %convert_element_type3A_574, %sub3A_610 : vector<16xi32>
          %get3A_612 = arith.constant 0 : i64
          %get3A_613 = arith.index_cast %get3A_612 : i64 to index
          %get3A_614 = memref.load %arg13[%get3A_613] : memref<2xi32, #tpu.memory_space<smem>>
          %broadcast_in_dim3A_615 = arith.constant true
          %broadcast_in_dim3A_616 = vector.broadcast %broadcast_in_dim3A_615 : i1 to vector<16xi1>
          %masked_cumsum3A_617 = tpu.scan <sum>, %mul3A_611 masked %broadcast_in_dim3A_616 : vector<16xi32>, vector<16xi1> -> vector<16xi32>
          %add3A_618 = vector.broadcast %get3A_614 : i32 to vector<16xi32>
          %add3A_619 = arith.addi %masked_cumsum3A_617, %add3A_618 : vector<16xi32>
          %gt3A_620 = arith.constant 0 : i32
          %gt3A_621 = vector.broadcast %gt3A_620 : i32 to vector<16xi32>
          %gt3A_622 = arith.cmpi sgt, %convert_element_type3A_574, %gt3A_621 : vector<16xi32>
          %lt3A_623 = arith.constant 16 : i32
          %lt3A_624 = vector.broadcast %lt3A_623 : i32 to vector<16xi32>
          %lt3A_625 = arith.cmpi slt, %add3A_619, %lt3A_624 : vector<16xi32>
          %and3A_626 = arith.andi %gt3A_622, %lt3A_625 : vector<16xi1>
          %jit3A_627 = arith.constant 0 : i64
          %convert_element_type3A_628 = arith.trunci %jit3A_627 : i64 to i32
          %broadcast_in_dim3A_629 = vector.broadcast %convert_element_type3A_628 : i32 to vector<16xi32>
          %select_n3A_630 = arith.select %and3A_626, %add3A_619, %broadcast_in_dim3A_629 : vector<16xi1>, vector<16xi32>
          tpu.vector_store_idx %arg8[%select_n3A_630], %broadcast_in_dim3A_50 {add = true} : memref<16xi32, #tpu.memory_space<vmem>>[vector<16xi32>], vector<16xi32>,
          tpu.vector_store_idx %arg9[%select_n3A_630], %add3A_531 {add = true} : memref<16xi32, #tpu.memory_space<vmem>>[vector<16xi32>], vector<16xi32>,
          %reduce_sum3A_631 = arith.constant true
          %reduce_sum3A_632 = vector.broadcast %reduce_sum3A_631 : i1 to vector<16xi1>
          %reduce_sum3A_633 = tpu.scan <sum>, %mul3A_611 masked %reduce_sum3A_632 : vector<16xi32>, vector<16xi1> -> vector<16xi32>
          %reduce_sum3A_634 = vector.extract %reduce_sum3A_633[15] : i32 from vector<16xi32>
          %add3A_635 = arith.addi %get3A_614, %reduce_sum3A_634 : i32
          %swap3A_636 = arith.constant 0 : i64
          %swap3A_637 = arith.index_cast %swap3A_636 : i64 to index
          %swap3A_638 = memref.load %arg13[%swap3A_637] : memref<2xi32, #tpu.memory_space<smem>>
          memref.store %add3A_635, %arg13[%swap3A_637] : memref<2xi32, #tpu.memory_space<smem>>
          %sub3A_639 = arith.constant 1 : i32
          %sub3A_640 = vector.broadcast %sub3A_639 : i32 to vector<16xi32>
          %sub3A_641 = arith.subi %sub3A_640, %select_n3A_607 : vector<16xi32>
          %mul3A_642 = arith.muli %convert_element_type3A_598, %sub3A_641 : vector<16xi32>
          %get3A_643 = arith.constant 1 : i64
          %get3A_644 = arith.index_cast %get3A_643 : i64 to index
          %get3A_645 = memref.load %arg13[%get3A_644] : memref<2xi32, #tpu.memory_space<smem>>
          %broadcast_in_dim3A_646 = arith.constant true
          %broadcast_in_dim3A_647 = vector.broadcast %broadcast_in_dim3A_646 : i1 to vector<16xi1>
          %masked_cumsum3A_648 = tpu.scan <sum>, %mul3A_642 masked %broadcast_in_dim3A_647 : vector<16xi32>, vector<16xi1> -> vector<16xi32>
          %add3A_649 = vector.broadcast %get3A_645 : i32 to vector<16xi32>
          %add3A_650 = arith.addi %masked_cumsum3A_648, %add3A_649 : vector<16xi32>
          %gt3A_651 = arith.constant 0 : i32
          %gt3A_652 = vector.broadcast %gt3A_651 : i32 to vector<16xi32>
          %gt3A_653 = arith.cmpi sgt, %convert_element_type3A_598, %gt3A_652 : vector<16xi32>
          %lt3A_654 = arith.constant 16 : i32
          %lt3A_655 = vector.broadcast %lt3A_654 : i32 to vector<16xi32>
          %lt3A_656 = arith.cmpi slt, %add3A_650, %lt3A_655 : vector<16xi32>
          %and3A_657 = arith.andi %gt3A_653, %lt3A_656 : vector<16xi1>
          %jit3A_658 = arith.constant 0 : i64
          %convert_element_type3A_659 = arith.trunci %jit3A_658 : i64 to i32
          %broadcast_in_dim3A_660 = vector.broadcast %convert_element_type3A_659 : i32 to vector<16xi32>
          %select_n3A_661 = arith.select %and3A_657, %add3A_650, %broadcast_in_dim3A_660 : vector<16xi1>, vector<16xi32>
          tpu.vector_store_idx %arg10[%select_n3A_661], %broadcast_in_dim3A_50 {add = true} : memref<16xi32, #tpu.memory_space<vmem>>[vector<16xi32>], vector<16xi32>,
          tpu.vector_store_idx %arg11[%select_n3A_661], %add3A_531 {add = true} : memref<16xi32, #tpu.memory_space<vmem>>[vector<16xi32>], vector<16xi32>,
          %reduce_sum3A_662 = arith.constant true
          %reduce_sum3A_663 = vector.broadcast %reduce_sum3A_662 : i1 to vector<16xi1>
          %reduce_sum3A_664 = tpu.scan <sum>, %mul3A_642 masked %reduce_sum3A_663 : vector<16xi32>, vector<16xi1> -> vector<16xi32>
          %reduce_sum3A_665 = vector.extract %reduce_sum3A_664[15] : i32 from vector<16xi32>
          %add3A_666 = arith.addi %get3A_645, %reduce_sum3A_665 : i32
          %swap3A_667 = arith.constant 1 : i64
          %swap3A_668 = arith.index_cast %swap3A_667 : i64 to index
          %swap3A_669 = memref.load %arg13[%swap3A_668] : memref<2xi32, #tpu.memory_space<smem>>
          memref.store %add3A_666, %arg13[%swap3A_668] : memref<2xi32, #tpu.memory_space<smem>>
        } else {
        }
      }
      %while3A_61 = arith.constant 1 : i32
      scf.for %while3A_363 = %while3A_59 to %while3A_55 step %while3A_61  : i32 {
        %get3A_364 = arith.constant 0 : i64
        %get3A_365 = arith.index_cast %get3A_364 : i64 to index
        %get3A_366 = memref.load %arg13[%get3A_365] : memref<2xi32, #tpu.memory_space<smem>>
        %lt3A_367 = arith.constant 16 : i32
        %lt3A_368 = arith.cmpi slt, %get3A_366, %lt3A_367 : i32
        %get3A_369 = arith.constant 1 : i64
        %get3A_370 = arith.index_cast %get3A_369 : i64 to index
        %get3A_371 = memref.load %arg13[%get3A_370] : memref<2xi32, #tpu.memory_space<smem>>
        %lt3A_372 = arith.constant 16 : i32
        %lt3A_373 = arith.cmpi slt, %get3A_371, %lt3A_372 : i32
        %or3A = arith.ori %lt3A_368, %lt3A_373 : i1
        %convert_element_type3A_374 = arith.extui %or3A : i1 to i32
        %cond3A_375 = arith.constant 0 : i32
        %cond3A_376 = arith.cmpi ne, %convert_element_type3A_374, %cond3A_375 : i32
        scf.if %cond3A_376 {
          %mul3A_377 = arith.constant 2 : i32
          %mul3A_378 = arith.muli %while3A_363, %mul3A_377 : i32
          %add3A_379 = arith.constant 0 : i32
          %add3A_380 = arith.addi %mul3A_378, %add3A_379 : i32
          %mul3A_381 = arith.constant 16 : i32
          %mul3A_382 = arith.muli %add3A_380, %mul3A_381 : i32
          %add3A_383 = vector.broadcast %mul3A_382 : i32 to vector<16xi32>
          %add3A_384 = arith.addi %add3A_383, %iota3A : vector<16xi32>
          %eq3A_385 = arith.constant 0 : i32
          %eq3A_386 = vector.broadcast %eq3A_385 : i32 to vector<16xi32>
          %eq3A_387 = arith.cmpi eq, %iota3A, %eq3A_386 : vector<16xi32>
          %eq3A_388 = arith.constant 0 : i32
          %eq3A_389 = arith.cmpi eq, %while3A_363, %eq3A_388 : i32
          %and3A_390 = vector.broadcast %eq3A_389 : i1 to vector<16xi1>
          %and3A_391 = arith.andi %eq3A_387, %and3A_390 : vector<16xi1>
          %sub3A_392 = arith.constant 1 : i32
          %sub3A_393 = vector.broadcast %sub3A_392 : i32 to vector<16xi32>
          %sub3A_394 = arith.subi %add3A_384, %sub3A_393 : vector<16xi32>
          %max3A_395 = arith.constant 0 : i32
          %max3A_396 = vector.broadcast %max3A_395 : i32 to vector<16xi32>
          %max3A_397 = arith.maxsi %sub3A_394, %max3A_396 : vector<16xi32>
          %shift_right_arithmetic3A = arith.constant 7 : i32
          %shift_right_arithmetic3A_398 = vector.broadcast %shift_right_arithmetic3A : i32 to vector<16xi32>
          %shift_right_arithmetic3A_399 = arith.shrsi %add3A_384, %shift_right_arithmetic3A_398 : vector<16xi32>
          %shift_left3A = arith.constant 8 : i32
          %shift_left3A_400 = vector.broadcast %shift_left3A : i32 to vector<16xi32>
          %shift_left3A_401 = arith.shli %shift_right_arithmetic3A_399, %shift_left3A_400 : vector<16xi32>
          %and3A_402 = arith.constant 127 : i32
          %and3A_403 = vector.broadcast %and3A_402 : i32 to vector<16xi32>
          %and3A_404 = arith.andi %add3A_384, %and3A_403 : vector<16xi32>
          %add3A_405 = arith.addi %shift_left3A_401, %and3A_404 : vector<16xi32>
          %shift_right_arithmetic3A_406 = arith.constant 7 : i32
          %shift_right_arithmetic3A_407 = vector.broadcast %shift_right_arithmetic3A_406 : i32 to vector<16xi32>
          %shift_right_arithmetic3A_408 = arith.shrsi %max3A_397, %shift_right_arithmetic3A_407 : vector<16xi32>
          %shift_left3A_409 = arith.constant 8 : i32
          %shift_left3A_410 = vector.broadcast %shift_left3A_409 : i32 to vector<16xi32>
          %shift_left3A_411 = arith.shli %shift_right_arithmetic3A_408, %shift_left3A_410 : vector<16xi32>
          %and3A_412 = arith.constant 127 : i32
          %and3A_413 = vector.broadcast %and3A_412 : i32 to vector<16xi32>
          %and3A_414 = arith.andi %max3A_397, %and3A_413 : vector<16xi32>
          %add3A_415 = arith.addi %shift_left3A_411, %and3A_414 : vector<16xi32>
          %add3A_416 = arith.constant 128 : i32
          %add3A_417 = vector.broadcast %add3A_416 : i32 to vector<16xi32>
          %add3A_418 = arith.addi %add3A_405, %add3A_417 : vector<16xi32>
          %add3A_419 = arith.constant 128 : i32
          %add3A_420 = vector.broadcast %add3A_419 : i32 to vector<16xi32>
          %add3A_421 = arith.addi %add3A_415, %add3A_420 : vector<16xi32>
          %gather3A_422 = tpu.vector_load_idx %arg5[%broadcast_in_dim3A_32, %add3A_405] : memref<32x512xf32, #tpu.memory_space<vmem>>[vector<16xi32>, vector<16xi32>], vector<16xf32>,
          %gather3A_423 = tpu.vector_load_idx %arg5[%broadcast_in_dim3A_32, %add3A_418] : memref<32x512xf32, #tpu.memory_space<vmem>>[vector<16xi32>, vector<16xi32>], vector<16xf32>,
          %gather3A_424 = tpu.vector_load_idx %arg5[%broadcast_in_dim3A_32, %add3A_415] : memref<32x512xf32, #tpu.memory_space<vmem>>[vector<16xi32>, vector<16xi32>], vector<16xf32>,
          %gather3A_425 = tpu.vector_load_idx %arg5[%broadcast_in_dim3A_32, %add3A_421] : memref<32x512xf32, #tpu.memory_space<vmem>>[vector<16xi32>, vector<16xi32>], vector<16xf32>,
          %min3A_426 = arith.minimumf %gather3A_422, %gather3A_423 : vector<16xf32>
          %lt3A_427 = arith.constant 5.000000e-01 : f32
          %lt3A_428 = vector.broadcast %lt3A_427 : f32 to vector<16xf32>
          %lt3A_429 = arith.cmpf olt, %min3A_426, %lt3A_428 : vector<16xf32>
          %convert_element_type3A_430 = arith.extui %lt3A_429 : vector<16xi1> to vector<16xi32>
          %min3A_431 = arith.minimumf %gather3A_424, %gather3A_425 : vector<16xf32>
          %lt3A_432 = arith.constant 5.000000e-01 : f32
          %lt3A_433 = vector.broadcast %lt3A_432 : f32 to vector<16xf32>
          %lt3A_434 = arith.cmpf olt, %min3A_431, %lt3A_433 : vector<16xf32>
          %convert_element_type3A_435 = arith.extui %lt3A_434 : vector<16xi1> to vector<16xi32>
          %jit3A_436 = arith.constant 0 : i64
          %convert_element_type3A_437 = arith.trunci %jit3A_436 : i64 to i32
          %broadcast_in_dim3A_438 = vector.broadcast %convert_element_type3A_437 : i32 to vector<16xi32>
          %select_n3A_439 = arith.select %and3A_391, %broadcast_in_dim3A_438, %convert_element_type3A_435 : vector<16xi1>, vector<16xi32>
          %add3A_440 = arith.constant 128 : i32
          %add3A_441 = vector.broadcast %add3A_440 : i32 to vector<16xi32>
          %add3A_442 = arith.addi %add3A_405, %add3A_441 : vector<16xi32>
          %add3A_443 = arith.constant 128 : i32
          %add3A_444 = vector.broadcast %add3A_443 : i32 to vector<16xi32>
          %add3A_445 = arith.addi %add3A_415, %add3A_444 : vector<16xi32>
          %gather3A_446 = tpu.vector_load_idx %arg6[%broadcast_in_dim3A_32, %add3A_405] : memref<32x512xf32, #tpu.memory_space<vmem>>[vector<16xi32>, vector<16xi32>], vector<16xf32>,
          %gather3A_447 = tpu.vector_load_idx %arg6[%broadcast_in_dim3A_32, %add3A_442] : memref<32x512xf32, #tpu.memory_space<vmem>>[vector<16xi32>, vector<16xi32>], vector<16xf32>,
          %gather3A_448 = tpu.vector_load_idx %arg6[%broadcast_in_dim3A_32, %add3A_415] : memref<32x512xf32, #tpu.memory_space<vmem>>[vector<16xi32>, vector<16xi32>], vector<16xf32>,
          %gather3A_449 = tpu.vector_load_idx %arg6[%broadcast_in_dim3A_32, %add3A_445] : memref<32x512xf32, #tpu.memory_space<vmem>>[vector<16xi32>, vector<16xi32>], vector<16xf32>,
          %min3A_450 = arith.minimumf %gather3A_446, %gather3A_447 : vector<16xf32>
          %lt3A_451 = arith.constant 5.000000e-01 : f32
          %lt3A_452 = vector.broadcast %lt3A_451 : f32 to vector<16xf32>
          %lt3A_453 = arith.cmpf olt, %min3A_450, %lt3A_452 : vector<16xf32>
          %convert_element_type3A_454 = arith.extui %lt3A_453 : vector<16xi1> to vector<16xi32>
          %min3A_455 = arith.minimumf %gather3A_448, %gather3A_449 : vector<16xf32>
          %lt3A_456 = arith.constant 5.000000e-01 : f32
          %lt3A_457 = vector.broadcast %lt3A_456 : f32 to vector<16xf32>
          %lt3A_458 = arith.cmpf olt, %min3A_455, %lt3A_457 : vector<16xf32>
          %convert_element_type3A_459 = arith.extui %lt3A_458 : vector<16xi1> to vector<16xi32>
          %jit3A_460 = arith.constant 0 : i64
          %convert_element_type3A_461 = arith.trunci %jit3A_460 : i64 to i32
          %broadcast_in_dim3A_462 = vector.broadcast %convert_element_type3A_461 : i32 to vector<16xi32>
          %select_n3A_463 = arith.select %and3A_391, %broadcast_in_dim3A_462, %convert_element_type3A_459 : vector<16xi1>, vector<16xi32>
          %sub3A_464 = arith.constant 1 : i32
          %sub3A_465 = vector.broadcast %sub3A_464 : i32 to vector<16xi32>
          %sub3A_466 = arith.subi %sub3A_465, %select_n3A_439 : vector<16xi32>
          %mul3A_467 = arith.muli %convert_element_type3A_430, %sub3A_466 : vector<16xi32>
          %get3A_468 = arith.constant 0 : i64
          %get3A_469 = arith.index_cast %get3A_468 : i64 to index
          %get3A_470 = memref.load %arg13[%get3A_469] : memref<2xi32, #tpu.memory_space<smem>>
          %broadcast_in_dim3A_471 = arith.constant true
          %broadcast_in_dim3A_472 = vector.broadcast %broadcast_in_dim3A_471 : i1 to vector<16xi1>
          %masked_cumsum3A = tpu.scan <sum>, %mul3A_467 masked %broadcast_in_dim3A_472 : vector<16xi32>, vector<16xi1> -> vector<16xi32>
          %add3A_473 = vector.broadcast %get3A_470 : i32 to vector<16xi32>
          %add3A_474 = arith.addi %masked_cumsum3A, %add3A_473 : vector<16xi32>
          %gt3A_475 = arith.constant 0 : i32
          %gt3A_476 = vector.broadcast %gt3A_475 : i32 to vector<16xi32>
          %gt3A_477 = arith.cmpi sgt, %convert_element_type3A_430, %gt3A_476 : vector<16xi32>
          %lt3A_478 = arith.constant 16 : i32
          %lt3A_479 = vector.broadcast %lt3A_478 : i32 to vector<16xi32>
          %lt3A_480 = arith.cmpi slt, %add3A_474, %lt3A_479 : vector<16xi32>
          %and3A_481 = arith.andi %gt3A_477, %lt3A_480 : vector<16xi1>
          %jit3A_482 = arith.constant 0 : i64
          %convert_element_type3A_483 = arith.trunci %jit3A_482 : i64 to i32
          %broadcast_in_dim3A_484 = vector.broadcast %convert_element_type3A_483 : i32 to vector<16xi32>
          %select_n3A_485 = arith.select %and3A_481, %add3A_474, %broadcast_in_dim3A_484 : vector<16xi1>, vector<16xi32>
          tpu.vector_store_idx %arg8[%select_n3A_485], %broadcast_in_dim3A_50 {add = true} : memref<16xi32, #tpu.memory_space<vmem>>[vector<16xi32>], vector<16xi32>,
          tpu.vector_store_idx %arg9[%select_n3A_485], %add3A_384 {add = true} : memref<16xi32, #tpu.memory_space<vmem>>[vector<16xi32>], vector<16xi32>,
          %reduce_sum3A = arith.constant true
          %reduce_sum3A_486 = vector.broadcast %reduce_sum3A : i1 to vector<16xi1>
          %reduce_sum3A_487 = tpu.scan <sum>, %mul3A_467 masked %reduce_sum3A_486 : vector<16xi32>, vector<16xi1> -> vector<16xi32>
          %reduce_sum3A_488 = vector.extract %reduce_sum3A_487[15] : i32 from vector<16xi32>
          %add3A_489 = arith.addi %get3A_470, %reduce_sum3A_488 : i32
          %swap3A_490 = arith.constant 0 : i64
          %swap3A_491 = arith.index_cast %swap3A_490 : i64 to index
          %swap3A_492 = memref.load %arg13[%swap3A_491] : memref<2xi32, #tpu.memory_space<smem>>
          memref.store %add3A_489, %arg13[%swap3A_491] : memref<2xi32, #tpu.memory_space<smem>>
          %sub3A_493 = arith.constant 1 : i32
          %sub3A_494 = vector.broadcast %sub3A_493 : i32 to vector<16xi32>
          %sub3A_495 = arith.subi %sub3A_494, %select_n3A_463 : vector<16xi32>
          %mul3A_496 = arith.muli %convert_element_type3A_454, %sub3A_495 : vector<16xi32>
          %get3A_497 = arith.constant 1 : i64
          %get3A_498 = arith.index_cast %get3A_497 : i64 to index
          %get3A_499 = memref.load %arg13[%get3A_498] : memref<2xi32, #tpu.memory_space<smem>>
          %broadcast_in_dim3A_500 = arith.constant true
          %broadcast_in_dim3A_501 = vector.broadcast %broadcast_in_dim3A_500 : i1 to vector<16xi1>
          %masked_cumsum3A_502 = tpu.scan <sum>, %mul3A_496 masked %broadcast_in_dim3A_501 : vector<16xi32>, vector<16xi1> -> vector<16xi32>
          %add3A_503 = vector.broadcast %get3A_499 : i32 to vector<16xi32>
          %add3A_504 = arith.addi %masked_cumsum3A_502, %add3A_503 : vector<16xi32>
          %gt3A_505 = arith.constant 0 : i32
          %gt3A_506 = vector.broadcast %gt3A_505 : i32 to vector<16xi32>
          %gt3A_507 = arith.cmpi sgt, %convert_element_type3A_454, %gt3A_506 : vector<16xi32>
          %lt3A_508 = arith.constant 16 : i32
          %lt3A_509 = vector.broadcast %lt3A_508 : i32 to vector<16xi32>
          %lt3A_510 = arith.cmpi slt, %add3A_504, %lt3A_509 : vector<16xi32>
          %and3A_511 = arith.andi %gt3A_507, %lt3A_510 : vector<16xi1>
          %jit3A_512 = arith.constant 0 : i64
          %convert_element_type3A_513 = arith.trunci %jit3A_512 : i64 to i32
          %broadcast_in_dim3A_514 = vector.broadcast %convert_element_type3A_513 : i32 to vector<16xi32>
          %select_n3A_515 = arith.select %and3A_511, %add3A_504, %broadcast_in_dim3A_514 : vector<16xi1>, vector<16xi32>
          tpu.vector_store_idx %arg10[%select_n3A_515], %broadcast_in_dim3A_50 {add = true} : memref<16xi32, #tpu.memory_space<vmem>>[vector<16xi32>], vector<16xi32>,
          tpu.vector_store_idx %arg11[%select_n3A_515], %add3A_384 {add = true} : memref<16xi32, #tpu.memory_space<vmem>>[vector<16xi32>], vector<16xi32>,
          %reduce_sum3A_516 = arith.constant true
          %reduce_sum3A_517 = vector.broadcast %reduce_sum3A_516 : i1 to vector<16xi1>
          %reduce_sum3A_518 = tpu.scan <sum>, %mul3A_496 masked %reduce_sum3A_517 : vector<16xi32>, vector<16xi1> -> vector<16xi32>
          %reduce_sum3A_519 = vector.extract %reduce_sum3A_518[15] : i32 from vector<16xi32>
          %add3A_520 = arith.addi %get3A_499, %reduce_sum3A_519 : i32
          %swap3A_521 = arith.constant 1 : i64
          %swap3A_522 = arith.index_cast %swap3A_521 : i64 to index
          %swap3A_523 = memref.load %arg13[%swap3A_522] : memref<2xi32, #tpu.memory_space<smem>>
          memref.store %add3A_520, %arg13[%swap3A_522] : memref<2xi32, #tpu.memory_space<smem>>
          %mul3A_524 = arith.constant 2 : i32
          %mul3A_525 = arith.muli %while3A_363, %mul3A_524 : i32
          %add3A_526 = arith.constant 1 : i32
          %add3A_527 = arith.addi %mul3A_525, %add3A_526 : i32
          %mul3A_528 = arith.constant 16 : i32
          %mul3A_529 = arith.muli %add3A_527, %mul3A_528 : i32
          %add3A_530 = vector.broadcast %mul3A_529 : i32 to vector<16xi32>
          %add3A_531 = arith.addi %add3A_530, %iota3A : vector<16xi32>
          %broadcast_in_dim3A_532 = arith.constant false
          %broadcast_in_dim3A_533 = vector.broadcast %broadcast_in_dim3A_532 : i1 to vector<16xi1>
          %sub3A_534 = arith.constant 1 : i32
          %sub3A_535 = vector.broadcast %sub3A_534 : i32 to vector<16xi32>
          %sub3A_536 = arith.subi %add3A_531, %sub3A_535 : vector<16xi32>
          %max3A_537 = arith.constant 0 : i32
          %max3A_538 = vector.broadcast %max3A_537 : i32 to vector<16xi32>
          %max3A_539 = arith.maxsi %sub3A_536, %max3A_538 : vector<16xi32>
          %shift_right_arithmetic3A_540 = arith.constant 7 : i32
          %shift_right_arithmetic3A_541 = vector.broadcast %shift_right_arithmetic3A_540 : i32 to vector<16xi32>
          %shift_right_arithmetic3A_542 = arith.shrsi %add3A_531, %shift_right_arithmetic3A_541 : vector<16xi32>
          %shift_left3A_543 = arith.constant 8 : i32
          %shift_left3A_544 = vector.broadcast %shift_left3A_543 : i32 to vector<16xi32>
          %shift_left3A_545 = arith.shli %shift_right_arithmetic3A_542, %shift_left3A_544 : vector<16xi32>
          %and3A_546 = arith.constant 127 : i32
          %and3A_547 = vector.broadcast %and3A_546 : i32 to vector<16xi32>
          %and3A_548 = arith.andi %add3A_531, %and3A_547 : vector<16xi32>
          %add3A_549 = arith.addi %shift_left3A_545, %and3A_548 : vector<16xi32>
          %shift_right_arithmetic3A_550 = arith.constant 7 : i32
          %shift_right_arithmetic3A_551 = vector.broadcast %shift_right_arithmetic3A_550 : i32 to vector<16xi32>
          %shift_right_arithmetic3A_552 = arith.shrsi %max3A_539, %shift_right_arithmetic3A_551 : vector<16xi32>
          %shift_left3A_553 = arith.constant 8 : i32
          %shift_left3A_554 = vector.broadcast %shift_left3A_553 : i32 to vector<16xi32>
          %shift_left3A_555 = arith.shli %shift_right_arithmetic3A_552, %shift_left3A_554 : vector<16xi32>
          %and3A_556 = arith.constant 127 : i32
          %and3A_557 = vector.broadcast %and3A_556 : i32 to vector<16xi32>
          %and3A_558 = arith.andi %max3A_539, %and3A_557 : vector<16xi32>
          %add3A_559 = arith.addi %shift_left3A_555, %and3A_558 : vector<16xi32>
          %add3A_560 = arith.constant 128 : i32
          %add3A_561 = vector.broadcast %add3A_560 : i32 to vector<16xi32>
          %add3A_562 = arith.addi %add3A_549, %add3A_561 : vector<16xi32>
          %add3A_563 = arith.constant 128 : i32
          %add3A_564 = vector.broadcast %add3A_563 : i32 to vector<16xi32>
          %add3A_565 = arith.addi %add3A_559, %add3A_564 : vector<16xi32>
          %gather3A_566 = tpu.vector_load_idx %arg5[%broadcast_in_dim3A_32, %add3A_549] : memref<32x512xf32, #tpu.memory_space<vmem>>[vector<16xi32>, vector<16xi32>], vector<16xf32>,
          %gather3A_567 = tpu.vector_load_idx %arg5[%broadcast_in_dim3A_32, %add3A_562] : memref<32x512xf32, #tpu.memory_space<vmem>>[vector<16xi32>, vector<16xi32>], vector<16xf32>,
          %gather3A_568 = tpu.vector_load_idx %arg5[%broadcast_in_dim3A_32, %add3A_559] : memref<32x512xf32, #tpu.memory_space<vmem>>[vector<16xi32>, vector<16xi32>], vector<16xf32>,
          %gather3A_569 = tpu.vector_load_idx %arg5[%broadcast_in_dim3A_32, %add3A_565] : memref<32x512xf32, #tpu.memory_space<vmem>>[vector<16xi32>, vector<16xi32>], vector<16xf32>,
          %min3A_570 = arith.minimumf %gather3A_566, %gather3A_567 : vector<16xf32>
          %lt3A_571 = arith.constant 5.000000e-01 : f32
          %lt3A_572 = vector.broadcast %lt3A_571 : f32 to vector<16xf32>
          %lt3A_573 = arith.cmpf olt, %min3A_570, %lt3A_572 : vector<16xf32>
          %convert_element_type3A_574 = arith.extui %lt3A_573 : vector<16xi1> to vector<16xi32>
          %min3A_575 = arith.minimumf %gather3A_568, %gather3A_569 : vector<16xf32>
          %lt3A_576 = arith.constant 5.000000e-01 : f32
          %lt3A_577 = vector.broadcast %lt3A_576 : f32 to vector<16xf32>
          %lt3A_578 = arith.cmpf olt, %min3A_575, %lt3A_577 : vector<16xf32>
          %convert_element_type3A_579 = arith.extui %lt3A_578 : vector<16xi1> to vector<16xi32>
          %jit3A_580 = arith.constant 0 : i64
          %convert_element_type3A_581 = arith.trunci %jit3A_580 : i64 to i32
          %broadcast_in_dim3A_582 = vector.broadcast %convert_element_type3A_581 : i32 to vector<16xi32>
          %select_n3A_583 = arith.select %broadcast_in_dim3A_533, %broadcast_in_dim3A_582, %convert_element_type3A_579 : vector<16xi1>, vector<16xi32>
          %add3A_584 = arith.constant 128 : i32
          %add3A_585 = vector.broadcast %add3A_584 : i32 to vector<16xi32>
          %add3A_586 = arith.addi %add3A_549, %add3A_585 : vector<16xi32>
          %add3A_587 = arith.constant 128 : i32
          %add3A_588 = vector.broadcast %add3A_587 : i32 to vector<16xi32>
          %add3A_589 = arith.addi %add3A_559, %add3A_588 : vector<16xi32>
          %gather3A_590 = tpu.vector_load_idx %arg6[%broadcast_in_dim3A_32, %add3A_549] : memref<32x512xf32, #tpu.memory_space<vmem>>[vector<16xi32>, vector<16xi32>], vector<16xf32>,
          %gather3A_591 = tpu.vector_load_idx %arg6[%broadcast_in_dim3A_32, %add3A_586] : memref<32x512xf32, #tpu.memory_space<vmem>>[vector<16xi32>, vector<16xi32>], vector<16xf32>,
          %gather3A_592 = tpu.vector_load_idx %arg6[%broadcast_in_dim3A_32, %add3A_559] : memref<32x512xf32, #tpu.memory_space<vmem>>[vector<16xi32>, vector<16xi32>], vector<16xf32>,
          %gather3A_593 = tpu.vector_load_idx %arg6[%broadcast_in_dim3A_32, %add3A_589] : memref<32x512xf32, #tpu.memory_space<vmem>>[vector<16xi32>, vector<16xi32>], vector<16xf32>,
          %min3A_594 = arith.minimumf %gather3A_590, %gather3A_591 : vector<16xf32>
          %lt3A_595 = arith.constant 5.000000e-01 : f32
          %lt3A_596 = vector.broadcast %lt3A_595 : f32 to vector<16xf32>
          %lt3A_597 = arith.cmpf olt, %min3A_594, %lt3A_596 : vector<16xf32>
          %convert_element_type3A_598 = arith.extui %lt3A_597 : vector<16xi1> to vector<16xi32>
          %min3A_599 = arith.minimumf %gather3A_592, %gather3A_593 : vector<16xf32>
          %lt3A_600 = arith.constant 5.000000e-01 : f32
          %lt3A_601 = vector.broadcast %lt3A_600 : f32 to vector<16xf32>
          %lt3A_602 = arith.cmpf olt, %min3A_599, %lt3A_601 : vector<16xf32>
          %convert_element_type3A_603 = arith.extui %lt3A_602 : vector<16xi1> to vector<16xi32>
          %jit3A_604 = arith.constant 0 : i64
          %convert_element_type3A_605 = arith.trunci %jit3A_604 : i64 to i32
          %broadcast_in_dim3A_606 = vector.broadcast %convert_element_type3A_605 : i32 to vector<16xi32>
          %select_n3A_607 = arith.select %broadcast_in_dim3A_533, %broadcast_in_dim3A_606, %convert_element_type3A_603 : vector<16xi1>, vector<16xi32>
          %sub3A_608 = arith.constant 1 : i32
          %sub3A_609 = vector.broadcast %sub3A_608 : i32 to vector<16xi32>
          %sub3A_610 = arith.subi %sub3A_609, %select_n3A_583 : vector<16xi32>
          %mul3A_611 = arith.muli %convert_element_type3A_574, %sub3A_610 : vector<16xi32>
          %get3A_612 = arith.constant 0 : i64
          %get3A_613 = arith.index_cast %get3A_612 : i64 to index
          %get3A_614 = memref.load %arg13[%get3A_613] : memref<2xi32, #tpu.memory_space<smem>>
          %broadcast_in_dim3A_615 = arith.constant true
          %broadcast_in_dim3A_616 = vector.broadcast %broadcast_in_dim3A_615 : i1 to vector<16xi1>
          %masked_cumsum3A_617 = tpu.scan <sum>, %mul3A_611 masked %broadcast_in_dim3A_616 : vector<16xi32>, vector<16xi1> -> vector<16xi32>
          %add3A_618 = vector.broadcast %get3A_614 : i32 to vector<16xi32>
          %add3A_619 = arith.addi %masked_cumsum3A_617, %add3A_618 : vector<16xi32>
          %gt3A_620 = arith.constant 0 : i32
          %gt3A_621 = vector.broadcast %gt3A_620 : i32 to vector<16xi32>
          %gt3A_622 = arith.cmpi sgt, %convert_element_type3A_574, %gt3A_621 : vector<16xi32>
          %lt3A_623 = arith.constant 16 : i32
          %lt3A_624 = vector.broadcast %lt3A_623 : i32 to vector<16xi32>
          %lt3A_625 = arith.cmpi slt, %add3A_619, %lt3A_624 : vector<16xi32>
          %and3A_626 = arith.andi %gt3A_622, %lt3A_625 : vector<16xi1>
          %jit3A_627 = arith.constant 0 : i64
          %convert_element_type3A_628 = arith.trunci %jit3A_627 : i64 to i32
          %broadcast_in_dim3A_629 = vector.broadcast %convert_element_type3A_628 : i32 to vector<16xi32>
          %select_n3A_630 = arith.select %and3A_626, %add3A_619, %broadcast_in_dim3A_629 : vector<16xi1>, vector<16xi32>
          tpu.vector_store_idx %arg8[%select_n3A_630], %broadcast_in_dim3A_50 {add = true} : memref<16xi32, #tpu.memory_space<vmem>>[vector<16xi32>], vector<16xi32>,
          tpu.vector_store_idx %arg9[%select_n3A_630], %add3A_531 {add = true} : memref<16xi32, #tpu.memory_space<vmem>>[vector<16xi32>], vector<16xi32>,
          %reduce_sum3A_631 = arith.constant true
          %reduce_sum3A_632 = vector.broadcast %reduce_sum3A_631 : i1 to vector<16xi1>
          %reduce_sum3A_633 = tpu.scan <sum>, %mul3A_611 masked %reduce_sum3A_632 : vector<16xi32>, vector<16xi1> -> vector<16xi32>
          %reduce_sum3A_634 = vector.extract %reduce_sum3A_633[15] : i32 from vector<16xi32>
          %add3A_635 = arith.addi %get3A_614, %reduce_sum3A_634 : i32
          %swap3A_636 = arith.constant 0 : i64
          %swap3A_637 = arith.index_cast %swap3A_636 : i64 to index
          %swap3A_638 = memref.load %arg13[%swap3A_637] : memref<2xi32, #tpu.memory_space<smem>>
          memref.store %add3A_635, %arg13[%swap3A_637] : memref<2xi32, #tpu.memory_space<smem>>
          %sub3A_639 = arith.constant 1 : i32
          %sub3A_640 = vector.broadcast %sub3A_639 : i32 to vector<16xi32>
          %sub3A_641 = arith.subi %sub3A_640, %select_n3A_607 : vector<16xi32>
          %mul3A_642 = arith.muli %convert_element_type3A_598, %sub3A_641 : vector<16xi32>
          %get3A_643 = arith.constant 1 : i64
          %get3A_644 = arith.index_cast %get3A_643 : i64 to index
          %get3A_645 = memref.load %arg13[%get3A_644] : memref<2xi32, #tpu.memory_space<smem>>
          %broadcast_in_dim3A_646 = arith.constant true
          %broadcast_in_dim3A_647 = vector.broadcast %broadcast_in_dim3A_646 : i1 to vector<16xi1>
          %masked_cumsum3A_648 = tpu.scan <sum>, %mul3A_642 masked %broadcast_in_dim3A_647 : vector<16xi32>, vector<16xi1> -> vector<16xi32>
          %add3A_649 = vector.broadcast %get3A_645 : i32 to vector<16xi32>
          %add3A_650 = arith.addi %masked_cumsum3A_648, %add3A_649 : vector<16xi32>
          %gt3A_651 = arith.constant 0 : i32
          %gt3A_652 = vector.broadcast %gt3A_651 : i32 to vector<16xi32>
          %gt3A_653 = arith.cmpi sgt, %convert_element_type3A_598, %gt3A_652 : vector<16xi32>
          %lt3A_654 = arith.constant 16 : i32
          %lt3A_655 = vector.broadcast %lt3A_654 : i32 to vector<16xi32>
          %lt3A_656 = arith.cmpi slt, %add3A_650, %lt3A_655 : vector<16xi32>
          %and3A_657 = arith.andi %gt3A_653, %lt3A_656 : vector<16xi1>
          %jit3A_658 = arith.constant 0 : i64
          %convert_element_type3A_659 = arith.trunci %jit3A_658 : i64 to i32
          %broadcast_in_dim3A_660 = vector.broadcast %convert_element_type3A_659 : i32 to vector<16xi32>
          %select_n3A_661 = arith.select %and3A_657, %add3A_650, %broadcast_in_dim3A_660 : vector<16xi1>, vector<16xi32>
          tpu.vector_store_idx %arg10[%select_n3A_661], %broadcast_in_dim3A_50 {add = true} : memref<16xi32, #tpu.memory_space<vmem>>[vector<16xi32>], vector<16xi32>,
          tpu.vector_store_idx %arg11[%select_n3A_661], %add3A_531 {add = true} : memref<16xi32, #tpu.memory_space<vmem>>[vector<16xi32>], vector<16xi32>,
          %reduce_sum3A_662 = arith.constant true
          %reduce_sum3A_663 = vector.broadcast %reduce_sum3A_662 : i1 to vector<16xi1>
          %reduce_sum3A_664 = tpu.scan <sum>, %mul3A_642 masked %reduce_sum3A_663 : vector<16xi32>, vector<16xi1> -> vector<16xi32>
          %reduce_sum3A_665 = vector.extract %reduce_sum3A_664[15] : i32 from vector<16xi32>
          %add3A_666 = arith.addi %get3A_645, %reduce_sum3A_665 : i32
          %swap3A_667 = arith.constant 1 : i64
          %swap3A_668 = arith.index_cast %swap3A_667 : i64 to index
          %swap3A_669 = memref.load %arg13[%swap3A_668] : memref<2xi32, #tpu.memory_space<smem>>
          memref.store %add3A_666, %arg13[%swap3A_668] : memref<2xi32, #tpu.memory_space<smem>>
        } else {
        }
      }
      %get3A = arith.constant 0 : i64
      %get3A_62 = arith.index_cast %get3A : i64 to index
      %get3A_63 = memref.load %arg13[%get3A_62] : memref<2xi32, #tpu.memory_space<smem>>
      %lt3A = arith.constant 16 : i32
      %lt3A_64 = arith.cmpi slt, %get3A_63, %lt3A : i32
      %convert_element_type3A = arith.extui %lt3A_64 : i1 to i32
      %cond3A = arith.constant 0 : i32
      %cond3A_65 = arith.cmpi ne, %convert_element_type3A, %cond3A : i32
      scf.if %cond3A_65 {
        %add3A_363 = arith.addi %mul3A_2, %while3A_31 : i32
        "tpu.region"() ({
          %run_scoped3A = tpu.sem_alloc : memref<!tpu.dma_semaphore, #tpu.memory_space<semaphore_mem>>
          %dma_start3A_385 = arith.constant 0 : i32
          %dma_start3A_386 = tpu.memref_slice %arg2[%add3A_363, %dma_start3A_385] : memref<1024x8192xf32, #tpu.memory_space<hbm>> -> memref<1x8192xf32, #tpu.memory_space<hbm>>
          %dma_start3A_387 = tpu.memref_squeeze %dma_start3A_386 : memref<1x8192xf32, #tpu.memory_space<hbm>> -> memref<8192xf32, #tpu.memory_space<hbm>>
          %dma_start3A_388 = arith.constant 0 : i32
          %dma_start3A_389 = tpu.memref_slice %arg2[%add3A_363, %dma_start3A_388] : memref<1024x8192xf32, #tpu.memory_space<hbm>> -> memref<1x8192xf32, #tpu.memory_space<hbm>>
          %dma_start3A_390 = tpu.memref_squeeze %dma_start3A_389 : memref<1x8192xf32, #tpu.memory_space<hbm>> -> memref<8192xf32, #tpu.memory_space<hbm>>
          tpu.enqueue_dma source(%dma_start3A_390 : memref<8192xf32, #tpu.memory_space<hbm>>) target(%arg7 : memref<8192xf32, #tpu.memory_space<vmem>>) target_semaphore(%run_scoped3A : memref<!tpu.dma_semaphore, #tpu.memory_space<semaphore_mem>>)
          %dma_wait3A_391 = arith.constant 0 : i32
          %dma_wait3A_392 = tpu.memref_slice %arg2[%add3A_363, %dma_wait3A_391] : memref<1024x8192xf32, #tpu.memory_space<hbm>> -> memref<1x8192xf32, #tpu.memory_space<hbm>>
          %dma_wait3A_393 = tpu.memref_squeeze %dma_wait3A_392 : memref<1x8192xf32, #tpu.memory_space<hbm>> -> memref<8192xf32, #tpu.memory_space<hbm>>
          %dma_wait3A_394 = arith.constant 0 : i32
          %dma_wait3A_395 = tpu.memref_slice %arg2[%add3A_363, %dma_wait3A_394] : memref<1024x8192xf32, #tpu.memory_space<hbm>> -> memref<1x8192xf32, #tpu.memory_space<hbm>>
          %dma_wait3A_396 = tpu.memref_squeeze %dma_wait3A_395 : memref<1x8192xf32, #tpu.memory_space<hbm>> -> memref<8192xf32, #tpu.memory_space<hbm>>
          tpu.wait_dma2 semaphore(%run_scoped3A : memref<!tpu.dma_semaphore, #tpu.memory_space<semaphore_mem>>) src(%dma_wait3A_396 : memref<8192xf32, #tpu.memory_space<hbm>>) dst(%arg7 : memref<8192xf32, #tpu.memory_space<vmem>>)
          tpu.yield
        }) : () -> ()
        %swap3A_364 = arith.constant 0 : index
        %swap3A_365 = tpu.vector_load %arg8[%swap3A_364] {strides = array<i32>} : memref<16xi32, #tpu.memory_space<vmem>>, vector<16xi32>,
        tpu.vector_store %arg8[%swap3A_364], %broadcast_in_dim3A_3 {strides = array<i32>} : memref<16xi32, #tpu.memory_space<vmem>>, vector<16xi32>,
        %swap3A_366 = arith.constant 0 : index
        %swap3A_367 = tpu.vector_load %arg9[%swap3A_366] {strides = array<i32>} : memref<16xi32, #tpu.memory_space<vmem>>, vector<16xi32>,
        tpu.vector_store %arg9[%swap3A_366], %broadcast_in_dim3A_3 {strides = array<i32>} : memref<16xi32, #tpu.memory_space<vmem>>, vector<16xi32>,
        %swap3A_368 = arith.constant 0 : i32
        %swap3A_369 = arith.constant 0 : i64
        %swap3A_370 = arith.index_cast %swap3A_369 : i64 to index
        %swap3A_371 = memref.load %arg13[%swap3A_370] : memref<2xi32, #tpu.memory_space<smem>>
        memref.store %swap3A_368, %arg13[%swap3A_370] : memref<2xi32, #tpu.memory_space<smem>>
        %broadcast_in_dim3A_372 = arith.constant 1 : i32
        %broadcast_in_dim3A_373 = vector.broadcast %broadcast_in_dim3A_372 : i32 to vector<16xi32>
        %while3A_374 = arith.constant 0 : i32
        %while3A_375 = arith.constant 0 : i32
        %while3A_376 = arith.constant 256 : i32
        %while3A_377 = arith.subi %while3A_376, %while3A_375 : i32
        %while3A_378 = arith.addi %while3A_375, %while3A_377 : i32
        %while3A_379 = arith.constant 1 : i32
        %while3A_380 = arith.divsi %while3A_377, %while3A_379 : i32
        %while3A_381 = arith.muli %while3A_380, %while3A_379 : i32
        %while3A_382 = arith.addi %while3A_375, %while3A_381 : i32
        %while3A_383 = arith.constant 1 : i32
        scf.for %while3A_385 = %while3A_375 to %while3A_382 step %while3A_383  : i32 {
          %get3A_386 = arith.constant 0 : i64
          %get3A_387 = arith.index_cast %get3A_386 : i64 to index
          %get3A_388 = memref.load %arg13[%get3A_387] : memref<2xi32, #tpu.memory_space<smem>>
          %lt3A_389 = arith.constant 16 : i32
          %lt3A_390 = arith.cmpi slt, %get3A_388, %lt3A_389 : i32
          %convert_element_type3A_391 = arith.extui %lt3A_390 : i1 to i32
          %cond3A_392 = arith.constant 0 : i32
          %cond3A_393 = arith.cmpi ne, %convert_element_type3A_391, %cond3A_392 : i32
          scf.if %cond3A_393 {
            %mul3A_394 = arith.constant 16 : i32
            %mul3A_395 = arith.muli %while3A_385, %mul3A_394 : i32
            %add3A_396 = vector.broadcast %mul3A_395 : i32 to vector<16xi32>
            %add3A_397 = arith.addi %add3A_396, %iota3A : vector<16xi32>
            %sub3A_398 = arith.constant 1 : i32
            %sub3A_399 = vector.broadcast %sub3A_398 : i32 to vector<16xi32>
            %sub3A_400 = arith.subi %add3A_397, %sub3A_399 : vector<16xi32>
            %max3A_401 = arith.constant 0 : i32
            %max3A_402 = vector.broadcast %max3A_401 : i32 to vector<16xi32>
            %max3A_403 = arith.maxsi %sub3A_400, %max3A_402 : vector<16xi32>
            %shift_right_arithmetic3A = arith.constant 7 : i32
            %shift_right_arithmetic3A_404 = vector.broadcast %shift_right_arithmetic3A : i32 to vector<16xi32>
            %shift_right_arithmetic3A_405 = arith.shrsi %add3A_397, %shift_right_arithmetic3A_404 : vector<16xi32>
            %shift_left3A = arith.constant 8 : i32
            %shift_left3A_406 = vector.broadcast %shift_left3A : i32 to vector<16xi32>
            %shift_left3A_407 = arith.shli %shift_right_arithmetic3A_405, %shift_left3A_406 : vector<16xi32>
            %and3A_408 = arith.constant 127 : i32
            %and3A_409 = vector.broadcast %and3A_408 : i32 to vector<16xi32>
            %and3A_410 = arith.andi %add3A_397, %and3A_409 : vector<16xi32>
            %add3A_411 = arith.addi %shift_left3A_407, %and3A_410 : vector<16xi32>
            %shift_right_arithmetic3A_412 = arith.constant 7 : i32
            %shift_right_arithmetic3A_413 = vector.broadcast %shift_right_arithmetic3A_412 : i32 to vector<16xi32>
            %shift_right_arithmetic3A_414 = arith.shrsi %max3A_403, %shift_right_arithmetic3A_413 : vector<16xi32>
            %shift_left3A_415 = arith.constant 8 : i32
            %shift_left3A_416 = vector.broadcast %shift_left3A_415 : i32 to vector<16xi32>
            %shift_left3A_417 = arith.shli %shift_right_arithmetic3A_414, %shift_left3A_416 : vector<16xi32>
            %and3A_418 = arith.constant 127 : i32
            %and3A_419 = vector.broadcast %and3A_418 : i32 to vector<16xi32>
            %and3A_420 = arith.andi %max3A_403, %and3A_419 : vector<16xi32>
            %add3A_421 = arith.addi %shift_left3A_417, %and3A_420 : vector<16xi32>
            %add3A_422 = arith.constant 128 : i32
            %add3A_423 = vector.broadcast %add3A_422 : i32 to vector<16xi32>
            %add3A_424 = arith.addi %add3A_411, %add3A_423 : vector<16xi32>
            %add3A_425 = arith.constant 128 : i32
            %add3A_426 = vector.broadcast %add3A_425 : i32 to vector<16xi32>
            %add3A_427 = arith.addi %add3A_421, %add3A_426 : vector<16xi32>
            %gather3A_428 = tpu.vector_load_idx %arg7[%add3A_411] : memref<8192xf32, #tpu.memory_space<vmem>>[vector<16xi32>], vector<16xf32>,
            %gather3A_429 = tpu.vector_load_idx %arg7[%add3A_424] : memref<8192xf32, #tpu.memory_space<vmem>>[vector<16xi32>], vector<16xf32>,
            %gather3A_430 = tpu.vector_load_idx %arg7[%add3A_421] : memref<8192xf32, #tpu.memory_space<vmem>>[vector<16xi32>], vector<16xf32>,
            %gather3A_431 = tpu.vector_load_idx %arg7[%add3A_427] : memref<8192xf32, #tpu.memory_space<vmem>>[vector<16xi32>], vector<16xf32>,
            %min3A_432 = arith.minimumf %gather3A_428, %gather3A_429 : vector<16xf32>
            %lt3A_433 = arith.constant 5.000000e-01 : f32
            %lt3A_434 = vector.broadcast %lt3A_433 : f32 to vector<16xf32>
            %lt3A_435 = arith.cmpf olt, %min3A_432, %lt3A_434 : vector<16xf32>
            %convert_element_type3A_436 = arith.extui %lt3A_435 : vector<16xi1> to vector<16xi32>
            %min3A_437 = arith.minimumf %gather3A_430, %gather3A_431 : vector<16xf32>
            %lt3A_438 = arith.constant 5.000000e-01 : f32
            %lt3A_439 = vector.broadcast %lt3A_438 : f32 to vector<16xf32>
            %lt3A_440 = arith.cmpf olt, %min3A_437, %lt3A_439 : vector<16xf32>
            %convert_element_type3A_441 = arith.extui %lt3A_440 : vector<16xi1> to vector<16xi32>
            %eq3A_442 = arith.constant 0 : i32
            %eq3A_443 = vector.broadcast %eq3A_442 : i32 to vector<16xi32>
            %eq3A_444 = arith.cmpi eq, %iota3A, %eq3A_443 : vector<16xi32>
            %eq3A_445 = arith.constant 0 : i32
            %eq3A_446 = arith.cmpi eq, %while3A_385, %eq3A_445 : i32
            %and3A_447 = vector.broadcast %eq3A_446 : i1 to vector<16xi1>
            %and3A_448 = arith.andi %eq3A_444, %and3A_447 : vector<16xi1>
            %jit3A_449 = arith.constant 0 : i64
            %convert_element_type3A_450 = arith.trunci %jit3A_449 : i64 to i32
            %broadcast_in_dim3A_451 = vector.broadcast %convert_element_type3A_450 : i32 to vector<16xi32>
            %select_n3A_452 = arith.select %and3A_448, %broadcast_in_dim3A_451, %convert_element_type3A_441 : vector<16xi1>, vector<16xi32>
            %sub3A_453 = arith.constant 1 : i32
            %sub3A_454 = vector.broadcast %sub3A_453 : i32 to vector<16xi32>
            %sub3A_455 = arith.subi %sub3A_454, %select_n3A_452 : vector<16xi32>
            %mul3A_456 = arith.muli %convert_element_type3A_436, %sub3A_455 : vector<16xi32>
            %get3A_457 = arith.constant 0 : i64
            %get3A_458 = arith.index_cast %get3A_457 : i64 to index
            %get3A_459 = memref.load %arg13[%get3A_458] : memref<2xi32, #tpu.memory_space<smem>>
            %broadcast_in_dim3A_460 = arith.constant true
            %broadcast_in_dim3A_461 = vector.broadcast %broadcast_in_dim3A_460 : i1 to vector<16xi1>
            %masked_cumsum3A = tpu.scan <sum>, %mul3A_456 masked %broadcast_in_dim3A_461 : vector<16xi32>, vector<16xi1> -> vector<16xi32>
            %add3A_462 = vector.broadcast %get3A_459 : i32 to vector<16xi32>
            %add3A_463 = arith.addi %masked_cumsum3A, %add3A_462 : vector<16xi32>
            %gt3A_464 = arith.constant 0 : i32
            %gt3A_465 = vector.broadcast %gt3A_464 : i32 to vector<16xi32>
            %gt3A_466 = arith.cmpi sgt, %convert_element_type3A_436, %gt3A_465 : vector<16xi32>
            %lt3A_467 = arith.constant 16 : i32
            %lt3A_468 = vector.broadcast %lt3A_467 : i32 to vector<16xi32>
            %lt3A_469 = arith.cmpi slt, %add3A_463, %lt3A_468 : vector<16xi32>
            %and3A_470 = arith.andi %gt3A_466, %lt3A_469 : vector<16xi1>
            %jit3A_471 = arith.constant 0 : i64
            %convert_element_type3A_472 = arith.trunci %jit3A_471 : i64 to i32
            %broadcast_in_dim3A_473 = vector.broadcast %convert_element_type3A_472 : i32 to vector<16xi32>
            %select_n3A_474 = arith.select %and3A_470, %add3A_463, %broadcast_in_dim3A_473 : vector<16xi1>, vector<16xi32>
            tpu.vector_store_idx %arg8[%select_n3A_474], %broadcast_in_dim3A_373 {add = true} : memref<16xi32, #tpu.memory_space<vmem>>[vector<16xi32>], vector<16xi32>,
            tpu.vector_store_idx %arg9[%select_n3A_474], %add3A_397 {add = true} : memref<16xi32, #tpu.memory_space<vmem>>[vector<16xi32>], vector<16xi32>,
            %reduce_sum3A = arith.constant true
            %reduce_sum3A_475 = vector.broadcast %reduce_sum3A : i1 to vector<16xi1>
            %reduce_sum3A_476 = tpu.scan <sum>, %mul3A_456 masked %reduce_sum3A_475 : vector<16xi32>, vector<16xi1> -> vector<16xi32>
            %reduce_sum3A_477 = vector.extract %reduce_sum3A_476[15] : i32 from vector<16xi32>
            %add3A_478 = arith.addi %get3A_459, %reduce_sum3A_477 : i32
            %swap3A_479 = arith.constant 0 : i64
            %swap3A_480 = arith.index_cast %swap3A_479 : i64 to index
            %swap3A_481 = memref.load %arg13[%swap3A_480] : memref<2xi32, #tpu.memory_space<smem>>
            memref.store %add3A_478, %arg13[%swap3A_480] : memref<2xi32, #tpu.memory_space<smem>>
          } else {
          }
        }
        %while3A_384 = arith.constant 1 : i32
        scf.for %while3A_385 = %while3A_382 to %while3A_378 step %while3A_384  : i32 {
          %get3A_386 = arith.constant 0 : i64
          %get3A_387 = arith.index_cast %get3A_386 : i64 to index
          %get3A_388 = memref.load %arg13[%get3A_387] : memref<2xi32, #tpu.memory_space<smem>>
          %lt3A_389 = arith.constant 16 : i32
          %lt3A_390 = arith.cmpi slt, %get3A_388, %lt3A_389 : i32
          %convert_element_type3A_391 = arith.extui %lt3A_390 : i1 to i32
          %cond3A_392 = arith.constant 0 : i32
          %cond3A_393 = arith.cmpi ne, %convert_element_type3A_391, %cond3A_392 : i32
          scf.if %cond3A_393 {
            %mul3A_394 = arith.constant 16 : i32
            %mul3A_395 = arith.muli %while3A_385, %mul3A_394 : i32
            %add3A_396 = vector.broadcast %mul3A_395 : i32 to vector<16xi32>
            %add3A_397 = arith.addi %add3A_396, %iota3A : vector<16xi32>
            %sub3A_398 = arith.constant 1 : i32
            %sub3A_399 = vector.broadcast %sub3A_398 : i32 to vector<16xi32>
            %sub3A_400 = arith.subi %add3A_397, %sub3A_399 : vector<16xi32>
            %max3A_401 = arith.constant 0 : i32
            %max3A_402 = vector.broadcast %max3A_401 : i32 to vector<16xi32>
            %max3A_403 = arith.maxsi %sub3A_400, %max3A_402 : vector<16xi32>
            %shift_right_arithmetic3A = arith.constant 7 : i32
            %shift_right_arithmetic3A_404 = vector.broadcast %shift_right_arithmetic3A : i32 to vector<16xi32>
            %shift_right_arithmetic3A_405 = arith.shrsi %add3A_397, %shift_right_arithmetic3A_404 : vector<16xi32>
            %shift_left3A = arith.constant 8 : i32
            %shift_left3A_406 = vector.broadcast %shift_left3A : i32 to vector<16xi32>
            %shift_left3A_407 = arith.shli %shift_right_arithmetic3A_405, %shift_left3A_406 : vector<16xi32>
            %and3A_408 = arith.constant 127 : i32
            %and3A_409 = vector.broadcast %and3A_408 : i32 to vector<16xi32>
            %and3A_410 = arith.andi %add3A_397, %and3A_409 : vector<16xi32>
            %add3A_411 = arith.addi %shift_left3A_407, %and3A_410 : vector<16xi32>
            %shift_right_arithmetic3A_412 = arith.constant 7 : i32
            %shift_right_arithmetic3A_413 = vector.broadcast %shift_right_arithmetic3A_412 : i32 to vector<16xi32>
            %shift_right_arithmetic3A_414 = arith.shrsi %max3A_403, %shift_right_arithmetic3A_413 : vector<16xi32>
            %shift_left3A_415 = arith.constant 8 : i32
            %shift_left3A_416 = vector.broadcast %shift_left3A_415 : i32 to vector<16xi32>
            %shift_left3A_417 = arith.shli %shift_right_arithmetic3A_414, %shift_left3A_416 : vector<16xi32>
            %and3A_418 = arith.constant 127 : i32
            %and3A_419 = vector.broadcast %and3A_418 : i32 to vector<16xi32>
            %and3A_420 = arith.andi %max3A_403, %and3A_419 : vector<16xi32>
            %add3A_421 = arith.addi %shift_left3A_417, %and3A_420 : vector<16xi32>
            %add3A_422 = arith.constant 128 : i32
            %add3A_423 = vector.broadcast %add3A_422 : i32 to vector<16xi32>
            %add3A_424 = arith.addi %add3A_411, %add3A_423 : vector<16xi32>
            %add3A_425 = arith.constant 128 : i32
            %add3A_426 = vector.broadcast %add3A_425 : i32 to vector<16xi32>
            %add3A_427 = arith.addi %add3A_421, %add3A_426 : vector<16xi32>
            %gather3A_428 = tpu.vector_load_idx %arg7[%add3A_411] : memref<8192xf32, #tpu.memory_space<vmem>>[vector<16xi32>], vector<16xf32>,
            %gather3A_429 = tpu.vector_load_idx %arg7[%add3A_424] : memref<8192xf32, #tpu.memory_space<vmem>>[vector<16xi32>], vector<16xf32>,
            %gather3A_430 = tpu.vector_load_idx %arg7[%add3A_421] : memref<8192xf32, #tpu.memory_space<vmem>>[vector<16xi32>], vector<16xf32>,
            %gather3A_431 = tpu.vector_load_idx %arg7[%add3A_427] : memref<8192xf32, #tpu.memory_space<vmem>>[vector<16xi32>], vector<16xf32>,
            %min3A_432 = arith.minimumf %gather3A_428, %gather3A_429 : vector<16xf32>
            %lt3A_433 = arith.constant 5.000000e-01 : f32
            %lt3A_434 = vector.broadcast %lt3A_433 : f32 to vector<16xf32>
            %lt3A_435 = arith.cmpf olt, %min3A_432, %lt3A_434 : vector<16xf32>
            %convert_element_type3A_436 = arith.extui %lt3A_435 : vector<16xi1> to vector<16xi32>
            %min3A_437 = arith.minimumf %gather3A_430, %gather3A_431 : vector<16xf32>
            %lt3A_438 = arith.constant 5.000000e-01 : f32
            %lt3A_439 = vector.broadcast %lt3A_438 : f32 to vector<16xf32>
            %lt3A_440 = arith.cmpf olt, %min3A_437, %lt3A_439 : vector<16xf32>
            %convert_element_type3A_441 = arith.extui %lt3A_440 : vector<16xi1> to vector<16xi32>
            %eq3A_442 = arith.constant 0 : i32
            %eq3A_443 = vector.broadcast %eq3A_442 : i32 to vector<16xi32>
            %eq3A_444 = arith.cmpi eq, %iota3A, %eq3A_443 : vector<16xi32>
            %eq3A_445 = arith.constant 0 : i32
            %eq3A_446 = arith.cmpi eq, %while3A_385, %eq3A_445 : i32
            %and3A_447 = vector.broadcast %eq3A_446 : i1 to vector<16xi1>
            %and3A_448 = arith.andi %eq3A_444, %and3A_447 : vector<16xi1>
            %jit3A_449 = arith.constant 0 : i64
            %convert_element_type3A_450 = arith.trunci %jit3A_449 : i64 to i32
            %broadcast_in_dim3A_451 = vector.broadcast %convert_element_type3A_450 : i32 to vector<16xi32>
            %select_n3A_452 = arith.select %and3A_448, %broadcast_in_dim3A_451, %convert_element_type3A_441 : vector<16xi1>, vector<16xi32>
            %sub3A_453 = arith.constant 1 : i32
            %sub3A_454 = vector.broadcast %sub3A_453 : i32 to vector<16xi32>
            %sub3A_455 = arith.subi %sub3A_454, %select_n3A_452 : vector<16xi32>
            %mul3A_456 = arith.muli %convert_element_type3A_436, %sub3A_455 : vector<16xi32>
            %get3A_457 = arith.constant 0 : i64
            %get3A_458 = arith.index_cast %get3A_457 : i64 to index
            %get3A_459 = memref.load %arg13[%get3A_458] : memref<2xi32, #tpu.memory_space<smem>>
            %broadcast_in_dim3A_460 = arith.constant true
            %broadcast_in_dim3A_461 = vector.broadcast %broadcast_in_dim3A_460 : i1 to vector<16xi1>
            %masked_cumsum3A = tpu.scan <sum>, %mul3A_456 masked %broadcast_in_dim3A_461 : vector<16xi32>, vector<16xi1> -> vector<16xi32>
            %add3A_462 = vector.broadcast %get3A_459 : i32 to vector<16xi32>
            %add3A_463 = arith.addi %masked_cumsum3A, %add3A_462 : vector<16xi32>
            %gt3A_464 = arith.constant 0 : i32
            %gt3A_465 = vector.broadcast %gt3A_464 : i32 to vector<16xi32>
            %gt3A_466 = arith.cmpi sgt, %convert_element_type3A_436, %gt3A_465 : vector<16xi32>
            %lt3A_467 = arith.constant 16 : i32
            %lt3A_468 = vector.broadcast %lt3A_467 : i32 to vector<16xi32>
            %lt3A_469 = arith.cmpi slt, %add3A_463, %lt3A_468 : vector<16xi32>
            %and3A_470 = arith.andi %gt3A_466, %lt3A_469 : vector<16xi1>
            %jit3A_471 = arith.constant 0 : i64
            %convert_element_type3A_472 = arith.trunci %jit3A_471 : i64 to i32
            %broadcast_in_dim3A_473 = vector.broadcast %convert_element_type3A_472 : i32 to vector<16xi32>
            %select_n3A_474 = arith.select %and3A_470, %add3A_463, %broadcast_in_dim3A_473 : vector<16xi1>, vector<16xi32>
            tpu.vector_store_idx %arg8[%select_n3A_474], %broadcast_in_dim3A_373 {add = true} : memref<16xi32, #tpu.memory_space<vmem>>[vector<16xi32>], vector<16xi32>,
            tpu.vector_store_idx %arg9[%select_n3A_474], %add3A_397 {add = true} : memref<16xi32, #tpu.memory_space<vmem>>[vector<16xi32>], vector<16xi32>,
            %reduce_sum3A = arith.constant true
            %reduce_sum3A_475 = vector.broadcast %reduce_sum3A : i1 to vector<16xi1>
            %reduce_sum3A_476 = tpu.scan <sum>, %mul3A_456 masked %reduce_sum3A_475 : vector<16xi32>, vector<16xi1> -> vector<16xi32>
            %reduce_sum3A_477 = vector.extract %reduce_sum3A_476[15] : i32 from vector<16xi32>
            %add3A_478 = arith.addi %get3A_459, %reduce_sum3A_477 : i32
            %swap3A_479 = arith.constant 0 : i64
            %swap3A_480 = arith.index_cast %swap3A_479 : i64 to index
            %swap3A_481 = memref.load %arg13[%swap3A_480] : memref<2xi32, #tpu.memory_space<smem>>
            memref.store %add3A_478, %arg13[%swap3A_480] : memref<2xi32, #tpu.memory_space<smem>>
          } else {
          }
        }
      } else {
      }
      %get3A_66 = arith.constant 1 : i64
      %get3A_67 = arith.index_cast %get3A_66 : i64 to index
      %get3A_68 = memref.load %arg13[%get3A_67] : memref<2xi32, #tpu.memory_space<smem>>
      %lt3A_69 = arith.constant 16 : i32
      %lt3A_70 = arith.cmpi slt, %get3A_68, %lt3A_69 : i32
      %convert_element_type3A_71 = arith.extui %lt3A_70 : i1 to i32
      %cond3A_72 = arith.constant 0 : i32
      %cond3A_73 = arith.cmpi ne, %convert_element_type3A_71, %cond3A_72 : i32
      scf.if %cond3A_73 {
        %add3A_363 = arith.addi %mul3A_2, %while3A_31 : i32
        "tpu.region"() ({
          %run_scoped3A = tpu.sem_alloc : memref<!tpu.dma_semaphore, #tpu.memory_space<semaphore_mem>>
          %dma_start3A_385 = arith.constant 0 : i32
          %dma_start3A_386 = tpu.memref_slice %arg3[%add3A_363, %dma_start3A_385] : memref<1024x8192xf32, #tpu.memory_space<hbm>> -> memref<1x8192xf32, #tpu.memory_space<hbm>>
          %dma_start3A_387 = tpu.memref_squeeze %dma_start3A_386 : memref<1x8192xf32, #tpu.memory_space<hbm>> -> memref<8192xf32, #tpu.memory_space<hbm>>
          %dma_start3A_388 = arith.constant 0 : i32
          %dma_start3A_389 = tpu.memref_slice %arg3[%add3A_363, %dma_start3A_388] : memref<1024x8192xf32, #tpu.memory_space<hbm>> -> memref<1x8192xf32, #tpu.memory_space<hbm>>
          %dma_start3A_390 = tpu.memref_squeeze %dma_start3A_389 : memref<1x8192xf32, #tpu.memory_space<hbm>> -> memref<8192xf32, #tpu.memory_space<hbm>>
          tpu.enqueue_dma source(%dma_start3A_390 : memref<8192xf32, #tpu.memory_space<hbm>>) target(%arg7 : memref<8192xf32, #tpu.memory_space<vmem>>) target_semaphore(%run_scoped3A : memref<!tpu.dma_semaphore, #tpu.memory_space<semaphore_mem>>)
          %dma_wait3A_391 = arith.constant 0 : i32
          %dma_wait3A_392 = tpu.memref_slice %arg3[%add3A_363, %dma_wait3A_391] : memref<1024x8192xf32, #tpu.memory_space<hbm>> -> memref<1x8192xf32, #tpu.memory_space<hbm>>
          %dma_wait3A_393 = tpu.memref_squeeze %dma_wait3A_392 : memref<1x8192xf32, #tpu.memory_space<hbm>> -> memref<8192xf32, #tpu.memory_space<hbm>>
          %dma_wait3A_394 = arith.constant 0 : i32
          %dma_wait3A_395 = tpu.memref_slice %arg3[%add3A_363, %dma_wait3A_394] : memref<1024x8192xf32, #tpu.memory_space<hbm>> -> memref<1x8192xf32, #tpu.memory_space<hbm>>
          %dma_wait3A_396 = tpu.memref_squeeze %dma_wait3A_395 : memref<1x8192xf32, #tpu.memory_space<hbm>> -> memref<8192xf32, #tpu.memory_space<hbm>>
          tpu.wait_dma2 semaphore(%run_scoped3A : memref<!tpu.dma_semaphore, #tpu.memory_space<semaphore_mem>>) src(%dma_wait3A_396 : memref<8192xf32, #tpu.memory_space<hbm>>) dst(%arg7 : memref<8192xf32, #tpu.memory_space<vmem>>)
          tpu.yield
        }) : () -> ()
        %swap3A_364 = arith.constant 0 : index
        %swap3A_365 = tpu.vector_load %arg10[%swap3A_364] {strides = array<i32>} : memref<16xi32, #tpu.memory_space<vmem>>, vector<16xi32>,
        tpu.vector_store %arg10[%swap3A_364], %broadcast_in_dim3A_3 {strides = array<i32>} : memref<16xi32, #tpu.memory_space<vmem>>, vector<16xi32>,
        %swap3A_366 = arith.constant 0 : index
        %swap3A_367 = tpu.vector_load %arg11[%swap3A_366] {strides = array<i32>} : memref<16xi32, #tpu.memory_space<vmem>>, vector<16xi32>,
        tpu.vector_store %arg11[%swap3A_366], %broadcast_in_dim3A_3 {strides = array<i32>} : memref<16xi32, #tpu.memory_space<vmem>>, vector<16xi32>,
        %swap3A_368 = arith.constant 0 : i32
        %swap3A_369 = arith.constant 1 : i64
        %swap3A_370 = arith.index_cast %swap3A_369 : i64 to index
        %swap3A_371 = memref.load %arg13[%swap3A_370] : memref<2xi32, #tpu.memory_space<smem>>
        memref.store %swap3A_368, %arg13[%swap3A_370] : memref<2xi32, #tpu.memory_space<smem>>
        %broadcast_in_dim3A_372 = arith.constant 1 : i32
        %broadcast_in_dim3A_373 = vector.broadcast %broadcast_in_dim3A_372 : i32 to vector<16xi32>
        %while3A_374 = arith.constant 0 : i32
        %while3A_375 = arith.constant 0 : i32
        %while3A_376 = arith.constant 256 : i32
        %while3A_377 = arith.subi %while3A_376, %while3A_375 : i32
        %while3A_378 = arith.addi %while3A_375, %while3A_377 : i32
        %while3A_379 = arith.constant 1 : i32
        %while3A_380 = arith.divsi %while3A_377, %while3A_379 : i32
        %while3A_381 = arith.muli %while3A_380, %while3A_379 : i32
        %while3A_382 = arith.addi %while3A_375, %while3A_381 : i32
        %while3A_383 = arith.constant 1 : i32
        scf.for %while3A_385 = %while3A_375 to %while3A_382 step %while3A_383  : i32 {
          %get3A_386 = arith.constant 1 : i64
          %get3A_387 = arith.index_cast %get3A_386 : i64 to index
          %get3A_388 = memref.load %arg13[%get3A_387] : memref<2xi32, #tpu.memory_space<smem>>
          %lt3A_389 = arith.constant 16 : i32
          %lt3A_390 = arith.cmpi slt, %get3A_388, %lt3A_389 : i32
          %convert_element_type3A_391 = arith.extui %lt3A_390 : i1 to i32
          %cond3A_392 = arith.constant 0 : i32
          %cond3A_393 = arith.cmpi ne, %convert_element_type3A_391, %cond3A_392 : i32
          scf.if %cond3A_393 {
            %mul3A_394 = arith.constant 16 : i32
            %mul3A_395 = arith.muli %while3A_385, %mul3A_394 : i32
            %add3A_396 = vector.broadcast %mul3A_395 : i32 to vector<16xi32>
            %add3A_397 = arith.addi %add3A_396, %iota3A : vector<16xi32>
            %sub3A_398 = arith.constant 1 : i32
            %sub3A_399 = vector.broadcast %sub3A_398 : i32 to vector<16xi32>
            %sub3A_400 = arith.subi %add3A_397, %sub3A_399 : vector<16xi32>
            %max3A_401 = arith.constant 0 : i32
            %max3A_402 = vector.broadcast %max3A_401 : i32 to vector<16xi32>
            %max3A_403 = arith.maxsi %sub3A_400, %max3A_402 : vector<16xi32>
            %shift_right_arithmetic3A = arith.constant 7 : i32
            %shift_right_arithmetic3A_404 = vector.broadcast %shift_right_arithmetic3A : i32 to vector<16xi32>
            %shift_right_arithmetic3A_405 = arith.shrsi %add3A_397, %shift_right_arithmetic3A_404 : vector<16xi32>
            %shift_left3A = arith.constant 8 : i32
            %shift_left3A_406 = vector.broadcast %shift_left3A : i32 to vector<16xi32>
            %shift_left3A_407 = arith.shli %shift_right_arithmetic3A_405, %shift_left3A_406 : vector<16xi32>
            %and3A_408 = arith.constant 127 : i32
            %and3A_409 = vector.broadcast %and3A_408 : i32 to vector<16xi32>
            %and3A_410 = arith.andi %add3A_397, %and3A_409 : vector<16xi32>
            %add3A_411 = arith.addi %shift_left3A_407, %and3A_410 : vector<16xi32>
            %shift_right_arithmetic3A_412 = arith.constant 7 : i32
            %shift_right_arithmetic3A_413 = vector.broadcast %shift_right_arithmetic3A_412 : i32 to vector<16xi32>
            %shift_right_arithmetic3A_414 = arith.shrsi %max3A_403, %shift_right_arithmetic3A_413 : vector<16xi32>
            %shift_left3A_415 = arith.constant 8 : i32
            %shift_left3A_416 = vector.broadcast %shift_left3A_415 : i32 to vector<16xi32>
            %shift_left3A_417 = arith.shli %shift_right_arithmetic3A_414, %shift_left3A_416 : vector<16xi32>
            %and3A_418 = arith.constant 127 : i32
            %and3A_419 = vector.broadcast %and3A_418 : i32 to vector<16xi32>
            %and3A_420 = arith.andi %max3A_403, %and3A_419 : vector<16xi32>
            %add3A_421 = arith.addi %shift_left3A_417, %and3A_420 : vector<16xi32>
            %add3A_422 = arith.constant 128 : i32
            %add3A_423 = vector.broadcast %add3A_422 : i32 to vector<16xi32>
            %add3A_424 = arith.addi %add3A_411, %add3A_423 : vector<16xi32>
            %add3A_425 = arith.constant 128 : i32
            %add3A_426 = vector.broadcast %add3A_425 : i32 to vector<16xi32>
            %add3A_427 = arith.addi %add3A_421, %add3A_426 : vector<16xi32>
            %gather3A_428 = tpu.vector_load_idx %arg7[%add3A_411] : memref<8192xf32, #tpu.memory_space<vmem>>[vector<16xi32>], vector<16xf32>,
            %gather3A_429 = tpu.vector_load_idx %arg7[%add3A_424] : memref<8192xf32, #tpu.memory_space<vmem>>[vector<16xi32>], vector<16xf32>,
            %gather3A_430 = tpu.vector_load_idx %arg7[%add3A_421] : memref<8192xf32, #tpu.memory_space<vmem>>[vector<16xi32>], vector<16xf32>,
            %gather3A_431 = tpu.vector_load_idx %arg7[%add3A_427] : memref<8192xf32, #tpu.memory_space<vmem>>[vector<16xi32>], vector<16xf32>,
            %min3A_432 = arith.minimumf %gather3A_428, %gather3A_429 : vector<16xf32>
            %lt3A_433 = arith.constant 5.000000e-01 : f32
            %lt3A_434 = vector.broadcast %lt3A_433 : f32 to vector<16xf32>
            %lt3A_435 = arith.cmpf olt, %min3A_432, %lt3A_434 : vector<16xf32>
            %convert_element_type3A_436 = arith.extui %lt3A_435 : vector<16xi1> to vector<16xi32>
            %min3A_437 = arith.minimumf %gather3A_430, %gather3A_431 : vector<16xf32>
            %lt3A_438 = arith.constant 5.000000e-01 : f32
            %lt3A_439 = vector.broadcast %lt3A_438 : f32 to vector<16xf32>
            %lt3A_440 = arith.cmpf olt, %min3A_437, %lt3A_439 : vector<16xf32>
            %convert_element_type3A_441 = arith.extui %lt3A_440 : vector<16xi1> to vector<16xi32>
            %eq3A_442 = arith.constant 0 : i32
            %eq3A_443 = vector.broadcast %eq3A_442 : i32 to vector<16xi32>
            %eq3A_444 = arith.cmpi eq, %iota3A, %eq3A_443 : vector<16xi32>
            %eq3A_445 = arith.constant 0 : i32
            %eq3A_446 = arith.cmpi eq, %while3A_385, %eq3A_445 : i32
            %and3A_447 = vector.broadcast %eq3A_446 : i1 to vector<16xi1>
            %and3A_448 = arith.andi %eq3A_444, %and3A_447 : vector<16xi1>
            %jit3A_449 = arith.constant 0 : i64
            %convert_element_type3A_450 = arith.trunci %jit3A_449 : i64 to i32
            %broadcast_in_dim3A_451 = vector.broadcast %convert_element_type3A_450 : i32 to vector<16xi32>
            %select_n3A_452 = arith.select %and3A_448, %broadcast_in_dim3A_451, %convert_element_type3A_441 : vector<16xi1>, vector<16xi32>
            %sub3A_453 = arith.constant 1 : i32
            %sub3A_454 = vector.broadcast %sub3A_453 : i32 to vector<16xi32>
            %sub3A_455 = arith.subi %sub3A_454, %select_n3A_452 : vector<16xi32>
            %mul3A_456 = arith.muli %convert_element_type3A_436, %sub3A_455 : vector<16xi32>
            %get3A_457 = arith.constant 1 : i64
            %get3A_458 = arith.index_cast %get3A_457 : i64 to index
            %get3A_459 = memref.load %arg13[%get3A_458] : memref<2xi32, #tpu.memory_space<smem>>
            %broadcast_in_dim3A_460 = arith.constant true
            %broadcast_in_dim3A_461 = vector.broadcast %broadcast_in_dim3A_460 : i1 to vector<16xi1>
            %masked_cumsum3A = tpu.scan <sum>, %mul3A_456 masked %broadcast_in_dim3A_461 : vector<16xi32>, vector<16xi1> -> vector<16xi32>
            %add3A_462 = vector.broadcast %get3A_459 : i32 to vector<16xi32>
            %add3A_463 = arith.addi %masked_cumsum3A, %add3A_462 : vector<16xi32>
            %gt3A_464 = arith.constant 0 : i32
            %gt3A_465 = vector.broadcast %gt3A_464 : i32 to vector<16xi32>
            %gt3A_466 = arith.cmpi sgt, %convert_element_type3A_436, %gt3A_465 : vector<16xi32>
            %lt3A_467 = arith.constant 16 : i32
            %lt3A_468 = vector.broadcast %lt3A_467 : i32 to vector<16xi32>
            %lt3A_469 = arith.cmpi slt, %add3A_463, %lt3A_468 : vector<16xi32>
            %and3A_470 = arith.andi %gt3A_466, %lt3A_469 : vector<16xi1>
            %jit3A_471 = arith.constant 0 : i64
            %convert_element_type3A_472 = arith.trunci %jit3A_471 : i64 to i32
            %broadcast_in_dim3A_473 = vector.broadcast %convert_element_type3A_472 : i32 to vector<16xi32>
            %select_n3A_474 = arith.select %and3A_470, %add3A_463, %broadcast_in_dim3A_473 : vector<16xi1>, vector<16xi32>
            tpu.vector_store_idx %arg10[%select_n3A_474], %broadcast_in_dim3A_373 {add = true} : memref<16xi32, #tpu.memory_space<vmem>>[vector<16xi32>], vector<16xi32>,
            tpu.vector_store_idx %arg11[%select_n3A_474], %add3A_397 {add = true} : memref<16xi32, #tpu.memory_space<vmem>>[vector<16xi32>], vector<16xi32>,
            %reduce_sum3A = arith.constant true
            %reduce_sum3A_475 = vector.broadcast %reduce_sum3A : i1 to vector<16xi1>
            %reduce_sum3A_476 = tpu.scan <sum>, %mul3A_456 masked %reduce_sum3A_475 : vector<16xi32>, vector<16xi1> -> vector<16xi32>
            %reduce_sum3A_477 = vector.extract %reduce_sum3A_476[15] : i32 from vector<16xi32>
            %add3A_478 = arith.addi %get3A_459, %reduce_sum3A_477 : i32
            %swap3A_479 = arith.constant 1 : i64
            %swap3A_480 = arith.index_cast %swap3A_479 : i64 to index
            %swap3A_481 = memref.load %arg13[%swap3A_480] : memref<2xi32, #tpu.memory_space<smem>>
            memref.store %add3A_478, %arg13[%swap3A_480] : memref<2xi32, #tpu.memory_space<smem>>
          } else {
          }
        }
        %while3A_384 = arith.constant 1 : i32
        scf.for %while3A_385 = %while3A_382 to %while3A_378 step %while3A_384  : i32 {
          %get3A_386 = arith.constant 1 : i64
          %get3A_387 = arith.index_cast %get3A_386 : i64 to index
          %get3A_388 = memref.load %arg13[%get3A_387] : memref<2xi32, #tpu.memory_space<smem>>
          %lt3A_389 = arith.constant 16 : i32
          %lt3A_390 = arith.cmpi slt, %get3A_388, %lt3A_389 : i32
          %convert_element_type3A_391 = arith.extui %lt3A_390 : i1 to i32
          %cond3A_392 = arith.constant 0 : i32
          %cond3A_393 = arith.cmpi ne, %convert_element_type3A_391, %cond3A_392 : i32
          scf.if %cond3A_393 {
            %mul3A_394 = arith.constant 16 : i32
            %mul3A_395 = arith.muli %while3A_385, %mul3A_394 : i32
            %add3A_396 = vector.broadcast %mul3A_395 : i32 to vector<16xi32>
            %add3A_397 = arith.addi %add3A_396, %iota3A : vector<16xi32>
            %sub3A_398 = arith.constant 1 : i32
            %sub3A_399 = vector.broadcast %sub3A_398 : i32 to vector<16xi32>
            %sub3A_400 = arith.subi %add3A_397, %sub3A_399 : vector<16xi32>
            %max3A_401 = arith.constant 0 : i32
            %max3A_402 = vector.broadcast %max3A_401 : i32 to vector<16xi32>
            %max3A_403 = arith.maxsi %sub3A_400, %max3A_402 : vector<16xi32>
            %shift_right_arithmetic3A = arith.constant 7 : i32
            %shift_right_arithmetic3A_404 = vector.broadcast %shift_right_arithmetic3A : i32 to vector<16xi32>
            %shift_right_arithmetic3A_405 = arith.shrsi %add3A_397, %shift_right_arithmetic3A_404 : vector<16xi32>
            %shift_left3A = arith.constant 8 : i32
            %shift_left3A_406 = vector.broadcast %shift_left3A : i32 to vector<16xi32>
            %shift_left3A_407 = arith.shli %shift_right_arithmetic3A_405, %shift_left3A_406 : vector<16xi32>
            %and3A_408 = arith.constant 127 : i32
            %and3A_409 = vector.broadcast %and3A_408 : i32 to vector<16xi32>
            %and3A_410 = arith.andi %add3A_397, %and3A_409 : vector<16xi32>
            %add3A_411 = arith.addi %shift_left3A_407, %and3A_410 : vector<16xi32>
            %shift_right_arithmetic3A_412 = arith.constant 7 : i32
            %shift_right_arithmetic3A_413 = vector.broadcast %shift_right_arithmetic3A_412 : i32 to vector<16xi32>
            %shift_right_arithmetic3A_414 = arith.shrsi %max3A_403, %shift_right_arithmetic3A_413 : vector<16xi32>
            %shift_left3A_415 = arith.constant 8 : i32
            %shift_left3A_416 = vector.broadcast %shift_left3A_415 : i32 to vector<16xi32>
            %shift_left3A_417 = arith.shli %shift_right_arithmetic3A_414, %shift_left3A_416 : vector<16xi32>
            %and3A_418 = arith.constant 127 : i32
            %and3A_419 = vector.broadcast %and3A_418 : i32 to vector<16xi32>
            %and3A_420 = arith.andi %max3A_403, %and3A_419 : vector<16xi32>
            %add3A_421 = arith.addi %shift_left3A_417, %and3A_420 : vector<16xi32>
            %add3A_422 = arith.constant 128 : i32
            %add3A_423 = vector.broadcast %add3A_422 : i32 to vector<16xi32>
            %add3A_424 = arith.addi %add3A_411, %add3A_423 : vector<16xi32>
            %add3A_425 = arith.constant 128 : i32
            %add3A_426 = vector.broadcast %add3A_425 : i32 to vector<16xi32>
            %add3A_427 = arith.addi %add3A_421, %add3A_426 : vector<16xi32>
            %gather3A_428 = tpu.vector_load_idx %arg7[%add3A_411] : memref<8192xf32, #tpu.memory_space<vmem>>[vector<16xi32>], vector<16xf32>,
            %gather3A_429 = tpu.vector_load_idx %arg7[%add3A_424] : memref<8192xf32, #tpu.memory_space<vmem>>[vector<16xi32>], vector<16xf32>,
            %gather3A_430 = tpu.vector_load_idx %arg7[%add3A_421] : memref<8192xf32, #tpu.memory_space<vmem>>[vector<16xi32>], vector<16xf32>,
            %gather3A_431 = tpu.vector_load_idx %arg7[%add3A_427] : memref<8192xf32, #tpu.memory_space<vmem>>[vector<16xi32>], vector<16xf32>,
            %min3A_432 = arith.minimumf %gather3A_428, %gather3A_429 : vector<16xf32>
            %lt3A_433 = arith.constant 5.000000e-01 : f32
            %lt3A_434 = vector.broadcast %lt3A_433 : f32 to vector<16xf32>
            %lt3A_435 = arith.cmpf olt, %min3A_432, %lt3A_434 : vector<16xf32>
            %convert_element_type3A_436 = arith.extui %lt3A_435 : vector<16xi1> to vector<16xi32>
            %min3A_437 = arith.minimumf %gather3A_430, %gather3A_431 : vector<16xf32>
            %lt3A_438 = arith.constant 5.000000e-01 : f32
            %lt3A_439 = vector.broadcast %lt3A_438 : f32 to vector<16xf32>
            %lt3A_440 = arith.cmpf olt, %min3A_437, %lt3A_439 : vector<16xf32>
            %convert_element_type3A_441 = arith.extui %lt3A_440 : vector<16xi1> to vector<16xi32>
            %eq3A_442 = arith.constant 0 : i32
            %eq3A_443 = vector.broadcast %eq3A_442 : i32 to vector<16xi32>
            %eq3A_444 = arith.cmpi eq, %iota3A, %eq3A_443 : vector<16xi32>
            %eq3A_445 = arith.constant 0 : i32
            %eq3A_446 = arith.cmpi eq, %while3A_385, %eq3A_445 : i32
            %and3A_447 = vector.broadcast %eq3A_446 : i1 to vector<16xi1>
            %and3A_448 = arith.andi %eq3A_444, %and3A_447 : vector<16xi1>
            %jit3A_449 = arith.constant 0 : i64
            %convert_element_type3A_450 = arith.trunci %jit3A_449 : i64 to i32
            %broadcast_in_dim3A_451 = vector.broadcast %convert_element_type3A_450 : i32 to vector<16xi32>
            %select_n3A_452 = arith.select %and3A_448, %broadcast_in_dim3A_451, %convert_element_type3A_441 : vector<16xi1>, vector<16xi32>
            %sub3A_453 = arith.constant 1 : i32
            %sub3A_454 = vector.broadcast %sub3A_453 : i32 to vector<16xi32>
            %sub3A_455 = arith.subi %sub3A_454, %select_n3A_452 : vector<16xi32>
            %mul3A_456 = arith.muli %convert_element_type3A_436, %sub3A_455 : vector<16xi32>
            %get3A_457 = arith.constant 1 : i64
            %get3A_458 = arith.index_cast %get3A_457 : i64 to index
            %get3A_459 = memref.load %arg13[%get3A_458] : memref<2xi32, #tpu.memory_space<smem>>
            %broadcast_in_dim3A_460 = arith.constant true
            %broadcast_in_dim3A_461 = vector.broadcast %broadcast_in_dim3A_460 : i1 to vector<16xi1>
            %masked_cumsum3A = tpu.scan <sum>, %mul3A_456 masked %broadcast_in_dim3A_461 : vector<16xi32>, vector<16xi1> -> vector<16xi32>
            %add3A_462 = vector.broadcast %get3A_459 : i32 to vector<16xi32>
            %add3A_463 = arith.addi %masked_cumsum3A, %add3A_462 : vector<16xi32>
            %gt3A_464 = arith.constant 0 : i32
            %gt3A_465 = vector.broadcast %gt3A_464 : i32 to vector<16xi32>
            %gt3A_466 = arith.cmpi sgt, %convert_element_type3A_436, %gt3A_465 : vector<16xi32>
            %lt3A_467 = arith.constant 16 : i32
            %lt3A_468 = vector.broadcast %lt3A_467 : i32 to vector<16xi32>
            %lt3A_469 = arith.cmpi slt, %add3A_463, %lt3A_468 : vector<16xi32>
            %and3A_470 = arith.andi %gt3A_466, %lt3A_469 : vector<16xi1>
            %jit3A_471 = arith.constant 0 : i64
            %convert_element_type3A_472 = arith.trunci %jit3A_471 : i64 to i32
            %broadcast_in_dim3A_473 = vector.broadcast %convert_element_type3A_472 : i32 to vector<16xi32>
            %select_n3A_474 = arith.select %and3A_470, %add3A_463, %broadcast_in_dim3A_473 : vector<16xi1>, vector<16xi32>
            tpu.vector_store_idx %arg10[%select_n3A_474], %broadcast_in_dim3A_373 {add = true} : memref<16xi32, #tpu.memory_space<vmem>>[vector<16xi32>], vector<16xi32>,
            tpu.vector_store_idx %arg11[%select_n3A_474], %add3A_397 {add = true} : memref<16xi32, #tpu.memory_space<vmem>>[vector<16xi32>], vector<16xi32>,
            %reduce_sum3A = arith.constant true
            %reduce_sum3A_475 = vector.broadcast %reduce_sum3A : i1 to vector<16xi1>
            %reduce_sum3A_476 = tpu.scan <sum>, %mul3A_456 masked %reduce_sum3A_475 : vector<16xi32>, vector<16xi1> -> vector<16xi32>
            %reduce_sum3A_477 = vector.extract %reduce_sum3A_476[15] : i32 from vector<16xi32>
            %add3A_478 = arith.addi %get3A_459, %reduce_sum3A_477 : i32
            %swap3A_479 = arith.constant 1 : i64
            %swap3A_480 = arith.index_cast %swap3A_479 : i64 to index
            %swap3A_481 = memref.load %arg13[%swap3A_480] : memref<2xi32, #tpu.memory_space<smem>>
            memref.store %add3A_478, %arg13[%swap3A_480] : memref<2xi32, #tpu.memory_space<smem>>
          } else {
          }
        }
      } else {
      }
      %get3A_74 = arith.constant 0 : index
      %get3A_75 = tpu.vector_load %arg8[%get3A_74] {strides = array<i32>} : memref<16xi32, #tpu.memory_space<vmem>>, vector<16xi32>,
      %get3A_76 = arith.constant 0 : index
      %get3A_77 = tpu.vector_load %arg9[%get3A_76] {strides = array<i32>} : memref<16xi32, #tpu.memory_space<vmem>>, vector<16xi32>,
      %gt3A = arith.constant 0 : i32
      %gt3A_78 = vector.broadcast %gt3A : i32 to vector<16xi32>
      %gt3A_79 = arith.cmpi sgt, %get3A_75, %gt3A_78 : vector<16xi32>
      %ge3A = arith.constant 1 : i32
      %ge3A_80 = vector.broadcast %ge3A : i32 to vector<16xi32>
      %ge3A_81 = arith.cmpi sge, %iota3A, %ge3A_80 : vector<16xi32>
      %and3A = arith.andi %gt3A_79, %ge3A_81 : vector<16xi1>
      %jit3A = arith.constant 0 : i64
      %convert_element_type3A_82 = arith.trunci %jit3A : i64 to i32
      %broadcast_in_dim3A_83 = vector.broadcast %convert_element_type3A_82 : i32 to vector<16xi32>
      %select_n3A = arith.select %and3A, %iota3A, %broadcast_in_dim3A_83 : vector<16xi1>, vector<16xi32>
      %reduce_max3A = arith.constant true
      %reduce_max3A_84 = vector.broadcast %reduce_max3A : i1 to vector<16xi1>
      %reduce_max3A_85 = arith.constant -2147483648 : i32
      %reduce_max3A_86 = vector.broadcast %reduce_max3A_85 : i32 to vector<16xi32>
      %reduce_max3A_87 = arith.xori %select_n3A, %reduce_max3A_86 : vector<16xi32>
      %reduce_max3A_88 = tpu.scan <max>, %reduce_max3A_87 masked %reduce_max3A_84 : vector<16xi32>, vector<16xi1> -> vector<16xi32>
      %reduce_max3A_89 = arith.xori %reduce_max3A_88, %reduce_max3A_86 : vector<16xi32>
      %reduce_max3A_90 = vector.extract %reduce_max3A_89[15] : i32 from vector<16xi32>
      %convert_element_type3A_91 = arith.sitofp %get3A_77 : vector<16xi32> to vector<16xf32>
      %max3A = arith.constant 1 : i32
      %max3A_92 = vector.broadcast %max3A : i32 to vector<16xi32>
      %max3A_93 = arith.maxsi %get3A_75, %max3A_92 : vector<16xi32>
      %convert_element_type3A_94 = arith.sitofp %max3A_93 : vector<16xi32> to vector<16xf32>
      %div3A = arith.divf %convert_element_type3A_91, %convert_element_type3A_94 : vector<16xf32>
      %ge3A_95 = arith.constant 1 : i32
      %ge3A_96 = vector.broadcast %ge3A_95 : i32 to vector<16xi32>
      %ge3A_97 = arith.cmpi sge, %iota3A, %ge3A_96 : vector<16xi32>
      %le3A = vector.broadcast %reduce_max3A_90 : i32 to vector<16xi32>
      %le3A_98 = arith.cmpi sle, %iota3A, %le3A : vector<16xi32>
      %and3A_99 = arith.andi %ge3A_97, %le3A_98 : vector<16xi1>
      %get3A_100 = arith.constant 0 : index
      %get3A_101 = tpu.vector_load %arg10[%get3A_100] {strides = array<i32>} : memref<16xi32, #tpu.memory_space<vmem>>, vector<16xi32>,
      %get3A_102 = arith.constant 0 : index
      %get3A_103 = tpu.vector_load %arg11[%get3A_102] {strides = array<i32>} : memref<16xi32, #tpu.memory_space<vmem>>, vector<16xi32>,
      %gt3A_104 = arith.constant 0 : i32
      %gt3A_105 = vector.broadcast %gt3A_104 : i32 to vector<16xi32>
      %gt3A_106 = arith.cmpi sgt, %get3A_101, %gt3A_105 : vector<16xi32>
      %ge3A_107 = arith.constant 1 : i32
      %ge3A_108 = vector.broadcast %ge3A_107 : i32 to vector<16xi32>
      %ge3A_109 = arith.cmpi sge, %iota3A, %ge3A_108 : vector<16xi32>
      %and3A_110 = arith.andi %gt3A_106, %ge3A_109 : vector<16xi1>
      %jit3A_111 = arith.constant 0 : i64
      %convert_element_type3A_112 = arith.trunci %jit3A_111 : i64 to i32
      %broadcast_in_dim3A_113 = vector.broadcast %convert_element_type3A_112 : i32 to vector<16xi32>
      %select_n3A_114 = arith.select %and3A_110, %iota3A, %broadcast_in_dim3A_113 : vector<16xi1>, vector<16xi32>
      %reduce_max3A_115 = arith.constant true
      %reduce_max3A_116 = vector.broadcast %reduce_max3A_115 : i1 to vector<16xi1>
      %reduce_max3A_117 = arith.constant -2147483648 : i32
      %reduce_max3A_118 = vector.broadcast %reduce_max3A_117 : i32 to vector<16xi32>
      %reduce_max3A_119 = arith.xori %select_n3A_114, %reduce_max3A_118 : vector<16xi32>
      %reduce_max3A_120 = tpu.scan <max>, %reduce_max3A_119 masked %reduce_max3A_116 : vector<16xi32>, vector<16xi1> -> vector<16xi32>
      %reduce_max3A_121 = arith.xori %reduce_max3A_120, %reduce_max3A_118 : vector<16xi32>
      %reduce_max3A_122 = vector.extract %reduce_max3A_121[15] : i32 from vector<16xi32>
      %convert_element_type3A_123 = arith.sitofp %get3A_103 : vector<16xi32> to vector<16xf32>
      %max3A_124 = arith.constant 1 : i32
      %max3A_125 = vector.broadcast %max3A_124 : i32 to vector<16xi32>
      %max3A_126 = arith.maxsi %get3A_101, %max3A_125 : vector<16xi32>
      %convert_element_type3A_127 = arith.sitofp %max3A_126 : vector<16xi32> to vector<16xf32>
      %div3A_128 = arith.divf %convert_element_type3A_123, %convert_element_type3A_127 : vector<16xf32>
      %ge3A_129 = arith.constant 1 : i32
      %ge3A_130 = vector.broadcast %ge3A_129 : i32 to vector<16xi32>
      %ge3A_131 = arith.cmpi sge, %iota3A, %ge3A_130 : vector<16xi32>
      %le3A_132 = vector.broadcast %reduce_max3A_122 : i32 to vector<16xi32>
      %le3A_133 = arith.cmpi sle, %iota3A, %le3A_132 : vector<16xi32>
      %and3A_134 = arith.andi %ge3A_131, %le3A_133 : vector<16xi1>
      %jit3A_135 = arith.constant 1.000000e+09 : f32
      %broadcast_in_dim3A_136 = vector.broadcast %jit3A_135 : f32 to vector<16xf32>
      %select_n3A_137 = arith.select %and3A_99, %div3A, %broadcast_in_dim3A_136 : vector<16xi1>, vector<16xf32>
      %sub3A = arith.subf %div3A_128, %select_n3A_137 : vector<16xf32>
      %abs3A = math.absf %sub3A : vector<16xf32>
      %add3A_138 = arith.constant 1 : i32
      %add3A_139 = vector.broadcast %add3A_138 : i32 to vector<16xi32>
      %add3A_140 = arith.addi %iota3A, %add3A_139 : vector<16xi32>
      %and3A_141 = arith.constant 15 : i32
      %and3A_142 = vector.broadcast %and3A_141 : i32 to vector<16xi32>
      %and3A_143 = arith.andi %add3A_140, %and3A_142 : vector<16xi32>
      %broadcast_in_dim3A_144 = vector.shape_cast %and3A_143 : vector<16xi32> to vector<16x1xi32>
      %gather3A = vector.shape_cast %broadcast_in_dim3A_144 : vector<16x1xi32> to vector<16xi32>
      %gather3A_145 = tpu.dynamic_gather %select_n3A_137[%gather3A] in [0] : vector<16xf32>, vector<16xi32> -> vector<16xf32>
      %sub3A_146 = arith.subf %div3A_128, %gather3A_145 : vector<16xf32>
      %abs3A_147 = math.absf %sub3A_146 : vector<16xf32>
      %min3A = arith.minimumf %abs3A, %abs3A_147 : vector<16xf32>
      %add3A_148 = arith.constant 2 : i32
      %add3A_149 = vector.broadcast %add3A_148 : i32 to vector<16xi32>
      %add3A_150 = arith.addi %iota3A, %add3A_149 : vector<16xi32>
      %and3A_151 = arith.constant 15 : i32
      %and3A_152 = vector.broadcast %and3A_151 : i32 to vector<16xi32>
      %and3A_153 = arith.andi %add3A_150, %and3A_152 : vector<16xi32>
      %broadcast_in_dim3A_154 = vector.shape_cast %and3A_153 : vector<16xi32> to vector<16x1xi32>
      %gather3A_155 = vector.shape_cast %broadcast_in_dim3A_154 : vector<16x1xi32> to vector<16xi32>
      %gather3A_156 = tpu.dynamic_gather %select_n3A_137[%gather3A_155] in [0] : vector<16xf32>, vector<16xi32> -> vector<16xf32>
      %sub3A_157 = arith.subf %div3A_128, %gather3A_156 : vector<16xf32>
      %abs3A_158 = math.absf %sub3A_157 : vector<16xf32>
      %min3A_159 = arith.minimumf %min3A, %abs3A_158 : vector<16xf32>
      %add3A_160 = arith.constant 3 : i32
      %add3A_161 = vector.broadcast %add3A_160 : i32 to vector<16xi32>
      %add3A_162 = arith.addi %iota3A, %add3A_161 : vector<16xi32>
      %and3A_163 = arith.constant 15 : i32
      %and3A_164 = vector.broadcast %and3A_163 : i32 to vector<16xi32>
      %and3A_165 = arith.andi %add3A_162, %and3A_164 : vector<16xi32>
      %broadcast_in_dim3A_166 = vector.shape_cast %and3A_165 : vector<16xi32> to vector<16x1xi32>
      %gather3A_167 = vector.shape_cast %broadcast_in_dim3A_166 : vector<16x1xi32> to vector<16xi32>
      %gather3A_168 = tpu.dynamic_gather %select_n3A_137[%gather3A_167] in [0] : vector<16xf32>, vector<16xi32> -> vector<16xf32>
      %sub3A_169 = arith.subf %div3A_128, %gather3A_168 : vector<16xf32>
      %abs3A_170 = math.absf %sub3A_169 : vector<16xf32>
      %min3A_171 = arith.minimumf %min3A_159, %abs3A_170 : vector<16xf32>
      %add3A_172 = arith.constant 4 : i32
      %add3A_173 = vector.broadcast %add3A_172 : i32 to vector<16xi32>
      %add3A_174 = arith.addi %iota3A, %add3A_173 : vector<16xi32>
      %and3A_175 = arith.constant 15 : i32
      %and3A_176 = vector.broadcast %and3A_175 : i32 to vector<16xi32>
      %and3A_177 = arith.andi %add3A_174, %and3A_176 : vector<16xi32>
      %broadcast_in_dim3A_178 = vector.shape_cast %and3A_177 : vector<16xi32> to vector<16x1xi32>
      %gather3A_179 = vector.shape_cast %broadcast_in_dim3A_178 : vector<16x1xi32> to vector<16xi32>
      %gather3A_180 = tpu.dynamic_gather %select_n3A_137[%gather3A_179] in [0] : vector<16xf32>, vector<16xi32> -> vector<16xf32>
      %sub3A_181 = arith.subf %div3A_128, %gather3A_180 : vector<16xf32>
      %abs3A_182 = math.absf %sub3A_181 : vector<16xf32>
      %min3A_183 = arith.minimumf %min3A_171, %abs3A_182 : vector<16xf32>
      %add3A_184 = arith.constant 5 : i32
      %add3A_185 = vector.broadcast %add3A_184 : i32 to vector<16xi32>
      %add3A_186 = arith.addi %iota3A, %add3A_185 : vector<16xi32>
      %and3A_187 = arith.constant 15 : i32
      %and3A_188 = vector.broadcast %and3A_187 : i32 to vector<16xi32>
      %and3A_189 = arith.andi %add3A_186, %and3A_188 : vector<16xi32>
      %broadcast_in_dim3A_190 = vector.shape_cast %and3A_189 : vector<16xi32> to vector<16x1xi32>
      %gather3A_191 = vector.shape_cast %broadcast_in_dim3A_190 : vector<16x1xi32> to vector<16xi32>
      %gather3A_192 = tpu.dynamic_gather %select_n3A_137[%gather3A_191] in [0] : vector<16xf32>, vector<16xi32> -> vector<16xf32>
      %sub3A_193 = arith.subf %div3A_128, %gather3A_192 : vector<16xf32>
      %abs3A_194 = math.absf %sub3A_193 : vector<16xf32>
      %min3A_195 = arith.minimumf %min3A_183, %abs3A_194 : vector<16xf32>
      %add3A_196 = arith.constant 6 : i32
      %add3A_197 = vector.broadcast %add3A_196 : i32 to vector<16xi32>
      %add3A_198 = arith.addi %iota3A, %add3A_197 : vector<16xi32>
      %and3A_199 = arith.constant 15 : i32
      %and3A_200 = vector.broadcast %and3A_199 : i32 to vector<16xi32>
      %and3A_201 = arith.andi %add3A_198, %and3A_200 : vector<16xi32>
      %broadcast_in_dim3A_202 = vector.shape_cast %and3A_201 : vector<16xi32> to vector<16x1xi32>
      %gather3A_203 = vector.shape_cast %broadcast_in_dim3A_202 : vector<16x1xi32> to vector<16xi32>
      %gather3A_204 = tpu.dynamic_gather %select_n3A_137[%gather3A_203] in [0] : vector<16xf32>, vector<16xi32> -> vector<16xf32>
      %sub3A_205 = arith.subf %div3A_128, %gather3A_204 : vector<16xf32>
      %abs3A_206 = math.absf %sub3A_205 : vector<16xf32>
      %min3A_207 = arith.minimumf %min3A_195, %abs3A_206 : vector<16xf32>
      %add3A_208 = arith.constant 7 : i32
      %add3A_209 = vector.broadcast %add3A_208 : i32 to vector<16xi32>
      %add3A_210 = arith.addi %iota3A, %add3A_209 : vector<16xi32>
      %and3A_211 = arith.constant 15 : i32
      %and3A_212 = vector.broadcast %and3A_211 : i32 to vector<16xi32>
      %and3A_213 = arith.andi %add3A_210, %and3A_212 : vector<16xi32>
      %broadcast_in_dim3A_214 = vector.shape_cast %and3A_213 : vector<16xi32> to vector<16x1xi32>
      %gather3A_215 = vector.shape_cast %broadcast_in_dim3A_214 : vector<16x1xi32> to vector<16xi32>
      %gather3A_216 = tpu.dynamic_gather %select_n3A_137[%gather3A_215] in [0] : vector<16xf32>, vector<16xi32> -> vector<16xf32>
      %sub3A_217 = arith.subf %div3A_128, %gather3A_216 : vector<16xf32>
      %abs3A_218 = math.absf %sub3A_217 : vector<16xf32>
      %min3A_219 = arith.minimumf %min3A_207, %abs3A_218 : vector<16xf32>
      %add3A_220 = arith.constant 8 : i32
      %add3A_221 = vector.broadcast %add3A_220 : i32 to vector<16xi32>
      %add3A_222 = arith.addi %iota3A, %add3A_221 : vector<16xi32>
      %and3A_223 = arith.constant 15 : i32
      %and3A_224 = vector.broadcast %and3A_223 : i32 to vector<16xi32>
      %and3A_225 = arith.andi %add3A_222, %and3A_224 : vector<16xi32>
      %broadcast_in_dim3A_226 = vector.shape_cast %and3A_225 : vector<16xi32> to vector<16x1xi32>
      %gather3A_227 = vector.shape_cast %broadcast_in_dim3A_226 : vector<16x1xi32> to vector<16xi32>
      %gather3A_228 = tpu.dynamic_gather %select_n3A_137[%gather3A_227] in [0] : vector<16xf32>, vector<16xi32> -> vector<16xf32>
      %sub3A_229 = arith.subf %div3A_128, %gather3A_228 : vector<16xf32>
      %abs3A_230 = math.absf %sub3A_229 : vector<16xf32>
      %min3A_231 = arith.minimumf %min3A_219, %abs3A_230 : vector<16xf32>
      %add3A_232 = arith.constant 9 : i32
      %add3A_233 = vector.broadcast %add3A_232 : i32 to vector<16xi32>
      %add3A_234 = arith.addi %iota3A, %add3A_233 : vector<16xi32>
      %and3A_235 = arith.constant 15 : i32
      %and3A_236 = vector.broadcast %and3A_235 : i32 to vector<16xi32>
      %and3A_237 = arith.andi %add3A_234, %and3A_236 : vector<16xi32>
      %broadcast_in_dim3A_238 = vector.shape_cast %and3A_237 : vector<16xi32> to vector<16x1xi32>
      %gather3A_239 = vector.shape_cast %broadcast_in_dim3A_238 : vector<16x1xi32> to vector<16xi32>
      %gather3A_240 = tpu.dynamic_gather %select_n3A_137[%gather3A_239] in [0] : vector<16xf32>, vector<16xi32> -> vector<16xf32>
      %sub3A_241 = arith.subf %div3A_128, %gather3A_240 : vector<16xf32>
      %abs3A_242 = math.absf %sub3A_241 : vector<16xf32>
      %min3A_243 = arith.minimumf %min3A_231, %abs3A_242 : vector<16xf32>
      %add3A_244 = arith.constant 10 : i32
      %add3A_245 = vector.broadcast %add3A_244 : i32 to vector<16xi32>
      %add3A_246 = arith.addi %iota3A, %add3A_245 : vector<16xi32>
      %and3A_247 = arith.constant 15 : i32
      %and3A_248 = vector.broadcast %and3A_247 : i32 to vector<16xi32>
      %and3A_249 = arith.andi %add3A_246, %and3A_248 : vector<16xi32>
      %broadcast_in_dim3A_250 = vector.shape_cast %and3A_249 : vector<16xi32> to vector<16x1xi32>
      %gather3A_251 = vector.shape_cast %broadcast_in_dim3A_250 : vector<16x1xi32> to vector<16xi32>
      %gather3A_252 = tpu.dynamic_gather %select_n3A_137[%gather3A_251] in [0] : vector<16xf32>, vector<16xi32> -> vector<16xf32>
      %sub3A_253 = arith.subf %div3A_128, %gather3A_252 : vector<16xf32>
      %abs3A_254 = math.absf %sub3A_253 : vector<16xf32>
      %min3A_255 = arith.minimumf %min3A_243, %abs3A_254 : vector<16xf32>
      %add3A_256 = arith.constant 11 : i32
      %add3A_257 = vector.broadcast %add3A_256 : i32 to vector<16xi32>
      %add3A_258 = arith.addi %iota3A, %add3A_257 : vector<16xi32>
      %and3A_259 = arith.constant 15 : i32
      %and3A_260 = vector.broadcast %and3A_259 : i32 to vector<16xi32>
      %and3A_261 = arith.andi %add3A_258, %and3A_260 : vector<16xi32>
      %broadcast_in_dim3A_262 = vector.shape_cast %and3A_261 : vector<16xi32> to vector<16x1xi32>
      %gather3A_263 = vector.shape_cast %broadcast_in_dim3A_262 : vector<16x1xi32> to vector<16xi32>
      %gather3A_264 = tpu.dynamic_gather %select_n3A_137[%gather3A_263] in [0] : vector<16xf32>, vector<16xi32> -> vector<16xf32>
      %sub3A_265 = arith.subf %div3A_128, %gather3A_264 : vector<16xf32>
      %abs3A_266 = math.absf %sub3A_265 : vector<16xf32>
      %min3A_267 = arith.minimumf %min3A_255, %abs3A_266 : vector<16xf32>
      %add3A_268 = arith.constant 12 : i32
      %add3A_269 = vector.broadcast %add3A_268 : i32 to vector<16xi32>
      %add3A_270 = arith.addi %iota3A, %add3A_269 : vector<16xi32>
      %and3A_271 = arith.constant 15 : i32
      %and3A_272 = vector.broadcast %and3A_271 : i32 to vector<16xi32>
      %and3A_273 = arith.andi %add3A_270, %and3A_272 : vector<16xi32>
      %broadcast_in_dim3A_274 = vector.shape_cast %and3A_273 : vector<16xi32> to vector<16x1xi32>
      %gather3A_275 = vector.shape_cast %broadcast_in_dim3A_274 : vector<16x1xi32> to vector<16xi32>
      %gather3A_276 = tpu.dynamic_gather %select_n3A_137[%gather3A_275] in [0] : vector<16xf32>, vector<16xi32> -> vector<16xf32>
      %sub3A_277 = arith.subf %div3A_128, %gather3A_276 : vector<16xf32>
      %abs3A_278 = math.absf %sub3A_277 : vector<16xf32>
      %min3A_279 = arith.minimumf %min3A_267, %abs3A_278 : vector<16xf32>
      %add3A_280 = arith.constant 13 : i32
      %add3A_281 = vector.broadcast %add3A_280 : i32 to vector<16xi32>
      %add3A_282 = arith.addi %iota3A, %add3A_281 : vector<16xi32>
      %and3A_283 = arith.constant 15 : i32
      %and3A_284 = vector.broadcast %and3A_283 : i32 to vector<16xi32>
      %and3A_285 = arith.andi %add3A_282, %and3A_284 : vector<16xi32>
      %broadcast_in_dim3A_286 = vector.shape_cast %and3A_285 : vector<16xi32> to vector<16x1xi32>
      %gather3A_287 = vector.shape_cast %broadcast_in_dim3A_286 : vector<16x1xi32> to vector<16xi32>
      %gather3A_288 = tpu.dynamic_gather %select_n3A_137[%gather3A_287] in [0] : vector<16xf32>, vector<16xi32> -> vector<16xf32>
      %sub3A_289 = arith.subf %div3A_128, %gather3A_288 : vector<16xf32>
      %abs3A_290 = math.absf %sub3A_289 : vector<16xf32>
      %min3A_291 = arith.minimumf %min3A_279, %abs3A_290 : vector<16xf32>
      %add3A_292 = arith.constant 14 : i32
      %add3A_293 = vector.broadcast %add3A_292 : i32 to vector<16xi32>
      %add3A_294 = arith.addi %iota3A, %add3A_293 : vector<16xi32>
      %and3A_295 = arith.constant 15 : i32
      %and3A_296 = vector.broadcast %and3A_295 : i32 to vector<16xi32>
      %and3A_297 = arith.andi %add3A_294, %and3A_296 : vector<16xi32>
      %broadcast_in_dim3A_298 = vector.shape_cast %and3A_297 : vector<16xi32> to vector<16x1xi32>
      %gather3A_299 = vector.shape_cast %broadcast_in_dim3A_298 : vector<16x1xi32> to vector<16xi32>
      %gather3A_300 = tpu.dynamic_gather %select_n3A_137[%gather3A_299] in [0] : vector<16xf32>, vector<16xi32> -> vector<16xf32>
      %sub3A_301 = arith.subf %div3A_128, %gather3A_300 : vector<16xf32>
      %abs3A_302 = math.absf %sub3A_301 : vector<16xf32>
      %min3A_303 = arith.minimumf %min3A_291, %abs3A_302 : vector<16xf32>
      %add3A_304 = arith.constant 15 : i32
      %add3A_305 = vector.broadcast %add3A_304 : i32 to vector<16xi32>
      %add3A_306 = arith.addi %iota3A, %add3A_305 : vector<16xi32>
      %and3A_307 = arith.constant 15 : i32
      %and3A_308 = vector.broadcast %and3A_307 : i32 to vector<16xi32>
      %and3A_309 = arith.andi %add3A_306, %and3A_308 : vector<16xi32>
      %broadcast_in_dim3A_310 = vector.shape_cast %and3A_309 : vector<16xi32> to vector<16x1xi32>
      %gather3A_311 = vector.shape_cast %broadcast_in_dim3A_310 : vector<16x1xi32> to vector<16xi32>
      %gather3A_312 = tpu.dynamic_gather %select_n3A_137[%gather3A_311] in [0] : vector<16xf32>, vector<16xi32> -> vector<16xf32>
      %sub3A_313 = arith.subf %div3A_128, %gather3A_312 : vector<16xf32>
      %abs3A_314 = math.absf %sub3A_313 : vector<16xf32>
      %min3A_315 = arith.minimumf %min3A_303, %abs3A_314 : vector<16xf32>
      %jit3A_316 = arith.constant -1.000000e+00 : f32
      %broadcast_in_dim3A_317 = vector.broadcast %jit3A_316 : f32 to vector<16xf32>
      %select_n3A_318 = arith.select %and3A_134, %min3A_315, %broadcast_in_dim3A_317 : vector<16xi1>, vector<16xf32>
      %reduce_max3A_319 = arith.constant true
      %reduce_max3A_320 = vector.broadcast %reduce_max3A_319 : i1 to vector<16xi1>
      %reduce_max3A_321 = tpu.scan <max>, %select_n3A_318 masked %reduce_max3A_320 : vector<16xf32>, vector<16xi1> -> vector<16xf32>
      %reduce_max3A_322 = vector.extract %reduce_max3A_321[15] : f32 from vector<16xf32>
      %gt3A_323 = arith.constant 0 : i32
      %gt3A_324 = arith.cmpi sgt, %reduce_max3A_90, %gt3A_323 : i32
      %gt3A_325 = arith.constant 0 : i32
      %gt3A_326 = arith.cmpi sgt, %reduce_max3A_122, %gt3A_325 : i32
      %and3A_327 = arith.andi %gt3A_324, %gt3A_326 : i1
      %jit3A_328 = arith.constant 0.000000e+00 : f32
      %select_n3A_329 = arith.select %and3A_327, %reduce_max3A_322, %jit3A_328 : f32
      %jit3A_330 = arith.constant 1.000000e+00 : f32
      %jit3A_331 = arith.constant 0.000000e+00 : f32
      %select_n3A_332 = arith.select %and3A_327, %jit3A_330, %jit3A_331 : f32
      %sub3A_333 = arith.subi %reduce_max3A_90, %reduce_max3A_122 : i32
      %abs3A_334 = math.absi %sub3A_333 : i32
      %convert_element_type3A_335 = arith.sitofp %abs3A_334 : i32 to f32
      %eq3A = arith.constant 0 : i32
      %eq3A_336 = vector.broadcast %eq3A : i32 to vector<16xi32>
      %eq3A_337 = arith.cmpi eq, %iota3A, %eq3A_336 : vector<16xi32>
      %jit3A_338 = arith.constant 0.000000e+00 : f32
      %broadcast_in_dim3A_339 = vector.broadcast %convert_element_type3A_335 : f32 to vector<16xf32>
      %broadcast_in_dim3A_340 = vector.broadcast %jit3A_338 : f32 to vector<16xf32>
      %select_n3A_341 = arith.select %eq3A_337, %broadcast_in_dim3A_339, %broadcast_in_dim3A_340 : vector<16xi1>, vector<16xf32>
      %eq3A_342 = arith.constant 1 : i32
      %eq3A_343 = vector.broadcast %eq3A_342 : i32 to vector<16xi32>
      %eq3A_344 = arith.cmpi eq, %iota3A, %eq3A_343 : vector<16xi32>
      %jit3A_345 = arith.constant 0.000000e+00 : f32
      %broadcast_in_dim3A_346 = vector.broadcast %select_n3A_329 : f32 to vector<16xf32>
      %broadcast_in_dim3A_347 = vector.broadcast %jit3A_345 : f32 to vector<16xf32>
      %select_n3A_348 = arith.select %eq3A_344, %broadcast_in_dim3A_346, %broadcast_in_dim3A_347 : vector<16xi1>, vector<16xf32>
      %add3A_349 = arith.addf %select_n3A_341, %select_n3A_348 : vector<16xf32>
      %eq3A_350 = arith.constant 2 : i32
      %eq3A_351 = vector.broadcast %eq3A_350 : i32 to vector<16xi32>
      %eq3A_352 = arith.cmpi eq, %iota3A, %eq3A_351 : vector<16xi32>
      %jit3A_353 = arith.constant 0.000000e+00 : f32
      %broadcast_in_dim3A_354 = vector.broadcast %select_n3A_332 : f32 to vector<16xf32>
      %broadcast_in_dim3A_355 = vector.broadcast %jit3A_353 : f32 to vector<16xf32>
      %select_n3A_356 = arith.select %eq3A_352, %broadcast_in_dim3A_354, %broadcast_in_dim3A_355 : vector<16xi1>, vector<16xf32>
      %add3A_357 = arith.addf %add3A_349, %select_n3A_356 : vector<16xf32>
      %get3A_358 = arith.constant 0 : index
      %get3A_359 = tpu.vector_load %arg12[%get3A_358] {strides = array<i32>} : memref<16xf32, #tpu.memory_space<vmem>>, vector<16xf32>,
      %add3A_360 = arith.addf %get3A_359, %add3A_357 : vector<16xf32>
      %swap3A_361 = arith.constant 0 : index
      %swap3A_362 = tpu.vector_load %arg12[%swap3A_361] {strides = array<i32>} : memref<16xf32, #tpu.memory_space<vmem>>, vector<16xf32>,
      tpu.vector_store %arg12[%swap3A_361], %add3A_360 {strides = array<i32>} : memref<16xf32, #tpu.memory_space<vmem>>, vector<16xf32>,
    }
    %while3A_30 = arith.constant 1 : i32
    scf.for %while3A_31 = %while3A_28 to %while3A_24 step %while3A_30  : i32 {
      %broadcast_in_dim3A_32 = vector.broadcast %while3A_31 : i32 to vector<16xi32>
      %swap3A_33 = arith.constant 0 : index
      %swap3A_34 = tpu.vector_load %arg8[%swap3A_33] {strides = array<i32>} : memref<16xi32, #tpu.memory_space<vmem>>, vector<16xi32>,
      tpu.vector_store %arg8[%swap3A_33], %broadcast_in_dim3A_3 {strides = array<i32>} : memref<16xi32, #tpu.memory_space<vmem>>, vector<16xi32>,
      %swap3A_35 = arith.constant 0 : index
      %swap3A_36 = tpu.vector_load %arg9[%swap3A_35] {strides = array<i32>} : memref<16xi32, #tpu.memory_space<vmem>>, vector<16xi32>,
      tpu.vector_store %arg9[%swap3A_35], %broadcast_in_dim3A_3 {strides = array<i32>} : memref<16xi32, #tpu.memory_space<vmem>>, vector<16xi32>,
      %swap3A_37 = arith.constant 0 : i32
      %swap3A_38 = arith.constant 0 : i64
      %swap3A_39 = arith.index_cast %swap3A_38 : i64 to index
      %swap3A_40 = memref.load %arg13[%swap3A_39] : memref<2xi32, #tpu.memory_space<smem>>
      memref.store %swap3A_37, %arg13[%swap3A_39] : memref<2xi32, #tpu.memory_space<smem>>
      %swap3A_41 = arith.constant 0 : index
      %swap3A_42 = tpu.vector_load %arg10[%swap3A_41] {strides = array<i32>} : memref<16xi32, #tpu.memory_space<vmem>>, vector<16xi32>,
      tpu.vector_store %arg10[%swap3A_41], %broadcast_in_dim3A_3 {strides = array<i32>} : memref<16xi32, #tpu.memory_space<vmem>>, vector<16xi32>,
      %swap3A_43 = arith.constant 0 : index
      %swap3A_44 = tpu.vector_load %arg11[%swap3A_43] {strides = array<i32>} : memref<16xi32, #tpu.memory_space<vmem>>, vector<16xi32>,
      tpu.vector_store %arg11[%swap3A_43], %broadcast_in_dim3A_3 {strides = array<i32>} : memref<16xi32, #tpu.memory_space<vmem>>, vector<16xi32>,
      %swap3A_45 = arith.constant 0 : i32
      %swap3A_46 = arith.constant 1 : i64
      %swap3A_47 = arith.index_cast %swap3A_46 : i64 to index
      %swap3A_48 = memref.load %arg13[%swap3A_47] : memref<2xi32, #tpu.memory_space<smem>>
      memref.store %swap3A_45, %arg13[%swap3A_47] : memref<2xi32, #tpu.memory_space<smem>>
      %broadcast_in_dim3A_49 = arith.constant 1 : i32
      %broadcast_in_dim3A_50 = vector.broadcast %broadcast_in_dim3A_49 : i32 to vector<16xi32>
      %while3A_51 = arith.constant 0 : i32
      %while3A_52 = arith.constant 0 : i32
      %while3A_53 = arith.constant 8 : i32
      %while3A_54 = arith.subi %while3A_53, %while3A_52 : i32
      %while3A_55 = arith.addi %while3A_52, %while3A_54 : i32
      %while3A_56 = arith.constant 1 : i32
      %while3A_57 = arith.divsi %while3A_54, %while3A_56 : i32
      %while3A_58 = arith.muli %while3A_57, %while3A_56 : i32
      %while3A_59 = arith.addi %while3A_52, %while3A_58 : i32
      %while3A_60 = arith.constant 1 : i32
      scf.for %while3A_363 = %while3A_52 to %while3A_59 step %while3A_60  : i32 {
        %get3A_364 = arith.constant 0 : i64
        %get3A_365 = arith.index_cast %get3A_364 : i64 to index
        %get3A_366 = memref.load %arg13[%get3A_365] : memref<2xi32, #tpu.memory_space<smem>>
        %lt3A_367 = arith.constant 16 : i32
        %lt3A_368 = arith.cmpi slt, %get3A_366, %lt3A_367 : i32
        %get3A_369 = arith.constant 1 : i64
        %get3A_370 = arith.index_cast %get3A_369 : i64 to index
        %get3A_371 = memref.load %arg13[%get3A_370] : memref<2xi32, #tpu.memory_space<smem>>
        %lt3A_372 = arith.constant 16 : i32
        %lt3A_373 = arith.cmpi slt, %get3A_371, %lt3A_372 : i32
        %or3A = arith.ori %lt3A_368, %lt3A_373 : i1
        %convert_element_type3A_374 = arith.extui %or3A : i1 to i32
        %cond3A_375 = arith.constant 0 : i32
        %cond3A_376 = arith.cmpi ne, %convert_element_type3A_374, %cond3A_375 : i32
        scf.if %cond3A_376 {
          %mul3A_377 = arith.constant 2 : i32
          %mul3A_378 = arith.muli %while3A_363, %mul3A_377 : i32
          %add3A_379 = arith.constant 0 : i32
          %add3A_380 = arith.addi %mul3A_378, %add3A_379 : i32
          %mul3A_381 = arith.constant 16 : i32
          %mul3A_382 = arith.muli %add3A_380, %mul3A_381 : i32
          %add3A_383 = vector.broadcast %mul3A_382 : i32 to vector<16xi32>
          %add3A_384 = arith.addi %add3A_383, %iota3A : vector<16xi32>
          %eq3A_385 = arith.constant 0 : i32
          %eq3A_386 = vector.broadcast %eq3A_385 : i32 to vector<16xi32>
          %eq3A_387 = arith.cmpi eq, %iota3A, %eq3A_386 : vector<16xi32>
          %eq3A_388 = arith.constant 0 : i32
          %eq3A_389 = arith.cmpi eq, %while3A_363, %eq3A_388 : i32
          %and3A_390 = vector.broadcast %eq3A_389 : i1 to vector<16xi1>
          %and3A_391 = arith.andi %eq3A_387, %and3A_390 : vector<16xi1>
          %sub3A_392 = arith.constant 1 : i32
          %sub3A_393 = vector.broadcast %sub3A_392 : i32 to vector<16xi32>
          %sub3A_394 = arith.subi %add3A_384, %sub3A_393 : vector<16xi32>
          %max3A_395 = arith.constant 0 : i32
          %max3A_396 = vector.broadcast %max3A_395 : i32 to vector<16xi32>
          %max3A_397 = arith.maxsi %sub3A_394, %max3A_396 : vector<16xi32>
          %shift_right_arithmetic3A = arith.constant 7 : i32
          %shift_right_arithmetic3A_398 = vector.broadcast %shift_right_arithmetic3A : i32 to vector<16xi32>
          %shift_right_arithmetic3A_399 = arith.shrsi %add3A_384, %shift_right_arithmetic3A_398 : vector<16xi32>
          %shift_left3A = arith.constant 8 : i32
          %shift_left3A_400 = vector.broadcast %shift_left3A : i32 to vector<16xi32>
          %shift_left3A_401 = arith.shli %shift_right_arithmetic3A_399, %shift_left3A_400 : vector<16xi32>
          %and3A_402 = arith.constant 127 : i32
          %and3A_403 = vector.broadcast %and3A_402 : i32 to vector<16xi32>
          %and3A_404 = arith.andi %add3A_384, %and3A_403 : vector<16xi32>
          %add3A_405 = arith.addi %shift_left3A_401, %and3A_404 : vector<16xi32>
          %shift_right_arithmetic3A_406 = arith.constant 7 : i32
          %shift_right_arithmetic3A_407 = vector.broadcast %shift_right_arithmetic3A_406 : i32 to vector<16xi32>
          %shift_right_arithmetic3A_408 = arith.shrsi %max3A_397, %shift_right_arithmetic3A_407 : vector<16xi32>
          %shift_left3A_409 = arith.constant 8 : i32
          %shift_left3A_410 = vector.broadcast %shift_left3A_409 : i32 to vector<16xi32>
          %shift_left3A_411 = arith.shli %shift_right_arithmetic3A_408, %shift_left3A_410 : vector<16xi32>
          %and3A_412 = arith.constant 127 : i32
          %and3A_413 = vector.broadcast %and3A_412 : i32 to vector<16xi32>
          %and3A_414 = arith.andi %max3A_397, %and3A_413 : vector<16xi32>
          %add3A_415 = arith.addi %shift_left3A_411, %and3A_414 : vector<16xi32>
          %add3A_416 = arith.constant 128 : i32
          %add3A_417 = vector.broadcast %add3A_416 : i32 to vector<16xi32>
          %add3A_418 = arith.addi %add3A_405, %add3A_417 : vector<16xi32>
          %add3A_419 = arith.constant 128 : i32
          %add3A_420 = vector.broadcast %add3A_419 : i32 to vector<16xi32>
          %add3A_421 = arith.addi %add3A_415, %add3A_420 : vector<16xi32>
          %gather3A_422 = tpu.vector_load_idx %arg5[%broadcast_in_dim3A_32, %add3A_405] : memref<32x512xf32, #tpu.memory_space<vmem>>[vector<16xi32>, vector<16xi32>], vector<16xf32>,
          %gather3A_423 = tpu.vector_load_idx %arg5[%broadcast_in_dim3A_32, %add3A_418] : memref<32x512xf32, #tpu.memory_space<vmem>>[vector<16xi32>, vector<16xi32>], vector<16xf32>,
          %gather3A_424 = tpu.vector_load_idx %arg5[%broadcast_in_dim3A_32, %add3A_415] : memref<32x512xf32, #tpu.memory_space<vmem>>[vector<16xi32>, vector<16xi32>], vector<16xf32>,
          %gather3A_425 = tpu.vector_load_idx %arg5[%broadcast_in_dim3A_32, %add3A_421] : memref<32x512xf32, #tpu.memory_space<vmem>>[vector<16xi32>, vector<16xi32>], vector<16xf32>,
          %min3A_426 = arith.minimumf %gather3A_422, %gather3A_423 : vector<16xf32>
          %lt3A_427 = arith.constant 5.000000e-01 : f32
          %lt3A_428 = vector.broadcast %lt3A_427 : f32 to vector<16xf32>
          %lt3A_429 = arith.cmpf olt, %min3A_426, %lt3A_428 : vector<16xf32>
          %convert_element_type3A_430 = arith.extui %lt3A_429 : vector<16xi1> to vector<16xi32>
          %min3A_431 = arith.minimumf %gather3A_424, %gather3A_425 : vector<16xf32>
          %lt3A_432 = arith.constant 5.000000e-01 : f32
          %lt3A_433 = vector.broadcast %lt3A_432 : f32 to vector<16xf32>
          %lt3A_434 = arith.cmpf olt, %min3A_431, %lt3A_433 : vector<16xf32>
          %convert_element_type3A_435 = arith.extui %lt3A_434 : vector<16xi1> to vector<16xi32>
          %jit3A_436 = arith.constant 0 : i64
          %convert_element_type3A_437 = arith.trunci %jit3A_436 : i64 to i32
          %broadcast_in_dim3A_438 = vector.broadcast %convert_element_type3A_437 : i32 to vector<16xi32>
          %select_n3A_439 = arith.select %and3A_391, %broadcast_in_dim3A_438, %convert_element_type3A_435 : vector<16xi1>, vector<16xi32>
          %add3A_440 = arith.constant 128 : i32
          %add3A_441 = vector.broadcast %add3A_440 : i32 to vector<16xi32>
          %add3A_442 = arith.addi %add3A_405, %add3A_441 : vector<16xi32>
          %add3A_443 = arith.constant 128 : i32
          %add3A_444 = vector.broadcast %add3A_443 : i32 to vector<16xi32>
          %add3A_445 = arith.addi %add3A_415, %add3A_444 : vector<16xi32>
          %gather3A_446 = tpu.vector_load_idx %arg6[%broadcast_in_dim3A_32, %add3A_405] : memref<32x512xf32, #tpu.memory_space<vmem>>[vector<16xi32>, vector<16xi32>], vector<16xf32>,
          %gather3A_447 = tpu.vector_load_idx %arg6[%broadcast_in_dim3A_32, %add3A_442] : memref<32x512xf32, #tpu.memory_space<vmem>>[vector<16xi32>, vector<16xi32>], vector<16xf32>,
          %gather3A_448 = tpu.vector_load_idx %arg6[%broadcast_in_dim3A_32, %add3A_415] : memref<32x512xf32, #tpu.memory_space<vmem>>[vector<16xi32>, vector<16xi32>], vector<16xf32>,
          %gather3A_449 = tpu.vector_load_idx %arg6[%broadcast_in_dim3A_32, %add3A_445] : memref<32x512xf32, #tpu.memory_space<vmem>>[vector<16xi32>, vector<16xi32>], vector<16xf32>,
          %min3A_450 = arith.minimumf %gather3A_446, %gather3A_447 : vector<16xf32>
          %lt3A_451 = arith.constant 5.000000e-01 : f32
          %lt3A_452 = vector.broadcast %lt3A_451 : f32 to vector<16xf32>
          %lt3A_453 = arith.cmpf olt, %min3A_450, %lt3A_452 : vector<16xf32>
          %convert_element_type3A_454 = arith.extui %lt3A_453 : vector<16xi1> to vector<16xi32>
          %min3A_455 = arith.minimumf %gather3A_448, %gather3A_449 : vector<16xf32>
          %lt3A_456 = arith.constant 5.000000e-01 : f32
          %lt3A_457 = vector.broadcast %lt3A_456 : f32 to vector<16xf32>
          %lt3A_458 = arith.cmpf olt, %min3A_455, %lt3A_457 : vector<16xf32>
          %convert_element_type3A_459 = arith.extui %lt3A_458 : vector<16xi1> to vector<16xi32>
          %jit3A_460 = arith.constant 0 : i64
          %convert_element_type3A_461 = arith.trunci %jit3A_460 : i64 to i32
          %broadcast_in_dim3A_462 = vector.broadcast %convert_element_type3A_461 : i32 to vector<16xi32>
          %select_n3A_463 = arith.select %and3A_391, %broadcast_in_dim3A_462, %convert_element_type3A_459 : vector<16xi1>, vector<16xi32>
          %sub3A_464 = arith.constant 1 : i32
          %sub3A_465 = vector.broadcast %sub3A_464 : i32 to vector<16xi32>
          %sub3A_466 = arith.subi %sub3A_465, %select_n3A_439 : vector<16xi32>
          %mul3A_467 = arith.muli %convert_element_type3A_430, %sub3A_466 : vector<16xi32>
          %get3A_468 = arith.constant 0 : i64
          %get3A_469 = arith.index_cast %get3A_468 : i64 to index
          %get3A_470 = memref.load %arg13[%get3A_469] : memref<2xi32, #tpu.memory_space<smem>>
          %broadcast_in_dim3A_471 = arith.constant true
          %broadcast_in_dim3A_472 = vector.broadcast %broadcast_in_dim3A_471 : i1 to vector<16xi1>
          %masked_cumsum3A = tpu.scan <sum>, %mul3A_467 masked %broadcast_in_dim3A_472 : vector<16xi32>, vector<16xi1> -> vector<16xi32>
          %add3A_473 = vector.broadcast %get3A_470 : i32 to vector<16xi32>
          %add3A_474 = arith.addi %masked_cumsum3A, %add3A_473 : vector<16xi32>
          %gt3A_475 = arith.constant 0 : i32
          %gt3A_476 = vector.broadcast %gt3A_475 : i32 to vector<16xi32>
          %gt3A_477 = arith.cmpi sgt, %convert_element_type3A_430, %gt3A_476 : vector<16xi32>
          %lt3A_478 = arith.constant 16 : i32
          %lt3A_479 = vector.broadcast %lt3A_478 : i32 to vector<16xi32>
          %lt3A_480 = arith.cmpi slt, %add3A_474, %lt3A_479 : vector<16xi32>
          %and3A_481 = arith.andi %gt3A_477, %lt3A_480 : vector<16xi1>
          %jit3A_482 = arith.constant 0 : i64
          %convert_element_type3A_483 = arith.trunci %jit3A_482 : i64 to i32
          %broadcast_in_dim3A_484 = vector.broadcast %convert_element_type3A_483 : i32 to vector<16xi32>
          %select_n3A_485 = arith.select %and3A_481, %add3A_474, %broadcast_in_dim3A_484 : vector<16xi1>, vector<16xi32>
          tpu.vector_store_idx %arg8[%select_n3A_485], %broadcast_in_dim3A_50 {add = true} : memref<16xi32, #tpu.memory_space<vmem>>[vector<16xi32>], vector<16xi32>,
          tpu.vector_store_idx %arg9[%select_n3A_485], %add3A_384 {add = true} : memref<16xi32, #tpu.memory_space<vmem>>[vector<16xi32>], vector<16xi32>,
          %reduce_sum3A = arith.constant true
          %reduce_sum3A_486 = vector.broadcast %reduce_sum3A : i1 to vector<16xi1>
          %reduce_sum3A_487 = tpu.scan <sum>, %mul3A_467 masked %reduce_sum3A_486 : vector<16xi32>, vector<16xi1> -> vector<16xi32>
          %reduce_sum3A_488 = vector.extract %reduce_sum3A_487[15] : i32 from vector<16xi32>
          %add3A_489 = arith.addi %get3A_470, %reduce_sum3A_488 : i32
          %swap3A_490 = arith.constant 0 : i64
          %swap3A_491 = arith.index_cast %swap3A_490 : i64 to index
          %swap3A_492 = memref.load %arg13[%swap3A_491] : memref<2xi32, #tpu.memory_space<smem>>
          memref.store %add3A_489, %arg13[%swap3A_491] : memref<2xi32, #tpu.memory_space<smem>>
          %sub3A_493 = arith.constant 1 : i32
          %sub3A_494 = vector.broadcast %sub3A_493 : i32 to vector<16xi32>
          %sub3A_495 = arith.subi %sub3A_494, %select_n3A_463 : vector<16xi32>
          %mul3A_496 = arith.muli %convert_element_type3A_454, %sub3A_495 : vector<16xi32>
          %get3A_497 = arith.constant 1 : i64
          %get3A_498 = arith.index_cast %get3A_497 : i64 to index
          %get3A_499 = memref.load %arg13[%get3A_498] : memref<2xi32, #tpu.memory_space<smem>>
          %broadcast_in_dim3A_500 = arith.constant true
          %broadcast_in_dim3A_501 = vector.broadcast %broadcast_in_dim3A_500 : i1 to vector<16xi1>
          %masked_cumsum3A_502 = tpu.scan <sum>, %mul3A_496 masked %broadcast_in_dim3A_501 : vector<16xi32>, vector<16xi1> -> vector<16xi32>
          %add3A_503 = vector.broadcast %get3A_499 : i32 to vector<16xi32>
          %add3A_504 = arith.addi %masked_cumsum3A_502, %add3A_503 : vector<16xi32>
          %gt3A_505 = arith.constant 0 : i32
          %gt3A_506 = vector.broadcast %gt3A_505 : i32 to vector<16xi32>
          %gt3A_507 = arith.cmpi sgt, %convert_element_type3A_454, %gt3A_506 : vector<16xi32>
          %lt3A_508 = arith.constant 16 : i32
          %lt3A_509 = vector.broadcast %lt3A_508 : i32 to vector<16xi32>
          %lt3A_510 = arith.cmpi slt, %add3A_504, %lt3A_509 : vector<16xi32>
          %and3A_511 = arith.andi %gt3A_507, %lt3A_510 : vector<16xi1>
          %jit3A_512 = arith.constant 0 : i64
          %convert_element_type3A_513 = arith.trunci %jit3A_512 : i64 to i32
          %broadcast_in_dim3A_514 = vector.broadcast %convert_element_type3A_513 : i32 to vector<16xi32>
          %select_n3A_515 = arith.select %and3A_511, %add3A_504, %broadcast_in_dim3A_514 : vector<16xi1>, vector<16xi32>
          tpu.vector_store_idx %arg10[%select_n3A_515], %broadcast_in_dim3A_50 {add = true} : memref<16xi32, #tpu.memory_space<vmem>>[vector<16xi32>], vector<16xi32>,
          tpu.vector_store_idx %arg11[%select_n3A_515], %add3A_384 {add = true} : memref<16xi32, #tpu.memory_space<vmem>>[vector<16xi32>], vector<16xi32>,
          %reduce_sum3A_516 = arith.constant true
          %reduce_sum3A_517 = vector.broadcast %reduce_sum3A_516 : i1 to vector<16xi1>
          %reduce_sum3A_518 = tpu.scan <sum>, %mul3A_496 masked %reduce_sum3A_517 : vector<16xi32>, vector<16xi1> -> vector<16xi32>
          %reduce_sum3A_519 = vector.extract %reduce_sum3A_518[15] : i32 from vector<16xi32>
          %add3A_520 = arith.addi %get3A_499, %reduce_sum3A_519 : i32
          %swap3A_521 = arith.constant 1 : i64
          %swap3A_522 = arith.index_cast %swap3A_521 : i64 to index
          %swap3A_523 = memref.load %arg13[%swap3A_522] : memref<2xi32, #tpu.memory_space<smem>>
          memref.store %add3A_520, %arg13[%swap3A_522] : memref<2xi32, #tpu.memory_space<smem>>
          %mul3A_524 = arith.constant 2 : i32
          %mul3A_525 = arith.muli %while3A_363, %mul3A_524 : i32
          %add3A_526 = arith.constant 1 : i32
          %add3A_527 = arith.addi %mul3A_525, %add3A_526 : i32
          %mul3A_528 = arith.constant 16 : i32
          %mul3A_529 = arith.muli %add3A_527, %mul3A_528 : i32
          %add3A_530 = vector.broadcast %mul3A_529 : i32 to vector<16xi32>
          %add3A_531 = arith.addi %add3A_530, %iota3A : vector<16xi32>
          %broadcast_in_dim3A_532 = arith.constant false
          %broadcast_in_dim3A_533 = vector.broadcast %broadcast_in_dim3A_532 : i1 to vector<16xi1>
          %sub3A_534 = arith.constant 1 : i32
          %sub3A_535 = vector.broadcast %sub3A_534 : i32 to vector<16xi32>
          %sub3A_536 = arith.subi %add3A_531, %sub3A_535 : vector<16xi32>
          %max3A_537 = arith.constant 0 : i32
          %max3A_538 = vector.broadcast %max3A_537 : i32 to vector<16xi32>
          %max3A_539 = arith.maxsi %sub3A_536, %max3A_538 : vector<16xi32>
          %shift_right_arithmetic3A_540 = arith.constant 7 : i32
          %shift_right_arithmetic3A_541 = vector.broadcast %shift_right_arithmetic3A_540 : i32 to vector<16xi32>
          %shift_right_arithmetic3A_542 = arith.shrsi %add3A_531, %shift_right_arithmetic3A_541 : vector<16xi32>
          %shift_left3A_543 = arith.constant 8 : i32
          %shift_left3A_544 = vector.broadcast %shift_left3A_543 : i32 to vector<16xi32>
          %shift_left3A_545 = arith.shli %shift_right_arithmetic3A_542, %shift_left3A_544 : vector<16xi32>
          %and3A_546 = arith.constant 127 : i32
          %and3A_547 = vector.broadcast %and3A_546 : i32 to vector<16xi32>
          %and3A_548 = arith.andi %add3A_531, %and3A_547 : vector<16xi32>
          %add3A_549 = arith.addi %shift_left3A_545, %and3A_548 : vector<16xi32>
          %shift_right_arithmetic3A_550 = arith.constant 7 : i32
          %shift_right_arithmetic3A_551 = vector.broadcast %shift_right_arithmetic3A_550 : i32 to vector<16xi32>
          %shift_right_arithmetic3A_552 = arith.shrsi %max3A_539, %shift_right_arithmetic3A_551 : vector<16xi32>
          %shift_left3A_553 = arith.constant 8 : i32
          %shift_left3A_554 = vector.broadcast %shift_left3A_553 : i32 to vector<16xi32>
          %shift_left3A_555 = arith.shli %shift_right_arithmetic3A_552, %shift_left3A_554 : vector<16xi32>
          %and3A_556 = arith.constant 127 : i32
          %and3A_557 = vector.broadcast %and3A_556 : i32 to vector<16xi32>
          %and3A_558 = arith.andi %max3A_539, %and3A_557 : vector<16xi32>
          %add3A_559 = arith.addi %shift_left3A_555, %and3A_558 : vector<16xi32>
          %add3A_560 = arith.constant 128 : i32
          %add3A_561 = vector.broadcast %add3A_560 : i32 to vector<16xi32>
          %add3A_562 = arith.addi %add3A_549, %add3A_561 : vector<16xi32>
          %add3A_563 = arith.constant 128 : i32
          %add3A_564 = vector.broadcast %add3A_563 : i32 to vector<16xi32>
          %add3A_565 = arith.addi %add3A_559, %add3A_564 : vector<16xi32>
          %gather3A_566 = tpu.vector_load_idx %arg5[%broadcast_in_dim3A_32, %add3A_549] : memref<32x512xf32, #tpu.memory_space<vmem>>[vector<16xi32>, vector<16xi32>], vector<16xf32>,
          %gather3A_567 = tpu.vector_load_idx %arg5[%broadcast_in_dim3A_32, %add3A_562] : memref<32x512xf32, #tpu.memory_space<vmem>>[vector<16xi32>, vector<16xi32>], vector<16xf32>,
          %gather3A_568 = tpu.vector_load_idx %arg5[%broadcast_in_dim3A_32, %add3A_559] : memref<32x512xf32, #tpu.memory_space<vmem>>[vector<16xi32>, vector<16xi32>], vector<16xf32>,
          %gather3A_569 = tpu.vector_load_idx %arg5[%broadcast_in_dim3A_32, %add3A_565] : memref<32x512xf32, #tpu.memory_space<vmem>>[vector<16xi32>, vector<16xi32>], vector<16xf32>,
          %min3A_570 = arith.minimumf %gather3A_566, %gather3A_567 : vector<16xf32>
          %lt3A_571 = arith.constant 5.000000e-01 : f32
          %lt3A_572 = vector.broadcast %lt3A_571 : f32 to vector<16xf32>
          %lt3A_573 = arith.cmpf olt, %min3A_570, %lt3A_572 : vector<16xf32>
          %convert_element_type3A_574 = arith.extui %lt3A_573 : vector<16xi1> to vector<16xi32>
          %min3A_575 = arith.minimumf %gather3A_568, %gather3A_569 : vector<16xf32>
          %lt3A_576 = arith.constant 5.000000e-01 : f32
          %lt3A_577 = vector.broadcast %lt3A_576 : f32 to vector<16xf32>
          %lt3A_578 = arith.cmpf olt, %min3A_575, %lt3A_577 : vector<16xf32>
          %convert_element_type3A_579 = arith.extui %lt3A_578 : vector<16xi1> to vector<16xi32>
          %jit3A_580 = arith.constant 0 : i64
          %convert_element_type3A_581 = arith.trunci %jit3A_580 : i64 to i32
          %broadcast_in_dim3A_582 = vector.broadcast %convert_element_type3A_581 : i32 to vector<16xi32>
          %select_n3A_583 = arith.select %broadcast_in_dim3A_533, %broadcast_in_dim3A_582, %convert_element_type3A_579 : vector<16xi1>, vector<16xi32>
          %add3A_584 = arith.constant 128 : i32
          %add3A_585 = vector.broadcast %add3A_584 : i32 to vector<16xi32>
          %add3A_586 = arith.addi %add3A_549, %add3A_585 : vector<16xi32>
          %add3A_587 = arith.constant 128 : i32
          %add3A_588 = vector.broadcast %add3A_587 : i32 to vector<16xi32>
          %add3A_589 = arith.addi %add3A_559, %add3A_588 : vector<16xi32>
          %gather3A_590 = tpu.vector_load_idx %arg6[%broadcast_in_dim3A_32, %add3A_549] : memref<32x512xf32, #tpu.memory_space<vmem>>[vector<16xi32>, vector<16xi32>], vector<16xf32>,
          %gather3A_591 = tpu.vector_load_idx %arg6[%broadcast_in_dim3A_32, %add3A_586] : memref<32x512xf32, #tpu.memory_space<vmem>>[vector<16xi32>, vector<16xi32>], vector<16xf32>,
          %gather3A_592 = tpu.vector_load_idx %arg6[%broadcast_in_dim3A_32, %add3A_559] : memref<32x512xf32, #tpu.memory_space<vmem>>[vector<16xi32>, vector<16xi32>], vector<16xf32>,
          %gather3A_593 = tpu.vector_load_idx %arg6[%broadcast_in_dim3A_32, %add3A_589] : memref<32x512xf32, #tpu.memory_space<vmem>>[vector<16xi32>, vector<16xi32>], vector<16xf32>,
          %min3A_594 = arith.minimumf %gather3A_590, %gather3A_591 : vector<16xf32>
          %lt3A_595 = arith.constant 5.000000e-01 : f32
          %lt3A_596 = vector.broadcast %lt3A_595 : f32 to vector<16xf32>
          %lt3A_597 = arith.cmpf olt, %min3A_594, %lt3A_596 : vector<16xf32>
          %convert_element_type3A_598 = arith.extui %lt3A_597 : vector<16xi1> to vector<16xi32>
          %min3A_599 = arith.minimumf %gather3A_592, %gather3A_593 : vector<16xf32>
          %lt3A_600 = arith.constant 5.000000e-01 : f32
          %lt3A_601 = vector.broadcast %lt3A_600 : f32 to vector<16xf32>
          %lt3A_602 = arith.cmpf olt, %min3A_599, %lt3A_601 : vector<16xf32>
          %convert_element_type3A_603 = arith.extui %lt3A_602 : vector<16xi1> to vector<16xi32>
          %jit3A_604 = arith.constant 0 : i64
          %convert_element_type3A_605 = arith.trunci %jit3A_604 : i64 to i32
          %broadcast_in_dim3A_606 = vector.broadcast %convert_element_type3A_605 : i32 to vector<16xi32>
          %select_n3A_607 = arith.select %broadcast_in_dim3A_533, %broadcast_in_dim3A_606, %convert_element_type3A_603 : vector<16xi1>, vector<16xi32>
          %sub3A_608 = arith.constant 1 : i32
          %sub3A_609 = vector.broadcast %sub3A_608 : i32 to vector<16xi32>
          %sub3A_610 = arith.subi %sub3A_609, %select_n3A_583 : vector<16xi32>
          %mul3A_611 = arith.muli %convert_element_type3A_574, %sub3A_610 : vector<16xi32>
          %get3A_612 = arith.constant 0 : i64
          %get3A_613 = arith.index_cast %get3A_612 : i64 to index
          %get3A_614 = memref.load %arg13[%get3A_613] : memref<2xi32, #tpu.memory_space<smem>>
          %broadcast_in_dim3A_615 = arith.constant true
          %broadcast_in_dim3A_616 = vector.broadcast %broadcast_in_dim3A_615 : i1 to vector<16xi1>
          %masked_cumsum3A_617 = tpu.scan <sum>, %mul3A_611 masked %broadcast_in_dim3A_616 : vector<16xi32>, vector<16xi1> -> vector<16xi32>
          %add3A_618 = vector.broadcast %get3A_614 : i32 to vector<16xi32>
          %add3A_619 = arith.addi %masked_cumsum3A_617, %add3A_618 : vector<16xi32>
          %gt3A_620 = arith.constant 0 : i32
          %gt3A_621 = vector.broadcast %gt3A_620 : i32 to vector<16xi32>
          %gt3A_622 = arith.cmpi sgt, %convert_element_type3A_574, %gt3A_621 : vector<16xi32>
          %lt3A_623 = arith.constant 16 : i32
          %lt3A_624 = vector.broadcast %lt3A_623 : i32 to vector<16xi32>
          %lt3A_625 = arith.cmpi slt, %add3A_619, %lt3A_624 : vector<16xi32>
          %and3A_626 = arith.andi %gt3A_622, %lt3A_625 : vector<16xi1>
          %jit3A_627 = arith.constant 0 : i64
          %convert_element_type3A_628 = arith.trunci %jit3A_627 : i64 to i32
          %broadcast_in_dim3A_629 = vector.broadcast %convert_element_type3A_628 : i32 to vector<16xi32>
          %select_n3A_630 = arith.select %and3A_626, %add3A_619, %broadcast_in_dim3A_629 : vector<16xi1>, vector<16xi32>
          tpu.vector_store_idx %arg8[%select_n3A_630], %broadcast_in_dim3A_50 {add = true} : memref<16xi32, #tpu.memory_space<vmem>>[vector<16xi32>], vector<16xi32>,
          tpu.vector_store_idx %arg9[%select_n3A_630], %add3A_531 {add = true} : memref<16xi32, #tpu.memory_space<vmem>>[vector<16xi32>], vector<16xi32>,
          %reduce_sum3A_631 = arith.constant true
          %reduce_sum3A_632 = vector.broadcast %reduce_sum3A_631 : i1 to vector<16xi1>
          %reduce_sum3A_633 = tpu.scan <sum>, %mul3A_611 masked %reduce_sum3A_632 : vector<16xi32>, vector<16xi1> -> vector<16xi32>
          %reduce_sum3A_634 = vector.extract %reduce_sum3A_633[15] : i32 from vector<16xi32>
          %add3A_635 = arith.addi %get3A_614, %reduce_sum3A_634 : i32
          %swap3A_636 = arith.constant 0 : i64
          %swap3A_637 = arith.index_cast %swap3A_636 : i64 to index
          %swap3A_638 = memref.load %arg13[%swap3A_637] : memref<2xi32, #tpu.memory_space<smem>>
          memref.store %add3A_635, %arg13[%swap3A_637] : memref<2xi32, #tpu.memory_space<smem>>
          %sub3A_639 = arith.constant 1 : i32
          %sub3A_640 = vector.broadcast %sub3A_639 : i32 to vector<16xi32>
          %sub3A_641 = arith.subi %sub3A_640, %select_n3A_607 : vector<16xi32>
          %mul3A_642 = arith.muli %convert_element_type3A_598, %sub3A_641 : vector<16xi32>
          %get3A_643 = arith.constant 1 : i64
          %get3A_644 = arith.index_cast %get3A_643 : i64 to index
          %get3A_645 = memref.load %arg13[%get3A_644] : memref<2xi32, #tpu.memory_space<smem>>
          %broadcast_in_dim3A_646 = arith.constant true
          %broadcast_in_dim3A_647 = vector.broadcast %broadcast_in_dim3A_646 : i1 to vector<16xi1>
          %masked_cumsum3A_648 = tpu.scan <sum>, %mul3A_642 masked %broadcast_in_dim3A_647 : vector<16xi32>, vector<16xi1> -> vector<16xi32>
          %add3A_649 = vector.broadcast %get3A_645 : i32 to vector<16xi32>
          %add3A_650 = arith.addi %masked_cumsum3A_648, %add3A_649 : vector<16xi32>
          %gt3A_651 = arith.constant 0 : i32
          %gt3A_652 = vector.broadcast %gt3A_651 : i32 to vector<16xi32>
          %gt3A_653 = arith.cmpi sgt, %convert_element_type3A_598, %gt3A_652 : vector<16xi32>
          %lt3A_654 = arith.constant 16 : i32
          %lt3A_655 = vector.broadcast %lt3A_654 : i32 to vector<16xi32>
          %lt3A_656 = arith.cmpi slt, %add3A_650, %lt3A_655 : vector<16xi32>
          %and3A_657 = arith.andi %gt3A_653, %lt3A_656 : vector<16xi1>
          %jit3A_658 = arith.constant 0 : i64
          %convert_element_type3A_659 = arith.trunci %jit3A_658 : i64 to i32
          %broadcast_in_dim3A_660 = vector.broadcast %convert_element_type3A_659 : i32 to vector<16xi32>
          %select_n3A_661 = arith.select %and3A_657, %add3A_650, %broadcast_in_dim3A_660 : vector<16xi1>, vector<16xi32>
          tpu.vector_store_idx %arg10[%select_n3A_661], %broadcast_in_dim3A_50 {add = true} : memref<16xi32, #tpu.memory_space<vmem>>[vector<16xi32>], vector<16xi32>,
          tpu.vector_store_idx %arg11[%select_n3A_661], %add3A_531 {add = true} : memref<16xi32, #tpu.memory_space<vmem>>[vector<16xi32>], vector<16xi32>,
          %reduce_sum3A_662 = arith.constant true
          %reduce_sum3A_663 = vector.broadcast %reduce_sum3A_662 : i1 to vector<16xi1>
          %reduce_sum3A_664 = tpu.scan <sum>, %mul3A_642 masked %reduce_sum3A_663 : vector<16xi32>, vector<16xi1> -> vector<16xi32>
          %reduce_sum3A_665 = vector.extract %reduce_sum3A_664[15] : i32 from vector<16xi32>
          %add3A_666 = arith.addi %get3A_645, %reduce_sum3A_665 : i32
          %swap3A_667 = arith.constant 1 : i64
          %swap3A_668 = arith.index_cast %swap3A_667 : i64 to index
          %swap3A_669 = memref.load %arg13[%swap3A_668] : memref<2xi32, #tpu.memory_space<smem>>
          memref.store %add3A_666, %arg13[%swap3A_668] : memref<2xi32, #tpu.memory_space<smem>>
        } else {
        }
      }
      %while3A_61 = arith.constant 1 : i32
      scf.for %while3A_363 = %while3A_59 to %while3A_55 step %while3A_61  : i32 {
        %get3A_364 = arith.constant 0 : i64
        %get3A_365 = arith.index_cast %get3A_364 : i64 to index
        %get3A_366 = memref.load %arg13[%get3A_365] : memref<2xi32, #tpu.memory_space<smem>>
        %lt3A_367 = arith.constant 16 : i32
        %lt3A_368 = arith.cmpi slt, %get3A_366, %lt3A_367 : i32
        %get3A_369 = arith.constant 1 : i64
        %get3A_370 = arith.index_cast %get3A_369 : i64 to index
        %get3A_371 = memref.load %arg13[%get3A_370] : memref<2xi32, #tpu.memory_space<smem>>
        %lt3A_372 = arith.constant 16 : i32
        %lt3A_373 = arith.cmpi slt, %get3A_371, %lt3A_372 : i32
        %or3A = arith.ori %lt3A_368, %lt3A_373 : i1
        %convert_element_type3A_374 = arith.extui %or3A : i1 to i32
        %cond3A_375 = arith.constant 0 : i32
        %cond3A_376 = arith.cmpi ne, %convert_element_type3A_374, %cond3A_375 : i32
        scf.if %cond3A_376 {
          %mul3A_377 = arith.constant 2 : i32
          %mul3A_378 = arith.muli %while3A_363, %mul3A_377 : i32
          %add3A_379 = arith.constant 0 : i32
          %add3A_380 = arith.addi %mul3A_378, %add3A_379 : i32
          %mul3A_381 = arith.constant 16 : i32
          %mul3A_382 = arith.muli %add3A_380, %mul3A_381 : i32
          %add3A_383 = vector.broadcast %mul3A_382 : i32 to vector<16xi32>
          %add3A_384 = arith.addi %add3A_383, %iota3A : vector<16xi32>
          %eq3A_385 = arith.constant 0 : i32
          %eq3A_386 = vector.broadcast %eq3A_385 : i32 to vector<16xi32>
          %eq3A_387 = arith.cmpi eq, %iota3A, %eq3A_386 : vector<16xi32>
          %eq3A_388 = arith.constant 0 : i32
          %eq3A_389 = arith.cmpi eq, %while3A_363, %eq3A_388 : i32
          %and3A_390 = vector.broadcast %eq3A_389 : i1 to vector<16xi1>
          %and3A_391 = arith.andi %eq3A_387, %and3A_390 : vector<16xi1>
          %sub3A_392 = arith.constant 1 : i32
          %sub3A_393 = vector.broadcast %sub3A_392 : i32 to vector<16xi32>
          %sub3A_394 = arith.subi %add3A_384, %sub3A_393 : vector<16xi32>
          %max3A_395 = arith.constant 0 : i32
          %max3A_396 = vector.broadcast %max3A_395 : i32 to vector<16xi32>
          %max3A_397 = arith.maxsi %sub3A_394, %max3A_396 : vector<16xi32>
          %shift_right_arithmetic3A = arith.constant 7 : i32
          %shift_right_arithmetic3A_398 = vector.broadcast %shift_right_arithmetic3A : i32 to vector<16xi32>
          %shift_right_arithmetic3A_399 = arith.shrsi %add3A_384, %shift_right_arithmetic3A_398 : vector<16xi32>
          %shift_left3A = arith.constant 8 : i32
          %shift_left3A_400 = vector.broadcast %shift_left3A : i32 to vector<16xi32>
          %shift_left3A_401 = arith.shli %shift_right_arithmetic3A_399, %shift_left3A_400 : vector<16xi32>
          %and3A_402 = arith.constant 127 : i32
          %and3A_403 = vector.broadcast %and3A_402 : i32 to vector<16xi32>
          %and3A_404 = arith.andi %add3A_384, %and3A_403 : vector<16xi32>
          %add3A_405 = arith.addi %shift_left3A_401, %and3A_404 : vector<16xi32>
          %shift_right_arithmetic3A_406 = arith.constant 7 : i32
          %shift_right_arithmetic3A_407 = vector.broadcast %shift_right_arithmetic3A_406 : i32 to vector<16xi32>
          %shift_right_arithmetic3A_408 = arith.shrsi %max3A_397, %shift_right_arithmetic3A_407 : vector<16xi32>
          %shift_left3A_409 = arith.constant 8 : i32
          %shift_left3A_410 = vector.broadcast %shift_left3A_409 : i32 to vector<16xi32>
          %shift_left3A_411 = arith.shli %shift_right_arithmetic3A_408, %shift_left3A_410 : vector<16xi32>
          %and3A_412 = arith.constant 127 : i32
          %and3A_413 = vector.broadcast %and3A_412 : i32 to vector<16xi32>
          %and3A_414 = arith.andi %max3A_397, %and3A_413 : vector<16xi32>
          %add3A_415 = arith.addi %shift_left3A_411, %and3A_414 : vector<16xi32>
          %add3A_416 = arith.constant 128 : i32
          %add3A_417 = vector.broadcast %add3A_416 : i32 to vector<16xi32>
          %add3A_418 = arith.addi %add3A_405, %add3A_417 : vector<16xi32>
          %add3A_419 = arith.constant 128 : i32
          %add3A_420 = vector.broadcast %add3A_419 : i32 to vector<16xi32>
          %add3A_421 = arith.addi %add3A_415, %add3A_420 : vector<16xi32>
          %gather3A_422 = tpu.vector_load_idx %arg5[%broadcast_in_dim3A_32, %add3A_405] : memref<32x512xf32, #tpu.memory_space<vmem>>[vector<16xi32>, vector<16xi32>], vector<16xf32>,
          %gather3A_423 = tpu.vector_load_idx %arg5[%broadcast_in_dim3A_32, %add3A_418] : memref<32x512xf32, #tpu.memory_space<vmem>>[vector<16xi32>, vector<16xi32>], vector<16xf32>,
          %gather3A_424 = tpu.vector_load_idx %arg5[%broadcast_in_dim3A_32, %add3A_415] : memref<32x512xf32, #tpu.memory_space<vmem>>[vector<16xi32>, vector<16xi32>], vector<16xf32>,
          %gather3A_425 = tpu.vector_load_idx %arg5[%broadcast_in_dim3A_32, %add3A_421] : memref<32x512xf32, #tpu.memory_space<vmem>>[vector<16xi32>, vector<16xi32>], vector<16xf32>,
          %min3A_426 = arith.minimumf %gather3A_422, %gather3A_423 : vector<16xf32>
          %lt3A_427 = arith.constant 5.000000e-01 : f32
          %lt3A_428 = vector.broadcast %lt3A_427 : f32 to vector<16xf32>
          %lt3A_429 = arith.cmpf olt, %min3A_426, %lt3A_428 : vector<16xf32>
          %convert_element_type3A_430 = arith.extui %lt3A_429 : vector<16xi1> to vector<16xi32>
          %min3A_431 = arith.minimumf %gather3A_424, %gather3A_425 : vector<16xf32>
          %lt3A_432 = arith.constant 5.000000e-01 : f32
          %lt3A_433 = vector.broadcast %lt3A_432 : f32 to vector<16xf32>
          %lt3A_434 = arith.cmpf olt, %min3A_431, %lt3A_433 : vector<16xf32>
          %convert_element_type3A_435 = arith.extui %lt3A_434 : vector<16xi1> to vector<16xi32>
          %jit3A_436 = arith.constant 0 : i64
          %convert_element_type3A_437 = arith.trunci %jit3A_436 : i64 to i32
          %broadcast_in_dim3A_438 = vector.broadcast %convert_element_type3A_437 : i32 to vector<16xi32>
          %select_n3A_439 = arith.select %and3A_391, %broadcast_in_dim3A_438, %convert_element_type3A_435 : vector<16xi1>, vector<16xi32>
          %add3A_440 = arith.constant 128 : i32
          %add3A_441 = vector.broadcast %add3A_440 : i32 to vector<16xi32>
          %add3A_442 = arith.addi %add3A_405, %add3A_441 : vector<16xi32>
          %add3A_443 = arith.constant 128 : i32
          %add3A_444 = vector.broadcast %add3A_443 : i32 to vector<16xi32>
          %add3A_445 = arith.addi %add3A_415, %add3A_444 : vector<16xi32>
          %gather3A_446 = tpu.vector_load_idx %arg6[%broadcast_in_dim3A_32, %add3A_405] : memref<32x512xf32, #tpu.memory_space<vmem>>[vector<16xi32>, vector<16xi32>], vector<16xf32>,
          %gather3A_447 = tpu.vector_load_idx %arg6[%broadcast_in_dim3A_32, %add3A_442] : memref<32x512xf32, #tpu.memory_space<vmem>>[vector<16xi32>, vector<16xi32>], vector<16xf32>,
          %gather3A_448 = tpu.vector_load_idx %arg6[%broadcast_in_dim3A_32, %add3A_415] : memref<32x512xf32, #tpu.memory_space<vmem>>[vector<16xi32>, vector<16xi32>], vector<16xf32>,
          %gather3A_449 = tpu.vector_load_idx %arg6[%broadcast_in_dim3A_32, %add3A_445] : memref<32x512xf32, #tpu.memory_space<vmem>>[vector<16xi32>, vector<16xi32>], vector<16xf32>,
          %min3A_450 = arith.minimumf %gather3A_446, %gather3A_447 : vector<16xf32>
          %lt3A_451 = arith.constant 5.000000e-01 : f32
          %lt3A_452 = vector.broadcast %lt3A_451 : f32 to vector<16xf32>
          %lt3A_453 = arith.cmpf olt, %min3A_450, %lt3A_452 : vector<16xf32>
          %convert_element_type3A_454 = arith.extui %lt3A_453 : vector<16xi1> to vector<16xi32>
          %min3A_455 = arith.minimumf %gather3A_448, %gather3A_449 : vector<16xf32>
          %lt3A_456 = arith.constant 5.000000e-01 : f32
          %lt3A_457 = vector.broadcast %lt3A_456 : f32 to vector<16xf32>
          %lt3A_458 = arith.cmpf olt, %min3A_455, %lt3A_457 : vector<16xf32>
          %convert_element_type3A_459 = arith.extui %lt3A_458 : vector<16xi1> to vector<16xi32>
          %jit3A_460 = arith.constant 0 : i64
          %convert_element_type3A_461 = arith.trunci %jit3A_460 : i64 to i32
          %broadcast_in_dim3A_462 = vector.broadcast %convert_element_type3A_461 : i32 to vector<16xi32>
          %select_n3A_463 = arith.select %and3A_391, %broadcast_in_dim3A_462, %convert_element_type3A_459 : vector<16xi1>, vector<16xi32>
          %sub3A_464 = arith.constant 1 : i32
          %sub3A_465 = vector.broadcast %sub3A_464 : i32 to vector<16xi32>
          %sub3A_466 = arith.subi %sub3A_465, %select_n3A_439 : vector<16xi32>
          %mul3A_467 = arith.muli %convert_element_type3A_430, %sub3A_466 : vector<16xi32>
          %get3A_468 = arith.constant 0 : i64
          %get3A_469 = arith.index_cast %get3A_468 : i64 to index
          %get3A_470 = memref.load %arg13[%get3A_469] : memref<2xi32, #tpu.memory_space<smem>>
          %broadcast_in_dim3A_471 = arith.constant true
          %broadcast_in_dim3A_472 = vector.broadcast %broadcast_in_dim3A_471 : i1 to vector<16xi1>
          %masked_cumsum3A = tpu.scan <sum>, %mul3A_467 masked %broadcast_in_dim3A_472 : vector<16xi32>, vector<16xi1> -> vector<16xi32>
          %add3A_473 = vector.broadcast %get3A_470 : i32 to vector<16xi32>
          %add3A_474 = arith.addi %masked_cumsum3A, %add3A_473 : vector<16xi32>
          %gt3A_475 = arith.constant 0 : i32
          %gt3A_476 = vector.broadcast %gt3A_475 : i32 to vector<16xi32>
          %gt3A_477 = arith.cmpi sgt, %convert_element_type3A_430, %gt3A_476 : vector<16xi32>
          %lt3A_478 = arith.constant 16 : i32
          %lt3A_479 = vector.broadcast %lt3A_478 : i32 to vector<16xi32>
          %lt3A_480 = arith.cmpi slt, %add3A_474, %lt3A_479 : vector<16xi32>
          %and3A_481 = arith.andi %gt3A_477, %lt3A_480 : vector<16xi1>
          %jit3A_482 = arith.constant 0 : i64
          %convert_element_type3A_483 = arith.trunci %jit3A_482 : i64 to i32
          %broadcast_in_dim3A_484 = vector.broadcast %convert_element_type3A_483 : i32 to vector<16xi32>
          %select_n3A_485 = arith.select %and3A_481, %add3A_474, %broadcast_in_dim3A_484 : vector<16xi1>, vector<16xi32>
          tpu.vector_store_idx %arg8[%select_n3A_485], %broadcast_in_dim3A_50 {add = true} : memref<16xi32, #tpu.memory_space<vmem>>[vector<16xi32>], vector<16xi32>,
          tpu.vector_store_idx %arg9[%select_n3A_485], %add3A_384 {add = true} : memref<16xi32, #tpu.memory_space<vmem>>[vector<16xi32>], vector<16xi32>,
          %reduce_sum3A = arith.constant true
          %reduce_sum3A_486 = vector.broadcast %reduce_sum3A : i1 to vector<16xi1>
          %reduce_sum3A_487 = tpu.scan <sum>, %mul3A_467 masked %reduce_sum3A_486 : vector<16xi32>, vector<16xi1> -> vector<16xi32>
          %reduce_sum3A_488 = vector.extract %reduce_sum3A_487[15] : i32 from vector<16xi32>
          %add3A_489 = arith.addi %get3A_470, %reduce_sum3A_488 : i32
          %swap3A_490 = arith.constant 0 : i64
          %swap3A_491 = arith.index_cast %swap3A_490 : i64 to index
          %swap3A_492 = memref.load %arg13[%swap3A_491] : memref<2xi32, #tpu.memory_space<smem>>
          memref.store %add3A_489, %arg13[%swap3A_491] : memref<2xi32, #tpu.memory_space<smem>>
          %sub3A_493 = arith.constant 1 : i32
          %sub3A_494 = vector.broadcast %sub3A_493 : i32 to vector<16xi32>
          %sub3A_495 = arith.subi %sub3A_494, %select_n3A_463 : vector<16xi32>
          %mul3A_496 = arith.muli %convert_element_type3A_454, %sub3A_495 : vector<16xi32>
          %get3A_497 = arith.constant 1 : i64
          %get3A_498 = arith.index_cast %get3A_497 : i64 to index
          %get3A_499 = memref.load %arg13[%get3A_498] : memref<2xi32, #tpu.memory_space<smem>>
          %broadcast_in_dim3A_500 = arith.constant true
          %broadcast_in_dim3A_501 = vector.broadcast %broadcast_in_dim3A_500 : i1 to vector<16xi1>
          %masked_cumsum3A_502 = tpu.scan <sum>, %mul3A_496 masked %broadcast_in_dim3A_501 : vector<16xi32>, vector<16xi1> -> vector<16xi32>
          %add3A_503 = vector.broadcast %get3A_499 : i32 to vector<16xi32>
          %add3A_504 = arith.addi %masked_cumsum3A_502, %add3A_503 : vector<16xi32>
          %gt3A_505 = arith.constant 0 : i32
          %gt3A_506 = vector.broadcast %gt3A_505 : i32 to vector<16xi32>
          %gt3A_507 = arith.cmpi sgt, %convert_element_type3A_454, %gt3A_506 : vector<16xi32>
          %lt3A_508 = arith.constant 16 : i32
          %lt3A_509 = vector.broadcast %lt3A_508 : i32 to vector<16xi32>
          %lt3A_510 = arith.cmpi slt, %add3A_504, %lt3A_509 : vector<16xi32>
          %and3A_511 = arith.andi %gt3A_507, %lt3A_510 : vector<16xi1>
          %jit3A_512 = arith.constant 0 : i64
          %convert_element_type3A_513 = arith.trunci %jit3A_512 : i64 to i32
          %broadcast_in_dim3A_514 = vector.broadcast %convert_element_type3A_513 : i32 to vector<16xi32>
          %select_n3A_515 = arith.select %and3A_511, %add3A_504, %broadcast_in_dim3A_514 : vector<16xi1>, vector<16xi32>
          tpu.vector_store_idx %arg10[%select_n3A_515], %broadcast_in_dim3A_50 {add = true} : memref<16xi32, #tpu.memory_space<vmem>>[vector<16xi32>], vector<16xi32>,
          tpu.vector_store_idx %arg11[%select_n3A_515], %add3A_384 {add = true} : memref<16xi32, #tpu.memory_space<vmem>>[vector<16xi32>], vector<16xi32>,
          %reduce_sum3A_516 = arith.constant true
          %reduce_sum3A_517 = vector.broadcast %reduce_sum3A_516 : i1 to vector<16xi1>
          %reduce_sum3A_518 = tpu.scan <sum>, %mul3A_496 masked %reduce_sum3A_517 : vector<16xi32>, vector<16xi1> -> vector<16xi32>
          %reduce_sum3A_519 = vector.extract %reduce_sum3A_518[15] : i32 from vector<16xi32>
          %add3A_520 = arith.addi %get3A_499, %reduce_sum3A_519 : i32
          %swap3A_521 = arith.constant 1 : i64
          %swap3A_522 = arith.index_cast %swap3A_521 : i64 to index
          %swap3A_523 = memref.load %arg13[%swap3A_522] : memref<2xi32, #tpu.memory_space<smem>>
          memref.store %add3A_520, %arg13[%swap3A_522] : memref<2xi32, #tpu.memory_space<smem>>
          %mul3A_524 = arith.constant 2 : i32
          %mul3A_525 = arith.muli %while3A_363, %mul3A_524 : i32
          %add3A_526 = arith.constant 1 : i32
          %add3A_527 = arith.addi %mul3A_525, %add3A_526 : i32
          %mul3A_528 = arith.constant 16 : i32
          %mul3A_529 = arith.muli %add3A_527, %mul3A_528 : i32
          %add3A_530 = vector.broadcast %mul3A_529 : i32 to vector<16xi32>
          %add3A_531 = arith.addi %add3A_530, %iota3A : vector<16xi32>
          %broadcast_in_dim3A_532 = arith.constant false
          %broadcast_in_dim3A_533 = vector.broadcast %broadcast_in_dim3A_532 : i1 to vector<16xi1>
          %sub3A_534 = arith.constant 1 : i32
          %sub3A_535 = vector.broadcast %sub3A_534 : i32 to vector<16xi32>
          %sub3A_536 = arith.subi %add3A_531, %sub3A_535 : vector<16xi32>
          %max3A_537 = arith.constant 0 : i32
          %max3A_538 = vector.broadcast %max3A_537 : i32 to vector<16xi32>
          %max3A_539 = arith.maxsi %sub3A_536, %max3A_538 : vector<16xi32>
          %shift_right_arithmetic3A_540 = arith.constant 7 : i32
          %shift_right_arithmetic3A_541 = vector.broadcast %shift_right_arithmetic3A_540 : i32 to vector<16xi32>
          %shift_right_arithmetic3A_542 = arith.shrsi %add3A_531, %shift_right_arithmetic3A_541 : vector<16xi32>
          %shift_left3A_543 = arith.constant 8 : i32
          %shift_left3A_544 = vector.broadcast %shift_left3A_543 : i32 to vector<16xi32>
          %shift_left3A_545 = arith.shli %shift_right_arithmetic3A_542, %shift_left3A_544 : vector<16xi32>
          %and3A_546 = arith.constant 127 : i32
          %and3A_547 = vector.broadcast %and3A_546 : i32 to vector<16xi32>
          %and3A_548 = arith.andi %add3A_531, %and3A_547 : vector<16xi32>
          %add3A_549 = arith.addi %shift_left3A_545, %and3A_548 : vector<16xi32>
          %shift_right_arithmetic3A_550 = arith.constant 7 : i32
          %shift_right_arithmetic3A_551 = vector.broadcast %shift_right_arithmetic3A_550 : i32 to vector<16xi32>
          %shift_right_arithmetic3A_552 = arith.shrsi %max3A_539, %shift_right_arithmetic3A_551 : vector<16xi32>
          %shift_left3A_553 = arith.constant 8 : i32
          %shift_left3A_554 = vector.broadcast %shift_left3A_553 : i32 to vector<16xi32>
          %shift_left3A_555 = arith.shli %shift_right_arithmetic3A_552, %shift_left3A_554 : vector<16xi32>
          %and3A_556 = arith.constant 127 : i32
          %and3A_557 = vector.broadcast %and3A_556 : i32 to vector<16xi32>
          %and3A_558 = arith.andi %max3A_539, %and3A_557 : vector<16xi32>
          %add3A_559 = arith.addi %shift_left3A_555, %and3A_558 : vector<16xi32>
          %add3A_560 = arith.constant 128 : i32
          %add3A_561 = vector.broadcast %add3A_560 : i32 to vector<16xi32>
          %add3A_562 = arith.addi %add3A_549, %add3A_561 : vector<16xi32>
          %add3A_563 = arith.constant 128 : i32
          %add3A_564 = vector.broadcast %add3A_563 : i32 to vector<16xi32>
          %add3A_565 = arith.addi %add3A_559, %add3A_564 : vector<16xi32>
          %gather3A_566 = tpu.vector_load_idx %arg5[%broadcast_in_dim3A_32, %add3A_549] : memref<32x512xf32, #tpu.memory_space<vmem>>[vector<16xi32>, vector<16xi32>], vector<16xf32>,
          %gather3A_567 = tpu.vector_load_idx %arg5[%broadcast_in_dim3A_32, %add3A_562] : memref<32x512xf32, #tpu.memory_space<vmem>>[vector<16xi32>, vector<16xi32>], vector<16xf32>,
          %gather3A_568 = tpu.vector_load_idx %arg5[%broadcast_in_dim3A_32, %add3A_559] : memref<32x512xf32, #tpu.memory_space<vmem>>[vector<16xi32>, vector<16xi32>], vector<16xf32>,
          %gather3A_569 = tpu.vector_load_idx %arg5[%broadcast_in_dim3A_32, %add3A_565] : memref<32x512xf32, #tpu.memory_space<vmem>>[vector<16xi32>, vector<16xi32>], vector<16xf32>,
          %min3A_570 = arith.minimumf %gather3A_566, %gather3A_567 : vector<16xf32>
          %lt3A_571 = arith.constant 5.000000e-01 : f32
          %lt3A_572 = vector.broadcast %lt3A_571 : f32 to vector<16xf32>
          %lt3A_573 = arith.cmpf olt, %min3A_570, %lt3A_572 : vector<16xf32>
          %convert_element_type3A_574 = arith.extui %lt3A_573 : vector<16xi1> to vector<16xi32>
          %min3A_575 = arith.minimumf %gather3A_568, %gather3A_569 : vector<16xf32>
          %lt3A_576 = arith.constant 5.000000e-01 : f32
          %lt3A_577 = vector.broadcast %lt3A_576 : f32 to vector<16xf32>
          %lt3A_578 = arith.cmpf olt, %min3A_575, %lt3A_577 : vector<16xf32>
          %convert_element_type3A_579 = arith.extui %lt3A_578 : vector<16xi1> to vector<16xi32>
          %jit3A_580 = arith.constant 0 : i64
          %convert_element_type3A_581 = arith.trunci %jit3A_580 : i64 to i32
          %broadcast_in_dim3A_582 = vector.broadcast %convert_element_type3A_581 : i32 to vector<16xi32>
          %select_n3A_583 = arith.select %broadcast_in_dim3A_533, %broadcast_in_dim3A_582, %convert_element_type3A_579 : vector<16xi1>, vector<16xi32>
          %add3A_584 = arith.constant 128 : i32
          %add3A_585 = vector.broadcast %add3A_584 : i32 to vector<16xi32>
          %add3A_586 = arith.addi %add3A_549, %add3A_585 : vector<16xi32>
          %add3A_587 = arith.constant 128 : i32
          %add3A_588 = vector.broadcast %add3A_587 : i32 to vector<16xi32>
          %add3A_589 = arith.addi %add3A_559, %add3A_588 : vector<16xi32>
          %gather3A_590 = tpu.vector_load_idx %arg6[%broadcast_in_dim3A_32, %add3A_549] : memref<32x512xf32, #tpu.memory_space<vmem>>[vector<16xi32>, vector<16xi32>], vector<16xf32>,
          %gather3A_591 = tpu.vector_load_idx %arg6[%broadcast_in_dim3A_32, %add3A_586] : memref<32x512xf32, #tpu.memory_space<vmem>>[vector<16xi32>, vector<16xi32>], vector<16xf32>,
          %gather3A_592 = tpu.vector_load_idx %arg6[%broadcast_in_dim3A_32, %add3A_559] : memref<32x512xf32, #tpu.memory_space<vmem>>[vector<16xi32>, vector<16xi32>], vector<16xf32>,
          %gather3A_593 = tpu.vector_load_idx %arg6[%broadcast_in_dim3A_32, %add3A_589] : memref<32x512xf32, #tpu.memory_space<vmem>>[vector<16xi32>, vector<16xi32>], vector<16xf32>,
          %min3A_594 = arith.minimumf %gather3A_590, %gather3A_591 : vector<16xf32>
          %lt3A_595 = arith.constant 5.000000e-01 : f32
          %lt3A_596 = vector.broadcast %lt3A_595 : f32 to vector<16xf32>
          %lt3A_597 = arith.cmpf olt, %min3A_594, %lt3A_596 : vector<16xf32>
          %convert_element_type3A_598 = arith.extui %lt3A_597 : vector<16xi1> to vector<16xi32>
          %min3A_599 = arith.minimumf %gather3A_592, %gather3A_593 : vector<16xf32>
          %lt3A_600 = arith.constant 5.000000e-01 : f32
          %lt3A_601 = vector.broadcast %lt3A_600 : f32 to vector<16xf32>
          %lt3A_602 = arith.cmpf olt, %min3A_599, %lt3A_601 : vector<16xf32>
          %convert_element_type3A_603 = arith.extui %lt3A_602 : vector<16xi1> to vector<16xi32>
          %jit3A_604 = arith.constant 0 : i64
          %convert_element_type3A_605 = arith.trunci %jit3A_604 : i64 to i32
          %broadcast_in_dim3A_606 = vector.broadcast %convert_element_type3A_605 : i32 to vector<16xi32>
          %select_n3A_607 = arith.select %broadcast_in_dim3A_533, %broadcast_in_dim3A_606, %convert_element_type3A_603 : vector<16xi1>, vector<16xi32>
          %sub3A_608 = arith.constant 1 : i32
          %sub3A_609 = vector.broadcast %sub3A_608 : i32 to vector<16xi32>
          %sub3A_610 = arith.subi %sub3A_609, %select_n3A_583 : vector<16xi32>
          %mul3A_611 = arith.muli %convert_element_type3A_574, %sub3A_610 : vector<16xi32>
          %get3A_612 = arith.constant 0 : i64
          %get3A_613 = arith.index_cast %get3A_612 : i64 to index
          %get3A_614 = memref.load %arg13[%get3A_613] : memref<2xi32, #tpu.memory_space<smem>>
          %broadcast_in_dim3A_615 = arith.constant true
          %broadcast_in_dim3A_616 = vector.broadcast %broadcast_in_dim3A_615 : i1 to vector<16xi1>
          %masked_cumsum3A_617 = tpu.scan <sum>, %mul3A_611 masked %broadcast_in_dim3A_616 : vector<16xi32>, vector<16xi1> -> vector<16xi32>
          %add3A_618 = vector.broadcast %get3A_614 : i32 to vector<16xi32>
          %add3A_619 = arith.addi %masked_cumsum3A_617, %add3A_618 : vector<16xi32>
          %gt3A_620 = arith.constant 0 : i32
          %gt3A_621 = vector.broadcast %gt3A_620 : i32 to vector<16xi32>
          %gt3A_622 = arith.cmpi sgt, %convert_element_type3A_574, %gt3A_621 : vector<16xi32>
          %lt3A_623 = arith.constant 16 : i32
          %lt3A_624 = vector.broadcast %lt3A_623 : i32 to vector<16xi32>
          %lt3A_625 = arith.cmpi slt, %add3A_619, %lt3A_624 : vector<16xi32>
          %and3A_626 = arith.andi %gt3A_622, %lt3A_625 : vector<16xi1>
          %jit3A_627 = arith.constant 0 : i64
          %convert_element_type3A_628 = arith.trunci %jit3A_627 : i64 to i32
          %broadcast_in_dim3A_629 = vector.broadcast %convert_element_type3A_628 : i32 to vector<16xi32>
          %select_n3A_630 = arith.select %and3A_626, %add3A_619, %broadcast_in_dim3A_629 : vector<16xi1>, vector<16xi32>
          tpu.vector_store_idx %arg8[%select_n3A_630], %broadcast_in_dim3A_50 {add = true} : memref<16xi32, #tpu.memory_space<vmem>>[vector<16xi32>], vector<16xi32>,
          tpu.vector_store_idx %arg9[%select_n3A_630], %add3A_531 {add = true} : memref<16xi32, #tpu.memory_space<vmem>>[vector<16xi32>], vector<16xi32>,
          %reduce_sum3A_631 = arith.constant true
          %reduce_sum3A_632 = vector.broadcast %reduce_sum3A_631 : i1 to vector<16xi1>
          %reduce_sum3A_633 = tpu.scan <sum>, %mul3A_611 masked %reduce_sum3A_632 : vector<16xi32>, vector<16xi1> -> vector<16xi32>
          %reduce_sum3A_634 = vector.extract %reduce_sum3A_633[15] : i32 from vector<16xi32>
          %add3A_635 = arith.addi %get3A_614, %reduce_sum3A_634 : i32
          %swap3A_636 = arith.constant 0 : i64
          %swap3A_637 = arith.index_cast %swap3A_636 : i64 to index
          %swap3A_638 = memref.load %arg13[%swap3A_637] : memref<2xi32, #tpu.memory_space<smem>>
          memref.store %add3A_635, %arg13[%swap3A_637] : memref<2xi32, #tpu.memory_space<smem>>
          %sub3A_639 = arith.constant 1 : i32
          %sub3A_640 = vector.broadcast %sub3A_639 : i32 to vector<16xi32>
          %sub3A_641 = arith.subi %sub3A_640, %select_n3A_607 : vector<16xi32>
          %mul3A_642 = arith.muli %convert_element_type3A_598, %sub3A_641 : vector<16xi32>
          %get3A_643 = arith.constant 1 : i64
          %get3A_644 = arith.index_cast %get3A_643 : i64 to index
          %get3A_645 = memref.load %arg13[%get3A_644] : memref<2xi32, #tpu.memory_space<smem>>
          %broadcast_in_dim3A_646 = arith.constant true
          %broadcast_in_dim3A_647 = vector.broadcast %broadcast_in_dim3A_646 : i1 to vector<16xi1>
          %masked_cumsum3A_648 = tpu.scan <sum>, %mul3A_642 masked %broadcast_in_dim3A_647 : vector<16xi32>, vector<16xi1> -> vector<16xi32>
          %add3A_649 = vector.broadcast %get3A_645 : i32 to vector<16xi32>
          %add3A_650 = arith.addi %masked_cumsum3A_648, %add3A_649 : vector<16xi32>
          %gt3A_651 = arith.constant 0 : i32
          %gt3A_652 = vector.broadcast %gt3A_651 : i32 to vector<16xi32>
          %gt3A_653 = arith.cmpi sgt, %convert_element_type3A_598, %gt3A_652 : vector<16xi32>
          %lt3A_654 = arith.constant 16 : i32
          %lt3A_655 = vector.broadcast %lt3A_654 : i32 to vector<16xi32>
          %lt3A_656 = arith.cmpi slt, %add3A_650, %lt3A_655 : vector<16xi32>
          %and3A_657 = arith.andi %gt3A_653, %lt3A_656 : vector<16xi1>
          %jit3A_658 = arith.constant 0 : i64
          %convert_element_type3A_659 = arith.trunci %jit3A_658 : i64 to i32
          %broadcast_in_dim3A_660 = vector.broadcast %convert_element_type3A_659 : i32 to vector<16xi32>
          %select_n3A_661 = arith.select %and3A_657, %add3A_650, %broadcast_in_dim3A_660 : vector<16xi1>, vector<16xi32>
          tpu.vector_store_idx %arg10[%select_n3A_661], %broadcast_in_dim3A_50 {add = true} : memref<16xi32, #tpu.memory_space<vmem>>[vector<16xi32>], vector<16xi32>,
          tpu.vector_store_idx %arg11[%select_n3A_661], %add3A_531 {add = true} : memref<16xi32, #tpu.memory_space<vmem>>[vector<16xi32>], vector<16xi32>,
          %reduce_sum3A_662 = arith.constant true
          %reduce_sum3A_663 = vector.broadcast %reduce_sum3A_662 : i1 to vector<16xi1>
          %reduce_sum3A_664 = tpu.scan <sum>, %mul3A_642 masked %reduce_sum3A_663 : vector<16xi32>, vector<16xi1> -> vector<16xi32>
          %reduce_sum3A_665 = vector.extract %reduce_sum3A_664[15] : i32 from vector<16xi32>
          %add3A_666 = arith.addi %get3A_645, %reduce_sum3A_665 : i32
          %swap3A_667 = arith.constant 1 : i64
          %swap3A_668 = arith.index_cast %swap3A_667 : i64 to index
          %swap3A_669 = memref.load %arg13[%swap3A_668] : memref<2xi32, #tpu.memory_space<smem>>
          memref.store %add3A_666, %arg13[%swap3A_668] : memref<2xi32, #tpu.memory_space<smem>>
        } else {
        }
      }
      %get3A = arith.constant 0 : i64
      %get3A_62 = arith.index_cast %get3A : i64 to index
      %get3A_63 = memref.load %arg13[%get3A_62] : memref<2xi32, #tpu.memory_space<smem>>
      %lt3A = arith.constant 16 : i32
      %lt3A_64 = arith.cmpi slt, %get3A_63, %lt3A : i32
      %convert_element_type3A = arith.extui %lt3A_64 : i1 to i32
      %cond3A = arith.constant 0 : i32
      %cond3A_65 = arith.cmpi ne, %convert_element_type3A, %cond3A : i32
      scf.if %cond3A_65 {
        %add3A_363 = arith.addi %mul3A_2, %while3A_31 : i32
        "tpu.region"() ({
          %run_scoped3A = tpu.sem_alloc : memref<!tpu.dma_semaphore, #tpu.memory_space<semaphore_mem>>
          %dma_start3A_385 = arith.constant 0 : i32
          %dma_start3A_386 = tpu.memref_slice %arg2[%add3A_363, %dma_start3A_385] : memref<1024x8192xf32, #tpu.memory_space<hbm>> -> memref<1x8192xf32, #tpu.memory_space<hbm>>
          %dma_start3A_387 = tpu.memref_squeeze %dma_start3A_386 : memref<1x8192xf32, #tpu.memory_space<hbm>> -> memref<8192xf32, #tpu.memory_space<hbm>>
          %dma_start3A_388 = arith.constant 0 : i32
          %dma_start3A_389 = tpu.memref_slice %arg2[%add3A_363, %dma_start3A_388] : memref<1024x8192xf32, #tpu.memory_space<hbm>> -> memref<1x8192xf32, #tpu.memory_space<hbm>>
          %dma_start3A_390 = tpu.memref_squeeze %dma_start3A_389 : memref<1x8192xf32, #tpu.memory_space<hbm>> -> memref<8192xf32, #tpu.memory_space<hbm>>
          tpu.enqueue_dma source(%dma_start3A_390 : memref<8192xf32, #tpu.memory_space<hbm>>) target(%arg7 : memref<8192xf32, #tpu.memory_space<vmem>>) target_semaphore(%run_scoped3A : memref<!tpu.dma_semaphore, #tpu.memory_space<semaphore_mem>>)
          %dma_wait3A_391 = arith.constant 0 : i32
          %dma_wait3A_392 = tpu.memref_slice %arg2[%add3A_363, %dma_wait3A_391] : memref<1024x8192xf32, #tpu.memory_space<hbm>> -> memref<1x8192xf32, #tpu.memory_space<hbm>>
          %dma_wait3A_393 = tpu.memref_squeeze %dma_wait3A_392 : memref<1x8192xf32, #tpu.memory_space<hbm>> -> memref<8192xf32, #tpu.memory_space<hbm>>
          %dma_wait3A_394 = arith.constant 0 : i32
          %dma_wait3A_395 = tpu.memref_slice %arg2[%add3A_363, %dma_wait3A_394] : memref<1024x8192xf32, #tpu.memory_space<hbm>> -> memref<1x8192xf32, #tpu.memory_space<hbm>>
          %dma_wait3A_396 = tpu.memref_squeeze %dma_wait3A_395 : memref<1x8192xf32, #tpu.memory_space<hbm>> -> memref<8192xf32, #tpu.memory_space<hbm>>
          tpu.wait_dma2 semaphore(%run_scoped3A : memref<!tpu.dma_semaphore, #tpu.memory_space<semaphore_mem>>) src(%dma_wait3A_396 : memref<8192xf32, #tpu.memory_space<hbm>>) dst(%arg7 : memref<8192xf32, #tpu.memory_space<vmem>>)
          tpu.yield
        }) : () -> ()
        %swap3A_364 = arith.constant 0 : index
        %swap3A_365 = tpu.vector_load %arg8[%swap3A_364] {strides = array<i32>} : memref<16xi32, #tpu.memory_space<vmem>>, vector<16xi32>,
        tpu.vector_store %arg8[%swap3A_364], %broadcast_in_dim3A_3 {strides = array<i32>} : memref<16xi32, #tpu.memory_space<vmem>>, vector<16xi32>,
        %swap3A_366 = arith.constant 0 : index
        %swap3A_367 = tpu.vector_load %arg9[%swap3A_366] {strides = array<i32>} : memref<16xi32, #tpu.memory_space<vmem>>, vector<16xi32>,
        tpu.vector_store %arg9[%swap3A_366], %broadcast_in_dim3A_3 {strides = array<i32>} : memref<16xi32, #tpu.memory_space<vmem>>, vector<16xi32>,
        %swap3A_368 = arith.constant 0 : i32
        %swap3A_369 = arith.constant 0 : i64
        %swap3A_370 = arith.index_cast %swap3A_369 : i64 to index
        %swap3A_371 = memref.load %arg13[%swap3A_370] : memref<2xi32, #tpu.memory_space<smem>>
        memref.store %swap3A_368, %arg13[%swap3A_370] : memref<2xi32, #tpu.memory_space<smem>>
        %broadcast_in_dim3A_372 = arith.constant 1 : i32
        %broadcast_in_dim3A_373 = vector.broadcast %broadcast_in_dim3A_372 : i32 to vector<16xi32>
        %while3A_374 = arith.constant 0 : i32
        %while3A_375 = arith.constant 0 : i32
        %while3A_376 = arith.constant 256 : i32
        %while3A_377 = arith.subi %while3A_376, %while3A_375 : i32
        %while3A_378 = arith.addi %while3A_375, %while3A_377 : i32
        %while3A_379 = arith.constant 1 : i32
        %while3A_380 = arith.divsi %while3A_377, %while3A_379 : i32
        %while3A_381 = arith.muli %while3A_380, %while3A_379 : i32
        %while3A_382 = arith.addi %while3A_375, %while3A_381 : i32
        %while3A_383 = arith.constant 1 : i32
        scf.for %while3A_385 = %while3A_375 to %while3A_382 step %while3A_383  : i32 {
          %get3A_386 = arith.constant 0 : i64
          %get3A_387 = arith.index_cast %get3A_386 : i64 to index
          %get3A_388 = memref.load %arg13[%get3A_387] : memref<2xi32, #tpu.memory_space<smem>>
          %lt3A_389 = arith.constant 16 : i32
          %lt3A_390 = arith.cmpi slt, %get3A_388, %lt3A_389 : i32
          %convert_element_type3A_391 = arith.extui %lt3A_390 : i1 to i32
          %cond3A_392 = arith.constant 0 : i32
          %cond3A_393 = arith.cmpi ne, %convert_element_type3A_391, %cond3A_392 : i32
          scf.if %cond3A_393 {
            %mul3A_394 = arith.constant 16 : i32
            %mul3A_395 = arith.muli %while3A_385, %mul3A_394 : i32
            %add3A_396 = vector.broadcast %mul3A_395 : i32 to vector<16xi32>
            %add3A_397 = arith.addi %add3A_396, %iota3A : vector<16xi32>
            %sub3A_398 = arith.constant 1 : i32
            %sub3A_399 = vector.broadcast %sub3A_398 : i32 to vector<16xi32>
            %sub3A_400 = arith.subi %add3A_397, %sub3A_399 : vector<16xi32>
            %max3A_401 = arith.constant 0 : i32
            %max3A_402 = vector.broadcast %max3A_401 : i32 to vector<16xi32>
            %max3A_403 = arith.maxsi %sub3A_400, %max3A_402 : vector<16xi32>
            %shift_right_arithmetic3A = arith.constant 7 : i32
            %shift_right_arithmetic3A_404 = vector.broadcast %shift_right_arithmetic3A : i32 to vector<16xi32>
            %shift_right_arithmetic3A_405 = arith.shrsi %add3A_397, %shift_right_arithmetic3A_404 : vector<16xi32>
            %shift_left3A = arith.constant 8 : i32
            %shift_left3A_406 = vector.broadcast %shift_left3A : i32 to vector<16xi32>
            %shift_left3A_407 = arith.shli %shift_right_arithmetic3A_405, %shift_left3A_406 : vector<16xi32>
            %and3A_408 = arith.constant 127 : i32
            %and3A_409 = vector.broadcast %and3A_408 : i32 to vector<16xi32>
            %and3A_410 = arith.andi %add3A_397, %and3A_409 : vector<16xi32>
            %add3A_411 = arith.addi %shift_left3A_407, %and3A_410 : vector<16xi32>
            %shift_right_arithmetic3A_412 = arith.constant 7 : i32
            %shift_right_arithmetic3A_413 = vector.broadcast %shift_right_arithmetic3A_412 : i32 to vector<16xi32>
            %shift_right_arithmetic3A_414 = arith.shrsi %max3A_403, %shift_right_arithmetic3A_413 : vector<16xi32>
            %shift_left3A_415 = arith.constant 8 : i32
            %shift_left3A_416 = vector.broadcast %shift_left3A_415 : i32 to vector<16xi32>
            %shift_left3A_417 = arith.shli %shift_right_arithmetic3A_414, %shift_left3A_416 : vector<16xi32>
            %and3A_418 = arith.constant 127 : i32
            %and3A_419 = vector.broadcast %and3A_418 : i32 to vector<16xi32>
            %and3A_420 = arith.andi %max3A_403, %and3A_419 : vector<16xi32>
            %add3A_421 = arith.addi %shift_left3A_417, %and3A_420 : vector<16xi32>
            %add3A_422 = arith.constant 128 : i32
            %add3A_423 = vector.broadcast %add3A_422 : i32 to vector<16xi32>
            %add3A_424 = arith.addi %add3A_411, %add3A_423 : vector<16xi32>
            %add3A_425 = arith.constant 128 : i32
            %add3A_426 = vector.broadcast %add3A_425 : i32 to vector<16xi32>
            %add3A_427 = arith.addi %add3A_421, %add3A_426 : vector<16xi32>
            %gather3A_428 = tpu.vector_load_idx %arg7[%add3A_411] : memref<8192xf32, #tpu.memory_space<vmem>>[vector<16xi32>], vector<16xf32>,
            %gather3A_429 = tpu.vector_load_idx %arg7[%add3A_424] : memref<8192xf32, #tpu.memory_space<vmem>>[vector<16xi32>], vector<16xf32>,
            %gather3A_430 = tpu.vector_load_idx %arg7[%add3A_421] : memref<8192xf32, #tpu.memory_space<vmem>>[vector<16xi32>], vector<16xf32>,
            %gather3A_431 = tpu.vector_load_idx %arg7[%add3A_427] : memref<8192xf32, #tpu.memory_space<vmem>>[vector<16xi32>], vector<16xf32>,
            %min3A_432 = arith.minimumf %gather3A_428, %gather3A_429 : vector<16xf32>
            %lt3A_433 = arith.constant 5.000000e-01 : f32
            %lt3A_434 = vector.broadcast %lt3A_433 : f32 to vector<16xf32>
            %lt3A_435 = arith.cmpf olt, %min3A_432, %lt3A_434 : vector<16xf32>
            %convert_element_type3A_436 = arith.extui %lt3A_435 : vector<16xi1> to vector<16xi32>
            %min3A_437 = arith.minimumf %gather3A_430, %gather3A_431 : vector<16xf32>
            %lt3A_438 = arith.constant 5.000000e-01 : f32
            %lt3A_439 = vector.broadcast %lt3A_438 : f32 to vector<16xf32>
            %lt3A_440 = arith.cmpf olt, %min3A_437, %lt3A_439 : vector<16xf32>
            %convert_element_type3A_441 = arith.extui %lt3A_440 : vector<16xi1> to vector<16xi32>
            %eq3A_442 = arith.constant 0 : i32
            %eq3A_443 = vector.broadcast %eq3A_442 : i32 to vector<16xi32>
            %eq3A_444 = arith.cmpi eq, %iota3A, %eq3A_443 : vector<16xi32>
            %eq3A_445 = arith.constant 0 : i32
            %eq3A_446 = arith.cmpi eq, %while3A_385, %eq3A_445 : i32
            %and3A_447 = vector.broadcast %eq3A_446 : i1 to vector<16xi1>
            %and3A_448 = arith.andi %eq3A_444, %and3A_447 : vector<16xi1>
            %jit3A_449 = arith.constant 0 : i64
            %convert_element_type3A_450 = arith.trunci %jit3A_449 : i64 to i32
            %broadcast_in_dim3A_451 = vector.broadcast %convert_element_type3A_450 : i32 to vector<16xi32>
            %select_n3A_452 = arith.select %and3A_448, %broadcast_in_dim3A_451, %convert_element_type3A_441 : vector<16xi1>, vector<16xi32>
            %sub3A_453 = arith.constant 1 : i32
            %sub3A_454 = vector.broadcast %sub3A_453 : i32 to vector<16xi32>
            %sub3A_455 = arith.subi %sub3A_454, %select_n3A_452 : vector<16xi32>
            %mul3A_456 = arith.muli %convert_element_type3A_436, %sub3A_455 : vector<16xi32>
            %get3A_457 = arith.constant 0 : i64
            %get3A_458 = arith.index_cast %get3A_457 : i64 to index
            %get3A_459 = memref.load %arg13[%get3A_458] : memref<2xi32, #tpu.memory_space<smem>>
            %broadcast_in_dim3A_460 = arith.constant true
            %broadcast_in_dim3A_461 = vector.broadcast %broadcast_in_dim3A_460 : i1 to vector<16xi1>
            %masked_cumsum3A = tpu.scan <sum>, %mul3A_456 masked %broadcast_in_dim3A_461 : vector<16xi32>, vector<16xi1> -> vector<16xi32>
            %add3A_462 = vector.broadcast %get3A_459 : i32 to vector<16xi32>
            %add3A_463 = arith.addi %masked_cumsum3A, %add3A_462 : vector<16xi32>
            %gt3A_464 = arith.constant 0 : i32
            %gt3A_465 = vector.broadcast %gt3A_464 : i32 to vector<16xi32>
            %gt3A_466 = arith.cmpi sgt, %convert_element_type3A_436, %gt3A_465 : vector<16xi32>
            %lt3A_467 = arith.constant 16 : i32
            %lt3A_468 = vector.broadcast %lt3A_467 : i32 to vector<16xi32>
            %lt3A_469 = arith.cmpi slt, %add3A_463, %lt3A_468 : vector<16xi32>
            %and3A_470 = arith.andi %gt3A_466, %lt3A_469 : vector<16xi1>
            %jit3A_471 = arith.constant 0 : i64
            %convert_element_type3A_472 = arith.trunci %jit3A_471 : i64 to i32
            %broadcast_in_dim3A_473 = vector.broadcast %convert_element_type3A_472 : i32 to vector<16xi32>
            %select_n3A_474 = arith.select %and3A_470, %add3A_463, %broadcast_in_dim3A_473 : vector<16xi1>, vector<16xi32>
            tpu.vector_store_idx %arg8[%select_n3A_474], %broadcast_in_dim3A_373 {add = true} : memref<16xi32, #tpu.memory_space<vmem>>[vector<16xi32>], vector<16xi32>,
            tpu.vector_store_idx %arg9[%select_n3A_474], %add3A_397 {add = true} : memref<16xi32, #tpu.memory_space<vmem>>[vector<16xi32>], vector<16xi32>,
            %reduce_sum3A = arith.constant true
            %reduce_sum3A_475 = vector.broadcast %reduce_sum3A : i1 to vector<16xi1>
            %reduce_sum3A_476 = tpu.scan <sum>, %mul3A_456 masked %reduce_sum3A_475 : vector<16xi32>, vector<16xi1> -> vector<16xi32>
            %reduce_sum3A_477 = vector.extract %reduce_sum3A_476[15] : i32 from vector<16xi32>
            %add3A_478 = arith.addi %get3A_459, %reduce_sum3A_477 : i32
            %swap3A_479 = arith.constant 0 : i64
            %swap3A_480 = arith.index_cast %swap3A_479 : i64 to index
            %swap3A_481 = memref.load %arg13[%swap3A_480] : memref<2xi32, #tpu.memory_space<smem>>
            memref.store %add3A_478, %arg13[%swap3A_480] : memref<2xi32, #tpu.memory_space<smem>>
          } else {
          }
        }
        %while3A_384 = arith.constant 1 : i32
        scf.for %while3A_385 = %while3A_382 to %while3A_378 step %while3A_384  : i32 {
          %get3A_386 = arith.constant 0 : i64
          %get3A_387 = arith.index_cast %get3A_386 : i64 to index
          %get3A_388 = memref.load %arg13[%get3A_387] : memref<2xi32, #tpu.memory_space<smem>>
          %lt3A_389 = arith.constant 16 : i32
          %lt3A_390 = arith.cmpi slt, %get3A_388, %lt3A_389 : i32
          %convert_element_type3A_391 = arith.extui %lt3A_390 : i1 to i32
          %cond3A_392 = arith.constant 0 : i32
          %cond3A_393 = arith.cmpi ne, %convert_element_type3A_391, %cond3A_392 : i32
          scf.if %cond3A_393 {
            %mul3A_394 = arith.constant 16 : i32
            %mul3A_395 = arith.muli %while3A_385, %mul3A_394 : i32
            %add3A_396 = vector.broadcast %mul3A_395 : i32 to vector<16xi32>
            %add3A_397 = arith.addi %add3A_396, %iota3A : vector<16xi32>
            %sub3A_398 = arith.constant 1 : i32
            %sub3A_399 = vector.broadcast %sub3A_398 : i32 to vector<16xi32>
            %sub3A_400 = arith.subi %add3A_397, %sub3A_399 : vector<16xi32>
            %max3A_401 = arith.constant 0 : i32
            %max3A_402 = vector.broadcast %max3A_401 : i32 to vector<16xi32>
            %max3A_403 = arith.maxsi %sub3A_400, %max3A_402 : vector<16xi32>
            %shift_right_arithmetic3A = arith.constant 7 : i32
            %shift_right_arithmetic3A_404 = vector.broadcast %shift_right_arithmetic3A : i32 to vector<16xi32>
            %shift_right_arithmetic3A_405 = arith.shrsi %add3A_397, %shift_right_arithmetic3A_404 : vector<16xi32>
            %shift_left3A = arith.constant 8 : i32
            %shift_left3A_406 = vector.broadcast %shift_left3A : i32 to vector<16xi32>
            %shift_left3A_407 = arith.shli %shift_right_arithmetic3A_405, %shift_left3A_406 : vector<16xi32>
            %and3A_408 = arith.constant 127 : i32
            %and3A_409 = vector.broadcast %and3A_408 : i32 to vector<16xi32>
            %and3A_410 = arith.andi %add3A_397, %and3A_409 : vector<16xi32>
            %add3A_411 = arith.addi %shift_left3A_407, %and3A_410 : vector<16xi32>
            %shift_right_arithmetic3A_412 = arith.constant 7 : i32
            %shift_right_arithmetic3A_413 = vector.broadcast %shift_right_arithmetic3A_412 : i32 to vector<16xi32>
            %shift_right_arithmetic3A_414 = arith.shrsi %max3A_403, %shift_right_arithmetic3A_413 : vector<16xi32>
            %shift_left3A_415 = arith.constant 8 : i32
            %shift_left3A_416 = vector.broadcast %shift_left3A_415 : i32 to vector<16xi32>
            %shift_left3A_417 = arith.shli %shift_right_arithmetic3A_414, %shift_left3A_416 : vector<16xi32>
            %and3A_418 = arith.constant 127 : i32
            %and3A_419 = vector.broadcast %and3A_418 : i32 to vector<16xi32>
            %and3A_420 = arith.andi %max3A_403, %and3A_419 : vector<16xi32>
            %add3A_421 = arith.addi %shift_left3A_417, %and3A_420 : vector<16xi32>
            %add3A_422 = arith.constant 128 : i32
            %add3A_423 = vector.broadcast %add3A_422 : i32 to vector<16xi32>
            %add3A_424 = arith.addi %add3A_411, %add3A_423 : vector<16xi32>
            %add3A_425 = arith.constant 128 : i32
            %add3A_426 = vector.broadcast %add3A_425 : i32 to vector<16xi32>
            %add3A_427 = arith.addi %add3A_421, %add3A_426 : vector<16xi32>
            %gather3A_428 = tpu.vector_load_idx %arg7[%add3A_411] : memref<8192xf32, #tpu.memory_space<vmem>>[vector<16xi32>], vector<16xf32>,
            %gather3A_429 = tpu.vector_load_idx %arg7[%add3A_424] : memref<8192xf32, #tpu.memory_space<vmem>>[vector<16xi32>], vector<16xf32>,
            %gather3A_430 = tpu.vector_load_idx %arg7[%add3A_421] : memref<8192xf32, #tpu.memory_space<vmem>>[vector<16xi32>], vector<16xf32>,
            %gather3A_431 = tpu.vector_load_idx %arg7[%add3A_427] : memref<8192xf32, #tpu.memory_space<vmem>>[vector<16xi32>], vector<16xf32>,
            %min3A_432 = arith.minimumf %gather3A_428, %gather3A_429 : vector<16xf32>
            %lt3A_433 = arith.constant 5.000000e-01 : f32
            %lt3A_434 = vector.broadcast %lt3A_433 : f32 to vector<16xf32>
            %lt3A_435 = arith.cmpf olt, %min3A_432, %lt3A_434 : vector<16xf32>
            %convert_element_type3A_436 = arith.extui %lt3A_435 : vector<16xi1> to vector<16xi32>
            %min3A_437 = arith.minimumf %gather3A_430, %gather3A_431 : vector<16xf32>
            %lt3A_438 = arith.constant 5.000000e-01 : f32
            %lt3A_439 = vector.broadcast %lt3A_438 : f32 to vector<16xf32>
            %lt3A_440 = arith.cmpf olt, %min3A_437, %lt3A_439 : vector<16xf32>
            %convert_element_type3A_441 = arith.extui %lt3A_440 : vector<16xi1> to vector<16xi32>
            %eq3A_442 = arith.constant 0 : i32
            %eq3A_443 = vector.broadcast %eq3A_442 : i32 to vector<16xi32>
            %eq3A_444 = arith.cmpi eq, %iota3A, %eq3A_443 : vector<16xi32>
            %eq3A_445 = arith.constant 0 : i32
            %eq3A_446 = arith.cmpi eq, %while3A_385, %eq3A_445 : i32
            %and3A_447 = vector.broadcast %eq3A_446 : i1 to vector<16xi1>
            %and3A_448 = arith.andi %eq3A_444, %and3A_447 : vector<16xi1>
            %jit3A_449 = arith.constant 0 : i64
            %convert_element_type3A_450 = arith.trunci %jit3A_449 : i64 to i32
            %broadcast_in_dim3A_451 = vector.broadcast %convert_element_type3A_450 : i32 to vector<16xi32>
            %select_n3A_452 = arith.select %and3A_448, %broadcast_in_dim3A_451, %convert_element_type3A_441 : vector<16xi1>, vector<16xi32>
            %sub3A_453 = arith.constant 1 : i32
            %sub3A_454 = vector.broadcast %sub3A_453 : i32 to vector<16xi32>
            %sub3A_455 = arith.subi %sub3A_454, %select_n3A_452 : vector<16xi32>
            %mul3A_456 = arith.muli %convert_element_type3A_436, %sub3A_455 : vector<16xi32>
            %get3A_457 = arith.constant 0 : i64
            %get3A_458 = arith.index_cast %get3A_457 : i64 to index
            %get3A_459 = memref.load %arg13[%get3A_458] : memref<2xi32, #tpu.memory_space<smem>>
            %broadcast_in_dim3A_460 = arith.constant true
            %broadcast_in_dim3A_461 = vector.broadcast %broadcast_in_dim3A_460 : i1 to vector<16xi1>
            %masked_cumsum3A = tpu.scan <sum>, %mul3A_456 masked %broadcast_in_dim3A_461 : vector<16xi32>, vector<16xi1> -> vector<16xi32>
            %add3A_462 = vector.broadcast %get3A_459 : i32 to vector<16xi32>
            %add3A_463 = arith.addi %masked_cumsum3A, %add3A_462 : vector<16xi32>
            %gt3A_464 = arith.constant 0 : i32
            %gt3A_465 = vector.broadcast %gt3A_464 : i32 to vector<16xi32>
            %gt3A_466 = arith.cmpi sgt, %convert_element_type3A_436, %gt3A_465 : vector<16xi32>
            %lt3A_467 = arith.constant 16 : i32
            %lt3A_468 = vector.broadcast %lt3A_467 : i32 to vector<16xi32>
            %lt3A_469 = arith.cmpi slt, %add3A_463, %lt3A_468 : vector<16xi32>
            %and3A_470 = arith.andi %gt3A_466, %lt3A_469 : vector<16xi1>
            %jit3A_471 = arith.constant 0 : i64
            %convert_element_type3A_472 = arith.trunci %jit3A_471 : i64 to i32
            %broadcast_in_dim3A_473 = vector.broadcast %convert_element_type3A_472 : i32 to vector<16xi32>
            %select_n3A_474 = arith.select %and3A_470, %add3A_463, %broadcast_in_dim3A_473 : vector<16xi1>, vector<16xi32>
            tpu.vector_store_idx %arg8[%select_n3A_474], %broadcast_in_dim3A_373 {add = true} : memref<16xi32, #tpu.memory_space<vmem>>[vector<16xi32>], vector<16xi32>,
            tpu.vector_store_idx %arg9[%select_n3A_474], %add3A_397 {add = true} : memref<16xi32, #tpu.memory_space<vmem>>[vector<16xi32>], vector<16xi32>,
            %reduce_sum3A = arith.constant true
            %reduce_sum3A_475 = vector.broadcast %reduce_sum3A : i1 to vector<16xi1>
            %reduce_sum3A_476 = tpu.scan <sum>, %mul3A_456 masked %reduce_sum3A_475 : vector<16xi32>, vector<16xi1> -> vector<16xi32>
            %reduce_sum3A_477 = vector.extract %reduce_sum3A_476[15] : i32 from vector<16xi32>
            %add3A_478 = arith.addi %get3A_459, %reduce_sum3A_477 : i32
            %swap3A_479 = arith.constant 0 : i64
            %swap3A_480 = arith.index_cast %swap3A_479 : i64 to index
            %swap3A_481 = memref.load %arg13[%swap3A_480] : memref<2xi32, #tpu.memory_space<smem>>
            memref.store %add3A_478, %arg13[%swap3A_480] : memref<2xi32, #tpu.memory_space<smem>>
          } else {
          }
        }
      } else {
      }
      %get3A_66 = arith.constant 1 : i64
      %get3A_67 = arith.index_cast %get3A_66 : i64 to index
      %get3A_68 = memref.load %arg13[%get3A_67] : memref<2xi32, #tpu.memory_space<smem>>
      %lt3A_69 = arith.constant 16 : i32
      %lt3A_70 = arith.cmpi slt, %get3A_68, %lt3A_69 : i32
      %convert_element_type3A_71 = arith.extui %lt3A_70 : i1 to i32
      %cond3A_72 = arith.constant 0 : i32
      %cond3A_73 = arith.cmpi ne, %convert_element_type3A_71, %cond3A_72 : i32
      scf.if %cond3A_73 {
        %add3A_363 = arith.addi %mul3A_2, %while3A_31 : i32
        "tpu.region"() ({
          %run_scoped3A = tpu.sem_alloc : memref<!tpu.dma_semaphore, #tpu.memory_space<semaphore_mem>>
          %dma_start3A_385 = arith.constant 0 : i32
          %dma_start3A_386 = tpu.memref_slice %arg3[%add3A_363, %dma_start3A_385] : memref<1024x8192xf32, #tpu.memory_space<hbm>> -> memref<1x8192xf32, #tpu.memory_space<hbm>>
          %dma_start3A_387 = tpu.memref_squeeze %dma_start3A_386 : memref<1x8192xf32, #tpu.memory_space<hbm>> -> memref<8192xf32, #tpu.memory_space<hbm>>
          %dma_start3A_388 = arith.constant 0 : i32
          %dma_start3A_389 = tpu.memref_slice %arg3[%add3A_363, %dma_start3A_388] : memref<1024x8192xf32, #tpu.memory_space<hbm>> -> memref<1x8192xf32, #tpu.memory_space<hbm>>
          %dma_start3A_390 = tpu.memref_squeeze %dma_start3A_389 : memref<1x8192xf32, #tpu.memory_space<hbm>> -> memref<8192xf32, #tpu.memory_space<hbm>>
          tpu.enqueue_dma source(%dma_start3A_390 : memref<8192xf32, #tpu.memory_space<hbm>>) target(%arg7 : memref<8192xf32, #tpu.memory_space<vmem>>) target_semaphore(%run_scoped3A : memref<!tpu.dma_semaphore, #tpu.memory_space<semaphore_mem>>)
          %dma_wait3A_391 = arith.constant 0 : i32
          %dma_wait3A_392 = tpu.memref_slice %arg3[%add3A_363, %dma_wait3A_391] : memref<1024x8192xf32, #tpu.memory_space<hbm>> -> memref<1x8192xf32, #tpu.memory_space<hbm>>
          %dma_wait3A_393 = tpu.memref_squeeze %dma_wait3A_392 : memref<1x8192xf32, #tpu.memory_space<hbm>> -> memref<8192xf32, #tpu.memory_space<hbm>>
          %dma_wait3A_394 = arith.constant 0 : i32
          %dma_wait3A_395 = tpu.memref_slice %arg3[%add3A_363, %dma_wait3A_394] : memref<1024x8192xf32, #tpu.memory_space<hbm>> -> memref<1x8192xf32, #tpu.memory_space<hbm>>
          %dma_wait3A_396 = tpu.memref_squeeze %dma_wait3A_395 : memref<1x8192xf32, #tpu.memory_space<hbm>> -> memref<8192xf32, #tpu.memory_space<hbm>>
          tpu.wait_dma2 semaphore(%run_scoped3A : memref<!tpu.dma_semaphore, #tpu.memory_space<semaphore_mem>>) src(%dma_wait3A_396 : memref<8192xf32, #tpu.memory_space<hbm>>) dst(%arg7 : memref<8192xf32, #tpu.memory_space<vmem>>)
          tpu.yield
        }) : () -> ()
        %swap3A_364 = arith.constant 0 : index
        %swap3A_365 = tpu.vector_load %arg10[%swap3A_364] {strides = array<i32>} : memref<16xi32, #tpu.memory_space<vmem>>, vector<16xi32>,
        tpu.vector_store %arg10[%swap3A_364], %broadcast_in_dim3A_3 {strides = array<i32>} : memref<16xi32, #tpu.memory_space<vmem>>, vector<16xi32>,
        %swap3A_366 = arith.constant 0 : index
        %swap3A_367 = tpu.vector_load %arg11[%swap3A_366] {strides = array<i32>} : memref<16xi32, #tpu.memory_space<vmem>>, vector<16xi32>,
        tpu.vector_store %arg11[%swap3A_366], %broadcast_in_dim3A_3 {strides = array<i32>} : memref<16xi32, #tpu.memory_space<vmem>>, vector<16xi32>,
        %swap3A_368 = arith.constant 0 : i32
        %swap3A_369 = arith.constant 1 : i64
        %swap3A_370 = arith.index_cast %swap3A_369 : i64 to index
        %swap3A_371 = memref.load %arg13[%swap3A_370] : memref<2xi32, #tpu.memory_space<smem>>
        memref.store %swap3A_368, %arg13[%swap3A_370] : memref<2xi32, #tpu.memory_space<smem>>
        %broadcast_in_dim3A_372 = arith.constant 1 : i32
        %broadcast_in_dim3A_373 = vector.broadcast %broadcast_in_dim3A_372 : i32 to vector<16xi32>
        %while3A_374 = arith.constant 0 : i32
        %while3A_375 = arith.constant 0 : i32
        %while3A_376 = arith.constant 256 : i32
        %while3A_377 = arith.subi %while3A_376, %while3A_375 : i32
        %while3A_378 = arith.addi %while3A_375, %while3A_377 : i32
        %while3A_379 = arith.constant 1 : i32
        %while3A_380 = arith.divsi %while3A_377, %while3A_379 : i32
        %while3A_381 = arith.muli %while3A_380, %while3A_379 : i32
        %while3A_382 = arith.addi %while3A_375, %while3A_381 : i32
        %while3A_383 = arith.constant 1 : i32
        scf.for %while3A_385 = %while3A_375 to %while3A_382 step %while3A_383  : i32 {
          %get3A_386 = arith.constant 1 : i64
          %get3A_387 = arith.index_cast %get3A_386 : i64 to index
          %get3A_388 = memref.load %arg13[%get3A_387] : memref<2xi32, #tpu.memory_space<smem>>
          %lt3A_389 = arith.constant 16 : i32
          %lt3A_390 = arith.cmpi slt, %get3A_388, %lt3A_389 : i32
          %convert_element_type3A_391 = arith.extui %lt3A_390 : i1 to i32
          %cond3A_392 = arith.constant 0 : i32
          %cond3A_393 = arith.cmpi ne, %convert_element_type3A_391, %cond3A_392 : i32
          scf.if %cond3A_393 {
            %mul3A_394 = arith.constant 16 : i32
            %mul3A_395 = arith.muli %while3A_385, %mul3A_394 : i32
            %add3A_396 = vector.broadcast %mul3A_395 : i32 to vector<16xi32>
            %add3A_397 = arith.addi %add3A_396, %iota3A : vector<16xi32>
            %sub3A_398 = arith.constant 1 : i32
            %sub3A_399 = vector.broadcast %sub3A_398 : i32 to vector<16xi32>
            %sub3A_400 = arith.subi %add3A_397, %sub3A_399 : vector<16xi32>
            %max3A_401 = arith.constant 0 : i32
            %max3A_402 = vector.broadcast %max3A_401 : i32 to vector<16xi32>
            %max3A_403 = arith.maxsi %sub3A_400, %max3A_402 : vector<16xi32>
            %shift_right_arithmetic3A = arith.constant 7 : i32
            %shift_right_arithmetic3A_404 = vector.broadcast %shift_right_arithmetic3A : i32 to vector<16xi32>
            %shift_right_arithmetic3A_405 = arith.shrsi %add3A_397, %shift_right_arithmetic3A_404 : vector<16xi32>
            %shift_left3A = arith.constant 8 : i32
            %shift_left3A_406 = vector.broadcast %shift_left3A : i32 to vector<16xi32>
            %shift_left3A_407 = arith.shli %shift_right_arithmetic3A_405, %shift_left3A_406 : vector<16xi32>
            %and3A_408 = arith.constant 127 : i32
            %and3A_409 = vector.broadcast %and3A_408 : i32 to vector<16xi32>
            %and3A_410 = arith.andi %add3A_397, %and3A_409 : vector<16xi32>
            %add3A_411 = arith.addi %shift_left3A_407, %and3A_410 : vector<16xi32>
            %shift_right_arithmetic3A_412 = arith.constant 7 : i32
            %shift_right_arithmetic3A_413 = vector.broadcast %shift_right_arithmetic3A_412 : i32 to vector<16xi32>
            %shift_right_arithmetic3A_414 = arith.shrsi %max3A_403, %shift_right_arithmetic3A_413 : vector<16xi32>
            %shift_left3A_415 = arith.constant 8 : i32
            %shift_left3A_416 = vector.broadcast %shift_left3A_415 : i32 to vector<16xi32>
            %shift_left3A_417 = arith.shli %shift_right_arithmetic3A_414, %shift_left3A_416 : vector<16xi32>
            %and3A_418 = arith.constant 127 : i32
            %and3A_419 = vector.broadcast %and3A_418 : i32 to vector<16xi32>
            %and3A_420 = arith.andi %max3A_403, %and3A_419 : vector<16xi32>
            %add3A_421 = arith.addi %shift_left3A_417, %and3A_420 : vector<16xi32>
            %add3A_422 = arith.constant 128 : i32
            %add3A_423 = vector.broadcast %add3A_422 : i32 to vector<16xi32>
            %add3A_424 = arith.addi %add3A_411, %add3A_423 : vector<16xi32>
            %add3A_425 = arith.constant 128 : i32
            %add3A_426 = vector.broadcast %add3A_425 : i32 to vector<16xi32>
            %add3A_427 = arith.addi %add3A_421, %add3A_426 : vector<16xi32>
            %gather3A_428 = tpu.vector_load_idx %arg7[%add3A_411] : memref<8192xf32, #tpu.memory_space<vmem>>[vector<16xi32>], vector<16xf32>,
            %gather3A_429 = tpu.vector_load_idx %arg7[%add3A_424] : memref<8192xf32, #tpu.memory_space<vmem>>[vector<16xi32>], vector<16xf32>,
            %gather3A_430 = tpu.vector_load_idx %arg7[%add3A_421] : memref<8192xf32, #tpu.memory_space<vmem>>[vector<16xi32>], vector<16xf32>,
            %gather3A_431 = tpu.vector_load_idx %arg7[%add3A_427] : memref<8192xf32, #tpu.memory_space<vmem>>[vector<16xi32>], vector<16xf32>,
            %min3A_432 = arith.minimumf %gather3A_428, %gather3A_429 : vector<16xf32>
            %lt3A_433 = arith.constant 5.000000e-01 : f32
            %lt3A_434 = vector.broadcast %lt3A_433 : f32 to vector<16xf32>
            %lt3A_435 = arith.cmpf olt, %min3A_432, %lt3A_434 : vector<16xf32>
            %convert_element_type3A_436 = arith.extui %lt3A_435 : vector<16xi1> to vector<16xi32>
            %min3A_437 = arith.minimumf %gather3A_430, %gather3A_431 : vector<16xf32>
            %lt3A_438 = arith.constant 5.000000e-01 : f32
            %lt3A_439 = vector.broadcast %lt3A_438 : f32 to vector<16xf32>
            %lt3A_440 = arith.cmpf olt, %min3A_437, %lt3A_439 : vector<16xf32>
            %convert_element_type3A_441 = arith.extui %lt3A_440 : vector<16xi1> to vector<16xi32>
            %eq3A_442 = arith.constant 0 : i32
            %eq3A_443 = vector.broadcast %eq3A_442 : i32 to vector<16xi32>
            %eq3A_444 = arith.cmpi eq, %iota3A, %eq3A_443 : vector<16xi32>
            %eq3A_445 = arith.constant 0 : i32
            %eq3A_446 = arith.cmpi eq, %while3A_385, %eq3A_445 : i32
            %and3A_447 = vector.broadcast %eq3A_446 : i1 to vector<16xi1>
            %and3A_448 = arith.andi %eq3A_444, %and3A_447 : vector<16xi1>
            %jit3A_449 = arith.constant 0 : i64
            %convert_element_type3A_450 = arith.trunci %jit3A_449 : i64 to i32
            %broadcast_in_dim3A_451 = vector.broadcast %convert_element_type3A_450 : i32 to vector<16xi32>
            %select_n3A_452 = arith.select %and3A_448, %broadcast_in_dim3A_451, %convert_element_type3A_441 : vector<16xi1>, vector<16xi32>
            %sub3A_453 = arith.constant 1 : i32
            %sub3A_454 = vector.broadcast %sub3A_453 : i32 to vector<16xi32>
            %sub3A_455 = arith.subi %sub3A_454, %select_n3A_452 : vector<16xi32>
            %mul3A_456 = arith.muli %convert_element_type3A_436, %sub3A_455 : vector<16xi32>
            %get3A_457 = arith.constant 1 : i64
            %get3A_458 = arith.index_cast %get3A_457 : i64 to index
            %get3A_459 = memref.load %arg13[%get3A_458] : memref<2xi32, #tpu.memory_space<smem>>
            %broadcast_in_dim3A_460 = arith.constant true
            %broadcast_in_dim3A_461 = vector.broadcast %broadcast_in_dim3A_460 : i1 to vector<16xi1>
            %masked_cumsum3A = tpu.scan <sum>, %mul3A_456 masked %broadcast_in_dim3A_461 : vector<16xi32>, vector<16xi1> -> vector<16xi32>
            %add3A_462 = vector.broadcast %get3A_459 : i32 to vector<16xi32>
            %add3A_463 = arith.addi %masked_cumsum3A, %add3A_462 : vector<16xi32>
            %gt3A_464 = arith.constant 0 : i32
            %gt3A_465 = vector.broadcast %gt3A_464 : i32 to vector<16xi32>
            %gt3A_466 = arith.cmpi sgt, %convert_element_type3A_436, %gt3A_465 : vector<16xi32>
            %lt3A_467 = arith.constant 16 : i32
            %lt3A_468 = vector.broadcast %lt3A_467 : i32 to vector<16xi32>
            %lt3A_469 = arith.cmpi slt, %add3A_463, %lt3A_468 : vector<16xi32>
            %and3A_470 = arith.andi %gt3A_466, %lt3A_469 : vector<16xi1>
            %jit3A_471 = arith.constant 0 : i64
            %convert_element_type3A_472 = arith.trunci %jit3A_471 : i64 to i32
            %broadcast_in_dim3A_473 = vector.broadcast %convert_element_type3A_472 : i32 to vector<16xi32>
            %select_n3A_474 = arith.select %and3A_470, %add3A_463, %broadcast_in_dim3A_473 : vector<16xi1>, vector<16xi32>
            tpu.vector_store_idx %arg10[%select_n3A_474], %broadcast_in_dim3A_373 {add = true} : memref<16xi32, #tpu.memory_space<vmem>>[vector<16xi32>], vector<16xi32>,
            tpu.vector_store_idx %arg11[%select_n3A_474], %add3A_397 {add = true} : memref<16xi32, #tpu.memory_space<vmem>>[vector<16xi32>], vector<16xi32>,
            %reduce_sum3A = arith.constant true
            %reduce_sum3A_475 = vector.broadcast %reduce_sum3A : i1 to vector<16xi1>
            %reduce_sum3A_476 = tpu.scan <sum>, %mul3A_456 masked %reduce_sum3A_475 : vector<16xi32>, vector<16xi1> -> vector<16xi32>
            %reduce_sum3A_477 = vector.extract %reduce_sum3A_476[15] : i32 from vector<16xi32>
            %add3A_478 = arith.addi %get3A_459, %reduce_sum3A_477 : i32
            %swap3A_479 = arith.constant 1 : i64
            %swap3A_480 = arith.index_cast %swap3A_479 : i64 to index
            %swap3A_481 = memref.load %arg13[%swap3A_480] : memref<2xi32, #tpu.memory_space<smem>>
            memref.store %add3A_478, %arg13[%swap3A_480] : memref<2xi32, #tpu.memory_space<smem>>
          } else {
          }
        }
        %while3A_384 = arith.constant 1 : i32
        scf.for %while3A_385 = %while3A_382 to %while3A_378 step %while3A_384  : i32 {
          %get3A_386 = arith.constant 1 : i64
          %get3A_387 = arith.index_cast %get3A_386 : i64 to index
          %get3A_388 = memref.load %arg13[%get3A_387] : memref<2xi32, #tpu.memory_space<smem>>
          %lt3A_389 = arith.constant 16 : i32
          %lt3A_390 = arith.cmpi slt, %get3A_388, %lt3A_389 : i32
          %convert_element_type3A_391 = arith.extui %lt3A_390 : i1 to i32
          %cond3A_392 = arith.constant 0 : i32
          %cond3A_393 = arith.cmpi ne, %convert_element_type3A_391, %cond3A_392 : i32
          scf.if %cond3A_393 {
            %mul3A_394 = arith.constant 16 : i32
            %mul3A_395 = arith.muli %while3A_385, %mul3A_394 : i32
            %add3A_396 = vector.broadcast %mul3A_395 : i32 to vector<16xi32>
            %add3A_397 = arith.addi %add3A_396, %iota3A : vector<16xi32>
            %sub3A_398 = arith.constant 1 : i32
            %sub3A_399 = vector.broadcast %sub3A_398 : i32 to vector<16xi32>
            %sub3A_400 = arith.subi %add3A_397, %sub3A_399 : vector<16xi32>
            %max3A_401 = arith.constant 0 : i32
            %max3A_402 = vector.broadcast %max3A_401 : i32 to vector<16xi32>
            %max3A_403 = arith.maxsi %sub3A_400, %max3A_402 : vector<16xi32>
            %shift_right_arithmetic3A = arith.constant 7 : i32
            %shift_right_arithmetic3A_404 = vector.broadcast %shift_right_arithmetic3A : i32 to vector<16xi32>
            %shift_right_arithmetic3A_405 = arith.shrsi %add3A_397, %shift_right_arithmetic3A_404 : vector<16xi32>
            %shift_left3A = arith.constant 8 : i32
            %shift_left3A_406 = vector.broadcast %shift_left3A : i32 to vector<16xi32>
            %shift_left3A_407 = arith.shli %shift_right_arithmetic3A_405, %shift_left3A_406 : vector<16xi32>
            %and3A_408 = arith.constant 127 : i32
            %and3A_409 = vector.broadcast %and3A_408 : i32 to vector<16xi32>
            %and3A_410 = arith.andi %add3A_397, %and3A_409 : vector<16xi32>
            %add3A_411 = arith.addi %shift_left3A_407, %and3A_410 : vector<16xi32>
            %shift_right_arithmetic3A_412 = arith.constant 7 : i32
            %shift_right_arithmetic3A_413 = vector.broadcast %shift_right_arithmetic3A_412 : i32 to vector<16xi32>
            %shift_right_arithmetic3A_414 = arith.shrsi %max3A_403, %shift_right_arithmetic3A_413 : vector<16xi32>
            %shift_left3A_415 = arith.constant 8 : i32
            %shift_left3A_416 = vector.broadcast %shift_left3A_415 : i32 to vector<16xi32>
            %shift_left3A_417 = arith.shli %shift_right_arithmetic3A_414, %shift_left3A_416 : vector<16xi32>
            %and3A_418 = arith.constant 127 : i32
            %and3A_419 = vector.broadcast %and3A_418 : i32 to vector<16xi32>
            %and3A_420 = arith.andi %max3A_403, %and3A_419 : vector<16xi32>
            %add3A_421 = arith.addi %shift_left3A_417, %and3A_420 : vector<16xi32>
            %add3A_422 = arith.constant 128 : i32
            %add3A_423 = vector.broadcast %add3A_422 : i32 to vector<16xi32>
            %add3A_424 = arith.addi %add3A_411, %add3A_423 : vector<16xi32>
            %add3A_425 = arith.constant 128 : i32
            %add3A_426 = vector.broadcast %add3A_425 : i32 to vector<16xi32>
            %add3A_427 = arith.addi %add3A_421, %add3A_426 : vector<16xi32>
            %gather3A_428 = tpu.vector_load_idx %arg7[%add3A_411] : memref<8192xf32, #tpu.memory_space<vmem>>[vector<16xi32>], vector<16xf32>,
            %gather3A_429 = tpu.vector_load_idx %arg7[%add3A_424] : memref<8192xf32, #tpu.memory_space<vmem>>[vector<16xi32>], vector<16xf32>,
            %gather3A_430 = tpu.vector_load_idx %arg7[%add3A_421] : memref<8192xf32, #tpu.memory_space<vmem>>[vector<16xi32>], vector<16xf32>,
            %gather3A_431 = tpu.vector_load_idx %arg7[%add3A_427] : memref<8192xf32, #tpu.memory_space<vmem>>[vector<16xi32>], vector<16xf32>,
            %min3A_432 = arith.minimumf %gather3A_428, %gather3A_429 : vector<16xf32>
            %lt3A_433 = arith.constant 5.000000e-01 : f32
            %lt3A_434 = vector.broadcast %lt3A_433 : f32 to vector<16xf32>
            %lt3A_435 = arith.cmpf olt, %min3A_432, %lt3A_434 : vector<16xf32>
            %convert_element_type3A_436 = arith.extui %lt3A_435 : vector<16xi1> to vector<16xi32>
            %min3A_437 = arith.minimumf %gather3A_430, %gather3A_431 : vector<16xf32>
            %lt3A_438 = arith.constant 5.000000e-01 : f32
            %lt3A_439 = vector.broadcast %lt3A_438 : f32 to vector<16xf32>
            %lt3A_440 = arith.cmpf olt, %min3A_437, %lt3A_439 : vector<16xf32>
            %convert_element_type3A_441 = arith.extui %lt3A_440 : vector<16xi1> to vector<16xi32>
            %eq3A_442 = arith.constant 0 : i32
            %eq3A_443 = vector.broadcast %eq3A_442 : i32 to vector<16xi32>
            %eq3A_444 = arith.cmpi eq, %iota3A, %eq3A_443 : vector<16xi32>
            %eq3A_445 = arith.constant 0 : i32
            %eq3A_446 = arith.cmpi eq, %while3A_385, %eq3A_445 : i32
            %and3A_447 = vector.broadcast %eq3A_446 : i1 to vector<16xi1>
            %and3A_448 = arith.andi %eq3A_444, %and3A_447 : vector<16xi1>
            %jit3A_449 = arith.constant 0 : i64
            %convert_element_type3A_450 = arith.trunci %jit3A_449 : i64 to i32
            %broadcast_in_dim3A_451 = vector.broadcast %convert_element_type3A_450 : i32 to vector<16xi32>
            %select_n3A_452 = arith.select %and3A_448, %broadcast_in_dim3A_451, %convert_element_type3A_441 : vector<16xi1>, vector<16xi32>
            %sub3A_453 = arith.constant 1 : i32
            %sub3A_454 = vector.broadcast %sub3A_453 : i32 to vector<16xi32>
            %sub3A_455 = arith.subi %sub3A_454, %select_n3A_452 : vector<16xi32>
            %mul3A_456 = arith.muli %convert_element_type3A_436, %sub3A_455 : vector<16xi32>
            %get3A_457 = arith.constant 1 : i64
            %get3A_458 = arith.index_cast %get3A_457 : i64 to index
            %get3A_459 = memref.load %arg13[%get3A_458] : memref<2xi32, #tpu.memory_space<smem>>
            %broadcast_in_dim3A_460 = arith.constant true
            %broadcast_in_dim3A_461 = vector.broadcast %broadcast_in_dim3A_460 : i1 to vector<16xi1>
            %masked_cumsum3A = tpu.scan <sum>, %mul3A_456 masked %broadcast_in_dim3A_461 : vector<16xi32>, vector<16xi1> -> vector<16xi32>
            %add3A_462 = vector.broadcast %get3A_459 : i32 to vector<16xi32>
            %add3A_463 = arith.addi %masked_cumsum3A, %add3A_462 : vector<16xi32>
            %gt3A_464 = arith.constant 0 : i32
            %gt3A_465 = vector.broadcast %gt3A_464 : i32 to vector<16xi32>
            %gt3A_466 = arith.cmpi sgt, %convert_element_type3A_436, %gt3A_465 : vector<16xi32>
            %lt3A_467 = arith.constant 16 : i32
            %lt3A_468 = vector.broadcast %lt3A_467 : i32 to vector<16xi32>
            %lt3A_469 = arith.cmpi slt, %add3A_463, %lt3A_468 : vector<16xi32>
            %and3A_470 = arith.andi %gt3A_466, %lt3A_469 : vector<16xi1>
            %jit3A_471 = arith.constant 0 : i64
            %convert_element_type3A_472 = arith.trunci %jit3A_471 : i64 to i32
            %broadcast_in_dim3A_473 = vector.broadcast %convert_element_type3A_472 : i32 to vector<16xi32>
            %select_n3A_474 = arith.select %and3A_470, %add3A_463, %broadcast_in_dim3A_473 : vector<16xi1>, vector<16xi32>
            tpu.vector_store_idx %arg10[%select_n3A_474], %broadcast_in_dim3A_373 {add = true} : memref<16xi32, #tpu.memory_space<vmem>>[vector<16xi32>], vector<16xi32>,
            tpu.vector_store_idx %arg11[%select_n3A_474], %add3A_397 {add = true} : memref<16xi32, #tpu.memory_space<vmem>>[vector<16xi32>], vector<16xi32>,
            %reduce_sum3A = arith.constant true
            %reduce_sum3A_475 = vector.broadcast %reduce_sum3A : i1 to vector<16xi1>
            %reduce_sum3A_476 = tpu.scan <sum>, %mul3A_456 masked %reduce_sum3A_475 : vector<16xi32>, vector<16xi1> -> vector<16xi32>
            %reduce_sum3A_477 = vector.extract %reduce_sum3A_476[15] : i32 from vector<16xi32>
            %add3A_478 = arith.addi %get3A_459, %reduce_sum3A_477 : i32
            %swap3A_479 = arith.constant 1 : i64
            %swap3A_480 = arith.index_cast %swap3A_479 : i64 to index
            %swap3A_481 = memref.load %arg13[%swap3A_480] : memref<2xi32, #tpu.memory_space<smem>>
            memref.store %add3A_478, %arg13[%swap3A_480] : memref<2xi32, #tpu.memory_space<smem>>
          } else {
          }
        }
      } else {
      }
      %get3A_74 = arith.constant 0 : index
      %get3A_75 = tpu.vector_load %arg8[%get3A_74] {strides = array<i32>} : memref<16xi32, #tpu.memory_space<vmem>>, vector<16xi32>,
      %get3A_76 = arith.constant 0 : index
      %get3A_77 = tpu.vector_load %arg9[%get3A_76] {strides = array<i32>} : memref<16xi32, #tpu.memory_space<vmem>>, vector<16xi32>,
      %gt3A = arith.constant 0 : i32
      %gt3A_78 = vector.broadcast %gt3A : i32 to vector<16xi32>
      %gt3A_79 = arith.cmpi sgt, %get3A_75, %gt3A_78 : vector<16xi32>
      %ge3A = arith.constant 1 : i32
      %ge3A_80 = vector.broadcast %ge3A : i32 to vector<16xi32>
      %ge3A_81 = arith.cmpi sge, %iota3A, %ge3A_80 : vector<16xi32>
      %and3A = arith.andi %gt3A_79, %ge3A_81 : vector<16xi1>
      %jit3A = arith.constant 0 : i64
      %convert_element_type3A_82 = arith.trunci %jit3A : i64 to i32
      %broadcast_in_dim3A_83 = vector.broadcast %convert_element_type3A_82 : i32 to vector<16xi32>
      %select_n3A = arith.select %and3A, %iota3A, %broadcast_in_dim3A_83 : vector<16xi1>, vector<16xi32>
      %reduce_max3A = arith.constant true
      %reduce_max3A_84 = vector.broadcast %reduce_max3A : i1 to vector<16xi1>
      %reduce_max3A_85 = arith.constant -2147483648 : i32
      %reduce_max3A_86 = vector.broadcast %reduce_max3A_85 : i32 to vector<16xi32>
      %reduce_max3A_87 = arith.xori %select_n3A, %reduce_max3A_86 : vector<16xi32>
      %reduce_max3A_88 = tpu.scan <max>, %reduce_max3A_87 masked %reduce_max3A_84 : vector<16xi32>, vector<16xi1> -> vector<16xi32>
      %reduce_max3A_89 = arith.xori %reduce_max3A_88, %reduce_max3A_86 : vector<16xi32>
      %reduce_max3A_90 = vector.extract %reduce_max3A_89[15] : i32 from vector<16xi32>
      %convert_element_type3A_91 = arith.sitofp %get3A_77 : vector<16xi32> to vector<16xf32>
      %max3A = arith.constant 1 : i32
      %max3A_92 = vector.broadcast %max3A : i32 to vector<16xi32>
      %max3A_93 = arith.maxsi %get3A_75, %max3A_92 : vector<16xi32>
      %convert_element_type3A_94 = arith.sitofp %max3A_93 : vector<16xi32> to vector<16xf32>
      %div3A = arith.divf %convert_element_type3A_91, %convert_element_type3A_94 : vector<16xf32>
      %ge3A_95 = arith.constant 1 : i32
      %ge3A_96 = vector.broadcast %ge3A_95 : i32 to vector<16xi32>
      %ge3A_97 = arith.cmpi sge, %iota3A, %ge3A_96 : vector<16xi32>
      %le3A = vector.broadcast %reduce_max3A_90 : i32 to vector<16xi32>
      %le3A_98 = arith.cmpi sle, %iota3A, %le3A : vector<16xi32>
      %and3A_99 = arith.andi %ge3A_97, %le3A_98 : vector<16xi1>
      %get3A_100 = arith.constant 0 : index
      %get3A_101 = tpu.vector_load %arg10[%get3A_100] {strides = array<i32>} : memref<16xi32, #tpu.memory_space<vmem>>, vector<16xi32>,
      %get3A_102 = arith.constant 0 : index
      %get3A_103 = tpu.vector_load %arg11[%get3A_102] {strides = array<i32>} : memref<16xi32, #tpu.memory_space<vmem>>, vector<16xi32>,
      %gt3A_104 = arith.constant 0 : i32
      %gt3A_105 = vector.broadcast %gt3A_104 : i32 to vector<16xi32>
      %gt3A_106 = arith.cmpi sgt, %get3A_101, %gt3A_105 : vector<16xi32>
      %ge3A_107 = arith.constant 1 : i32
      %ge3A_108 = vector.broadcast %ge3A_107 : i32 to vector<16xi32>
      %ge3A_109 = arith.cmpi sge, %iota3A, %ge3A_108 : vector<16xi32>
      %and3A_110 = arith.andi %gt3A_106, %ge3A_109 : vector<16xi1>
      %jit3A_111 = arith.constant 0 : i64
      %convert_element_type3A_112 = arith.trunci %jit3A_111 : i64 to i32
      %broadcast_in_dim3A_113 = vector.broadcast %convert_element_type3A_112 : i32 to vector<16xi32>
      %select_n3A_114 = arith.select %and3A_110, %iota3A, %broadcast_in_dim3A_113 : vector<16xi1>, vector<16xi32>
      %reduce_max3A_115 = arith.constant true
      %reduce_max3A_116 = vector.broadcast %reduce_max3A_115 : i1 to vector<16xi1>
      %reduce_max3A_117 = arith.constant -2147483648 : i32
      %reduce_max3A_118 = vector.broadcast %reduce_max3A_117 : i32 to vector<16xi32>
      %reduce_max3A_119 = arith.xori %select_n3A_114, %reduce_max3A_118 : vector<16xi32>
      %reduce_max3A_120 = tpu.scan <max>, %reduce_max3A_119 masked %reduce_max3A_116 : vector<16xi32>, vector<16xi1> -> vector<16xi32>
      %reduce_max3A_121 = arith.xori %reduce_max3A_120, %reduce_max3A_118 : vector<16xi32>
      %reduce_max3A_122 = vector.extract %reduce_max3A_121[15] : i32 from vector<16xi32>
      %convert_element_type3A_123 = arith.sitofp %get3A_103 : vector<16xi32> to vector<16xf32>
      %max3A_124 = arith.constant 1 : i32
      %max3A_125 = vector.broadcast %max3A_124 : i32 to vector<16xi32>
      %max3A_126 = arith.maxsi %get3A_101, %max3A_125 : vector<16xi32>
      %convert_element_type3A_127 = arith.sitofp %max3A_126 : vector<16xi32> to vector<16xf32>
      %div3A_128 = arith.divf %convert_element_type3A_123, %convert_element_type3A_127 : vector<16xf32>
      %ge3A_129 = arith.constant 1 : i32
      %ge3A_130 = vector.broadcast %ge3A_129 : i32 to vector<16xi32>
      %ge3A_131 = arith.cmpi sge, %iota3A, %ge3A_130 : vector<16xi32>
      %le3A_132 = vector.broadcast %reduce_max3A_122 : i32 to vector<16xi32>
      %le3A_133 = arith.cmpi sle, %iota3A, %le3A_132 : vector<16xi32>
      %and3A_134 = arith.andi %ge3A_131, %le3A_133 : vector<16xi1>
      %jit3A_135 = arith.constant 1.000000e+09 : f32
      %broadcast_in_dim3A_136 = vector.broadcast %jit3A_135 : f32 to vector<16xf32>
      %select_n3A_137 = arith.select %and3A_99, %div3A, %broadcast_in_dim3A_136 : vector<16xi1>, vector<16xf32>
      %sub3A = arith.subf %div3A_128, %select_n3A_137 : vector<16xf32>
      %abs3A = math.absf %sub3A : vector<16xf32>
      %add3A_138 = arith.constant 1 : i32
      %add3A_139 = vector.broadcast %add3A_138 : i32 to vector<16xi32>
      %add3A_140 = arith.addi %iota3A, %add3A_139 : vector<16xi32>
      %and3A_141 = arith.constant 15 : i32
      %and3A_142 = vector.broadcast %and3A_141 : i32 to vector<16xi32>
      %and3A_143 = arith.andi %add3A_140, %and3A_142 : vector<16xi32>
      %broadcast_in_dim3A_144 = vector.shape_cast %and3A_143 : vector<16xi32> to vector<16x1xi32>
      %gather3A = vector.shape_cast %broadcast_in_dim3A_144 : vector<16x1xi32> to vector<16xi32>
      %gather3A_145 = tpu.dynamic_gather %select_n3A_137[%gather3A] in [0] : vector<16xf32>, vector<16xi32> -> vector<16xf32>
      %sub3A_146 = arith.subf %div3A_128, %gather3A_145 : vector<16xf32>
      %abs3A_147 = math.absf %sub3A_146 : vector<16xf32>
      %min3A = arith.minimumf %abs3A, %abs3A_147 : vector<16xf32>
      %add3A_148 = arith.constant 2 : i32
      %add3A_149 = vector.broadcast %add3A_148 : i32 to vector<16xi32>
      %add3A_150 = arith.addi %iota3A, %add3A_149 : vector<16xi32>
      %and3A_151 = arith.constant 15 : i32
      %and3A_152 = vector.broadcast %and3A_151 : i32 to vector<16xi32>
      %and3A_153 = arith.andi %add3A_150, %and3A_152 : vector<16xi32>
      %broadcast_in_dim3A_154 = vector.shape_cast %and3A_153 : vector<16xi32> to vector<16x1xi32>
      %gather3A_155 = vector.shape_cast %broadcast_in_dim3A_154 : vector<16x1xi32> to vector<16xi32>
      %gather3A_156 = tpu.dynamic_gather %select_n3A_137[%gather3A_155] in [0] : vector<16xf32>, vector<16xi32> -> vector<16xf32>
      %sub3A_157 = arith.subf %div3A_128, %gather3A_156 : vector<16xf32>
      %abs3A_158 = math.absf %sub3A_157 : vector<16xf32>
      %min3A_159 = arith.minimumf %min3A, %abs3A_158 : vector<16xf32>
      %add3A_160 = arith.constant 3 : i32
      %add3A_161 = vector.broadcast %add3A_160 : i32 to vector<16xi32>
      %add3A_162 = arith.addi %iota3A, %add3A_161 : vector<16xi32>
      %and3A_163 = arith.constant 15 : i32
      %and3A_164 = vector.broadcast %and3A_163 : i32 to vector<16xi32>
      %and3A_165 = arith.andi %add3A_162, %and3A_164 : vector<16xi32>
      %broadcast_in_dim3A_166 = vector.shape_cast %and3A_165 : vector<16xi32> to vector<16x1xi32>
      %gather3A_167 = vector.shape_cast %broadcast_in_dim3A_166 : vector<16x1xi32> to vector<16xi32>
      %gather3A_168 = tpu.dynamic_gather %select_n3A_137[%gather3A_167] in [0] : vector<16xf32>, vector<16xi32> -> vector<16xf32>
      %sub3A_169 = arith.subf %div3A_128, %gather3A_168 : vector<16xf32>
      %abs3A_170 = math.absf %sub3A_169 : vector<16xf32>
      %min3A_171 = arith.minimumf %min3A_159, %abs3A_170 : vector<16xf32>
      %add3A_172 = arith.constant 4 : i32
      %add3A_173 = vector.broadcast %add3A_172 : i32 to vector<16xi32>
      %add3A_174 = arith.addi %iota3A, %add3A_173 : vector<16xi32>
      %and3A_175 = arith.constant 15 : i32
      %and3A_176 = vector.broadcast %and3A_175 : i32 to vector<16xi32>
      %and3A_177 = arith.andi %add3A_174, %and3A_176 : vector<16xi32>
      %broadcast_in_dim3A_178 = vector.shape_cast %and3A_177 : vector<16xi32> to vector<16x1xi32>
      %gather3A_179 = vector.shape_cast %broadcast_in_dim3A_178 : vector<16x1xi32> to vector<16xi32>
      %gather3A_180 = tpu.dynamic_gather %select_n3A_137[%gather3A_179] in [0] : vector<16xf32>, vector<16xi32> -> vector<16xf32>
      %sub3A_181 = arith.subf %div3A_128, %gather3A_180 : vector<16xf32>
      %abs3A_182 = math.absf %sub3A_181 : vector<16xf32>
      %min3A_183 = arith.minimumf %min3A_171, %abs3A_182 : vector<16xf32>
      %add3A_184 = arith.constant 5 : i32
      %add3A_185 = vector.broadcast %add3A_184 : i32 to vector<16xi32>
      %add3A_186 = arith.addi %iota3A, %add3A_185 : vector<16xi32>
      %and3A_187 = arith.constant 15 : i32
      %and3A_188 = vector.broadcast %and3A_187 : i32 to vector<16xi32>
      %and3A_189 = arith.andi %add3A_186, %and3A_188 : vector<16xi32>
      %broadcast_in_dim3A_190 = vector.shape_cast %and3A_189 : vector<16xi32> to vector<16x1xi32>
      %gather3A_191 = vector.shape_cast %broadcast_in_dim3A_190 : vector<16x1xi32> to vector<16xi32>
      %gather3A_192 = tpu.dynamic_gather %select_n3A_137[%gather3A_191] in [0] : vector<16xf32>, vector<16xi32> -> vector<16xf32>
      %sub3A_193 = arith.subf %div3A_128, %gather3A_192 : vector<16xf32>
      %abs3A_194 = math.absf %sub3A_193 : vector<16xf32>
      %min3A_195 = arith.minimumf %min3A_183, %abs3A_194 : vector<16xf32>
      %add3A_196 = arith.constant 6 : i32
      %add3A_197 = vector.broadcast %add3A_196 : i32 to vector<16xi32>
      %add3A_198 = arith.addi %iota3A, %add3A_197 : vector<16xi32>
      %and3A_199 = arith.constant 15 : i32
      %and3A_200 = vector.broadcast %and3A_199 : i32 to vector<16xi32>
      %and3A_201 = arith.andi %add3A_198, %and3A_200 : vector<16xi32>
      %broadcast_in_dim3A_202 = vector.shape_cast %and3A_201 : vector<16xi32> to vector<16x1xi32>
      %gather3A_203 = vector.shape_cast %broadcast_in_dim3A_202 : vector<16x1xi32> to vector<16xi32>
      %gather3A_204 = tpu.dynamic_gather %select_n3A_137[%gather3A_203] in [0] : vector<16xf32>, vector<16xi32> -> vector<16xf32>
      %sub3A_205 = arith.subf %div3A_128, %gather3A_204 : vector<16xf32>
      %abs3A_206 = math.absf %sub3A_205 : vector<16xf32>
      %min3A_207 = arith.minimumf %min3A_195, %abs3A_206 : vector<16xf32>
      %add3A_208 = arith.constant 7 : i32
      %add3A_209 = vector.broadcast %add3A_208 : i32 to vector<16xi32>
      %add3A_210 = arith.addi %iota3A, %add3A_209 : vector<16xi32>
      %and3A_211 = arith.constant 15 : i32
      %and3A_212 = vector.broadcast %and3A_211 : i32 to vector<16xi32>
      %and3A_213 = arith.andi %add3A_210, %and3A_212 : vector<16xi32>
      %broadcast_in_dim3A_214 = vector.shape_cast %and3A_213 : vector<16xi32> to vector<16x1xi32>
      %gather3A_215 = vector.shape_cast %broadcast_in_dim3A_214 : vector<16x1xi32> to vector<16xi32>
      %gather3A_216 = tpu.dynamic_gather %select_n3A_137[%gather3A_215] in [0] : vector<16xf32>, vector<16xi32> -> vector<16xf32>
      %sub3A_217 = arith.subf %div3A_128, %gather3A_216 : vector<16xf32>
      %abs3A_218 = math.absf %sub3A_217 : vector<16xf32>
      %min3A_219 = arith.minimumf %min3A_207, %abs3A_218 : vector<16xf32>
      %add3A_220 = arith.constant 8 : i32
      %add3A_221 = vector.broadcast %add3A_220 : i32 to vector<16xi32>
      %add3A_222 = arith.addi %iota3A, %add3A_221 : vector<16xi32>
      %and3A_223 = arith.constant 15 : i32
      %and3A_224 = vector.broadcast %and3A_223 : i32 to vector<16xi32>
      %and3A_225 = arith.andi %add3A_222, %and3A_224 : vector<16xi32>
      %broadcast_in_dim3A_226 = vector.shape_cast %and3A_225 : vector<16xi32> to vector<16x1xi32>
      %gather3A_227 = vector.shape_cast %broadcast_in_dim3A_226 : vector<16x1xi32> to vector<16xi32>
      %gather3A_228 = tpu.dynamic_gather %select_n3A_137[%gather3A_227] in [0] : vector<16xf32>, vector<16xi32> -> vector<16xf32>
      %sub3A_229 = arith.subf %div3A_128, %gather3A_228 : vector<16xf32>
      %abs3A_230 = math.absf %sub3A_229 : vector<16xf32>
      %min3A_231 = arith.minimumf %min3A_219, %abs3A_230 : vector<16xf32>
      %add3A_232 = arith.constant 9 : i32
      %add3A_233 = vector.broadcast %add3A_232 : i32 to vector<16xi32>
      %add3A_234 = arith.addi %iota3A, %add3A_233 : vector<16xi32>
      %and3A_235 = arith.constant 15 : i32
      %and3A_236 = vector.broadcast %and3A_235 : i32 to vector<16xi32>
      %and3A_237 = arith.andi %add3A_234, %and3A_236 : vector<16xi32>
      %broadcast_in_dim3A_238 = vector.shape_cast %and3A_237 : vector<16xi32> to vector<16x1xi32>
      %gather3A_239 = vector.shape_cast %broadcast_in_dim3A_238 : vector<16x1xi32> to vector<16xi32>
      %gather3A_240 = tpu.dynamic_gather %select_n3A_137[%gather3A_239] in [0] : vector<16xf32>, vector<16xi32> -> vector<16xf32>
      %sub3A_241 = arith.subf %div3A_128, %gather3A_240 : vector<16xf32>
      %abs3A_242 = math.absf %sub3A_241 : vector<16xf32>
      %min3A_243 = arith.minimumf %min3A_231, %abs3A_242 : vector<16xf32>
      %add3A_244 = arith.constant 10 : i32
      %add3A_245 = vector.broadcast %add3A_244 : i32 to vector<16xi32>
      %add3A_246 = arith.addi %iota3A, %add3A_245 : vector<16xi32>
      %and3A_247 = arith.constant 15 : i32
      %and3A_248 = vector.broadcast %and3A_247 : i32 to vector<16xi32>
      %and3A_249 = arith.andi %add3A_246, %and3A_248 : vector<16xi32>
      %broadcast_in_dim3A_250 = vector.shape_cast %and3A_249 : vector<16xi32> to vector<16x1xi32>
      %gather3A_251 = vector.shape_cast %broadcast_in_dim3A_250 : vector<16x1xi32> to vector<16xi32>
      %gather3A_252 = tpu.dynamic_gather %select_n3A_137[%gather3A_251] in [0] : vector<16xf32>, vector<16xi32> -> vector<16xf32>
      %sub3A_253 = arith.subf %div3A_128, %gather3A_252 : vector<16xf32>
      %abs3A_254 = math.absf %sub3A_253 : vector<16xf32>
      %min3A_255 = arith.minimumf %min3A_243, %abs3A_254 : vector<16xf32>
      %add3A_256 = arith.constant 11 : i32
      %add3A_257 = vector.broadcast %add3A_256 : i32 to vector<16xi32>
      %add3A_258 = arith.addi %iota3A, %add3A_257 : vector<16xi32>
      %and3A_259 = arith.constant 15 : i32
      %and3A_260 = vector.broadcast %and3A_259 : i32 to vector<16xi32>
      %and3A_261 = arith.andi %add3A_258, %and3A_260 : vector<16xi32>
      %broadcast_in_dim3A_262 = vector.shape_cast %and3A_261 : vector<16xi32> to vector<16x1xi32>
      %gather3A_263 = vector.shape_cast %broadcast_in_dim3A_262 : vector<16x1xi32> to vector<16xi32>
      %gather3A_264 = tpu.dynamic_gather %select_n3A_137[%gather3A_263] in [0] : vector<16xf32>, vector<16xi32> -> vector<16xf32>
      %sub3A_265 = arith.subf %div3A_128, %gather3A_264 : vector<16xf32>
      %abs3A_266 = math.absf %sub3A_265 : vector<16xf32>
      %min3A_267 = arith.minimumf %min3A_255, %abs3A_266 : vector<16xf32>
      %add3A_268 = arith.constant 12 : i32
      %add3A_269 = vector.broadcast %add3A_268 : i32 to vector<16xi32>
      %add3A_270 = arith.addi %iota3A, %add3A_269 : vector<16xi32>
      %and3A_271 = arith.constant 15 : i32
      %and3A_272 = vector.broadcast %and3A_271 : i32 to vector<16xi32>
      %and3A_273 = arith.andi %add3A_270, %and3A_272 : vector<16xi32>
      %broadcast_in_dim3A_274 = vector.shape_cast %and3A_273 : vector<16xi32> to vector<16x1xi32>
      %gather3A_275 = vector.shape_cast %broadcast_in_dim3A_274 : vector<16x1xi32> to vector<16xi32>
      %gather3A_276 = tpu.dynamic_gather %select_n3A_137[%gather3A_275] in [0] : vector<16xf32>, vector<16xi32> -> vector<16xf32>
      %sub3A_277 = arith.subf %div3A_128, %gather3A_276 : vector<16xf32>
      %abs3A_278 = math.absf %sub3A_277 : vector<16xf32>
      %min3A_279 = arith.minimumf %min3A_267, %abs3A_278 : vector<16xf32>
      %add3A_280 = arith.constant 13 : i32
      %add3A_281 = vector.broadcast %add3A_280 : i32 to vector<16xi32>
      %add3A_282 = arith.addi %iota3A, %add3A_281 : vector<16xi32>
      %and3A_283 = arith.constant 15 : i32
      %and3A_284 = vector.broadcast %and3A_283 : i32 to vector<16xi32>
      %and3A_285 = arith.andi %add3A_282, %and3A_284 : vector<16xi32>
      %broadcast_in_dim3A_286 = vector.shape_cast %and3A_285 : vector<16xi32> to vector<16x1xi32>
      %gather3A_287 = vector.shape_cast %broadcast_in_dim3A_286 : vector<16x1xi32> to vector<16xi32>
      %gather3A_288 = tpu.dynamic_gather %select_n3A_137[%gather3A_287] in [0] : vector<16xf32>, vector<16xi32> -> vector<16xf32>
      %sub3A_289 = arith.subf %div3A_128, %gather3A_288 : vector<16xf32>
      %abs3A_290 = math.absf %sub3A_289 : vector<16xf32>
      %min3A_291 = arith.minimumf %min3A_279, %abs3A_290 : vector<16xf32>
      %add3A_292 = arith.constant 14 : i32
      %add3A_293 = vector.broadcast %add3A_292 : i32 to vector<16xi32>
      %add3A_294 = arith.addi %iota3A, %add3A_293 : vector<16xi32>
      %and3A_295 = arith.constant 15 : i32
      %and3A_296 = vector.broadcast %and3A_295 : i32 to vector<16xi32>
      %and3A_297 = arith.andi %add3A_294, %and3A_296 : vector<16xi32>
      %broadcast_in_dim3A_298 = vector.shape_cast %and3A_297 : vector<16xi32> to vector<16x1xi32>
      %gather3A_299 = vector.shape_cast %broadcast_in_dim3A_298 : vector<16x1xi32> to vector<16xi32>
      %gather3A_300 = tpu.dynamic_gather %select_n3A_137[%gather3A_299] in [0] : vector<16xf32>, vector<16xi32> -> vector<16xf32>
      %sub3A_301 = arith.subf %div3A_128, %gather3A_300 : vector<16xf32>
      %abs3A_302 = math.absf %sub3A_301 : vector<16xf32>
      %min3A_303 = arith.minimumf %min3A_291, %abs3A_302 : vector<16xf32>
      %add3A_304 = arith.constant 15 : i32
      %add3A_305 = vector.broadcast %add3A_304 : i32 to vector<16xi32>
      %add3A_306 = arith.addi %iota3A, %add3A_305 : vector<16xi32>
      %and3A_307 = arith.constant 15 : i32
      %and3A_308 = vector.broadcast %and3A_307 : i32 to vector<16xi32>
      %and3A_309 = arith.andi %add3A_306, %and3A_308 : vector<16xi32>
      %broadcast_in_dim3A_310 = vector.shape_cast %and3A_309 : vector<16xi32> to vector<16x1xi32>
      %gather3A_311 = vector.shape_cast %broadcast_in_dim3A_310 : vector<16x1xi32> to vector<16xi32>
      %gather3A_312 = tpu.dynamic_gather %select_n3A_137[%gather3A_311] in [0] : vector<16xf32>, vector<16xi32> -> vector<16xf32>
      %sub3A_313 = arith.subf %div3A_128, %gather3A_312 : vector<16xf32>
      %abs3A_314 = math.absf %sub3A_313 : vector<16xf32>
      %min3A_315 = arith.minimumf %min3A_303, %abs3A_314 : vector<16xf32>
      %jit3A_316 = arith.constant -1.000000e+00 : f32
      %broadcast_in_dim3A_317 = vector.broadcast %jit3A_316 : f32 to vector<16xf32>
      %select_n3A_318 = arith.select %and3A_134, %min3A_315, %broadcast_in_dim3A_317 : vector<16xi1>, vector<16xf32>
      %reduce_max3A_319 = arith.constant true
      %reduce_max3A_320 = vector.broadcast %reduce_max3A_319 : i1 to vector<16xi1>
      %reduce_max3A_321 = tpu.scan <max>, %select_n3A_318 masked %reduce_max3A_320 : vector<16xf32>, vector<16xi1> -> vector<16xf32>
      %reduce_max3A_322 = vector.extract %reduce_max3A_321[15] : f32 from vector<16xf32>
      %gt3A_323 = arith.constant 0 : i32
      %gt3A_324 = arith.cmpi sgt, %reduce_max3A_90, %gt3A_323 : i32
      %gt3A_325 = arith.constant 0 : i32
      %gt3A_326 = arith.cmpi sgt, %reduce_max3A_122, %gt3A_325 : i32
      %and3A_327 = arith.andi %gt3A_324, %gt3A_326 : i1
      %jit3A_328 = arith.constant 0.000000e+00 : f32
      %select_n3A_329 = arith.select %and3A_327, %reduce_max3A_322, %jit3A_328 : f32
      %jit3A_330 = arith.constant 1.000000e+00 : f32
      %jit3A_331 = arith.constant 0.000000e+00 : f32
      %select_n3A_332 = arith.select %and3A_327, %jit3A_330, %jit3A_331 : f32
      %sub3A_333 = arith.subi %reduce_max3A_90, %reduce_max3A_122 : i32
      %abs3A_334 = math.absi %sub3A_333 : i32
      %convert_element_type3A_335 = arith.sitofp %abs3A_334 : i32 to f32
      %eq3A = arith.constant 0 : i32
      %eq3A_336 = vector.broadcast %eq3A : i32 to vector<16xi32>
      %eq3A_337 = arith.cmpi eq, %iota3A, %eq3A_336 : vector<16xi32>
      %jit3A_338 = arith.constant 0.000000e+00 : f32
      %broadcast_in_dim3A_339 = vector.broadcast %convert_element_type3A_335 : f32 to vector<16xf32>
      %broadcast_in_dim3A_340 = vector.broadcast %jit3A_338 : f32 to vector<16xf32>
      %select_n3A_341 = arith.select %eq3A_337, %broadcast_in_dim3A_339, %broadcast_in_dim3A_340 : vector<16xi1>, vector<16xf32>
      %eq3A_342 = arith.constant 1 : i32
      %eq3A_343 = vector.broadcast %eq3A_342 : i32 to vector<16xi32>
      %eq3A_344 = arith.cmpi eq, %iota3A, %eq3A_343 : vector<16xi32>
      %jit3A_345 = arith.constant 0.000000e+00 : f32
      %broadcast_in_dim3A_346 = vector.broadcast %select_n3A_329 : f32 to vector<16xf32>
      %broadcast_in_dim3A_347 = vector.broadcast %jit3A_345 : f32 to vector<16xf32>
      %select_n3A_348 = arith.select %eq3A_344, %broadcast_in_dim3A_346, %broadcast_in_dim3A_347 : vector<16xi1>, vector<16xf32>
      %add3A_349 = arith.addf %select_n3A_341, %select_n3A_348 : vector<16xf32>
      %eq3A_350 = arith.constant 2 : i32
      %eq3A_351 = vector.broadcast %eq3A_350 : i32 to vector<16xi32>
      %eq3A_352 = arith.cmpi eq, %iota3A, %eq3A_351 : vector<16xi32>
      %jit3A_353 = arith.constant 0.000000e+00 : f32
      %broadcast_in_dim3A_354 = vector.broadcast %select_n3A_332 : f32 to vector<16xf32>
      %broadcast_in_dim3A_355 = vector.broadcast %jit3A_353 : f32 to vector<16xf32>
      %select_n3A_356 = arith.select %eq3A_352, %broadcast_in_dim3A_354, %broadcast_in_dim3A_355 : vector<16xi1>, vector<16xf32>
      %add3A_357 = arith.addf %add3A_349, %select_n3A_356 : vector<16xf32>
      %get3A_358 = arith.constant 0 : index
      %get3A_359 = tpu.vector_load %arg12[%get3A_358] {strides = array<i32>} : memref<16xf32, #tpu.memory_space<vmem>>, vector<16xf32>,
      %add3A_360 = arith.addf %get3A_359, %add3A_357 : vector<16xf32>
      %swap3A_361 = arith.constant 0 : index
      %swap3A_362 = tpu.vector_load %arg12[%swap3A_361] {strides = array<i32>} : memref<16xf32, #tpu.memory_space<vmem>>, vector<16xf32>,
      tpu.vector_store %arg12[%swap3A_361], %add3A_360 {strides = array<i32>} : memref<16xf32, #tpu.memory_space<vmem>>, vector<16xf32>,
    }
    "tpu.region"() ({
      %run_scoped3A = tpu.sem_alloc : memref<!tpu.dma_semaphore, #tpu.memory_space<semaphore_mem>>
      %dma_start3A_31 = arith.constant 0 : i32
      %dma_start3A_32 = tpu.memref_slice %arg4[%add3A, %dma_start3A_31] : memref<32x16xf32, #tpu.memory_space<hbm>> -> memref<1x16xf32, #tpu.memory_space<hbm>>
      %dma_start3A_33 = tpu.memref_squeeze %dma_start3A_32 : memref<1x16xf32, #tpu.memory_space<hbm>> -> memref<16xf32, #tpu.memory_space<hbm>>
      %dma_start3A_34 = arith.constant 0 : i32
      %dma_start3A_35 = tpu.memref_slice %arg4[%add3A, %dma_start3A_34] : memref<32x16xf32, #tpu.memory_space<hbm>> -> memref<1x16xf32, #tpu.memory_space<hbm>>
      %dma_start3A_36 = tpu.memref_squeeze %dma_start3A_35 : memref<1x16xf32, #tpu.memory_space<hbm>> -> memref<16xf32, #tpu.memory_space<hbm>>
      tpu.enqueue_dma source(%arg12 : memref<16xf32, #tpu.memory_space<vmem>>) target(%dma_start3A_36 : memref<16xf32, #tpu.memory_space<hbm>>) target_semaphore(%run_scoped3A : memref<!tpu.dma_semaphore, #tpu.memory_space<semaphore_mem>>)
      %dma_wait3A_37 = arith.constant 0 : i32
      %dma_wait3A_38 = tpu.memref_slice %arg4[%add3A, %dma_wait3A_37] : memref<32x16xf32, #tpu.memory_space<hbm>> -> memref<1x16xf32, #tpu.memory_space<hbm>>
      %dma_wait3A_39 = tpu.memref_squeeze %dma_wait3A_38 : memref<1x16xf32, #tpu.memory_space<hbm>> -> memref<16xf32, #tpu.memory_space<hbm>>
      %dma_wait3A_40 = arith.constant 0 : i32
      %dma_wait3A_41 = tpu.memref_slice %arg4[%add3A, %dma_wait3A_40] : memref<32x16xf32, #tpu.memory_space<hbm>> -> memref<1x16xf32, #tpu.memory_space<hbm>>
      %dma_wait3A_42 = tpu.memref_squeeze %dma_wait3A_41 : memref<1x16xf32, #tpu.memory_space<hbm>> -> memref<16xf32, #tpu.memory_space<hbm>>
      tpu.wait_dma2 semaphore(%run_scoped3A : memref<!tpu.dma_semaphore, #tpu.memory_space<semaphore_mem>>) src(%arg12 : memref<16xf32, #tpu.memory_space<vmem>>) dst(%dma_wait3A_42 : memref<16xf32, #tpu.memory_space<hbm>>)
      tpu.yield
    }) : () -> ()
    return
  }
}

</mosaic_0001>

<sc_bundles>
// kernel: _run.3.cloned.1.call-start
scs
__scs_entry_jumppad:
0x0: {  	(pc) =	sbr.rel $0x88, $3  }
0x1: {  	(tag) =	ssettag $0x0;
	lr =	simm.s32 $0x1  }
0x2: {  	[smem:$0x3F9F] =	sst lr;
	_ =	strace $0xD0000000  }
0x3: {  	_ = 	snop  }
0x4: {  	_ = 	snop  }
0x5: {  	_ = 	snop  }
0x6: {  	_ = 	snop  }
0x7: {  	_ = 	snop  }
__scs_overlays_trampoline_lowered:
0x8: {  	[smem:$0x3FAE] =	sst s0  }
0x9: {  	[smem:$0x3FAF] =	sst s1  }
0xa: {  	[smem:$0x3FB0] =	sst s2  }
0xb: {  	[smem:$0x3FB1] =	sst s3  }
0xc: {  	[smem:$0x3FB2] =	sst s4  }
0xd: {  	[smem:$0x3FB3] =	sst s5  }
0xe: {  	[smem:$0x3FB4] =	sst s6  }
0xf: {  	[smem:$0x3FB5] =	sst s7  }
0x10: {  	[smem:$0x3FB6] =	sst s8  }
0x11: {  	[smem:$0x3FB7] =	sst s9;
	s0 =	simm.s32 @!p0 $0x0  }
0x12: {  	s1 =	sld [smem:$0x3F9D];
	s0 =	simm.s32 @p0 $0x1  }
0x13: {  	[smem:$0x3FB8] =	sst s0;
	s0 =	simm.s32 @!p1 $0x0  }
0x14: {  	s2 =	sld [smem:$0x3F9C];
	s0 =	simm.s32 @p1 $0x1  }
0x15: {  	[smem:$0x3FB9] =	sst s0;
	s0 =	simm.s32 @!p2 $0x0  }
0x16: {  	s3 =	sld [smem:$0x3FDB];
	s0 =	simm.s32 @p2 $0x1  }
0x17: {  	s4 =	simm.s32 $0x1BF5;
	[smem:$0x3FBB] =	sst s0  }
0x18: {  	s0 =	sld [smem:$0x3F9E];
	_ =	swait.ge [sflag:s4], $0x0  }
0x19: {  	s7 =	sld [smem:$0x3F9F]  }
0x1a: {  	s8 =	sadd.s32 $0xFFFFE003, lr  }
0x1b: {  	s9 =	sadd.s32 $0xFFFFFEF7, lr;
	s5 =	simm.s32 $0xFFFFFFFF;
	p2 =	slt.u32 s8, $0xFFFFF086  }
0x1c: {  	p1 =	slt.u32 s9, $0xF7A;
	s5 =	simm.s32 @!p2 $0x0  }
0x1d: {  	s5 =	simm.s32 @p1 $0x1;
	p0 =	seq.s32 s7, s2  }
0x1e: {  	s7 =	smul.u32 @!p0 $0xF7A, s2;
	p2 =	seq.s32 @!p0 s5, $0x0  }
0x1f: {  	s9 =	smul.u32 $0xF7A, s1;
	s8 =	simm.s32 @!p0 $0x1BF5;
	p2 =	por !p2, p0  }
0x20: {  	[sflag:s8] =	ssyncset.s32 @!p0 $0xFFFFF086;
	s6 =	sadd.s32 @!p0 s3, s7;
	s7 =	simm.s32 @!p0 $0x108  }
0x21: {  	s3 =	sadd.s32 s3, s9;
	s6 =	sadd.s32 @!p0 $0x88, s6;
	s7 =	simm.s32 @p2 $0x1082  }
0x22: {  	[simem:s7], [sflag:s8] =	dma.local @!p0 [hbm:s6], $0xF7A  }
0x23: {  	s9 =	sor.u32 $0xD0000000, s2;
	s6 =	simm.s32 $0x108;
	_ =	swait.ge @!p0 [sflag:s8], $0x0  }
0x24: {  	s3 =	sadd.s32 $0x88, s3;
	s6 =	simm.s32 @!p1 $0x1082;
	[sflag:s4] =	ssyncset.s32 $0xFFFFF086  }
0x25: {  	[simem:s6], [sflag:s4] =	dma.local [hbm:s3], $0xF7A  }
0x26: {  	[smem:$0x3F9F] =	sst s1;
	(tag) =	ssettag s2;
	_ =	strace s9  }
0x27: {  	s1 =	sld [smem:$0x3FAF]  }
0x28: {  	s2 =	sld [smem:$0x3FB0]  }
0x29: {  	s4 =	sld [smem:$0x3FB2]  }
0x2a: {  	p0 =	seq.s32 s5, $0x0;
	s5 =	sld [smem:$0x3FB3]  }
0x2b: {  	s6 =	sld [smem:$0x3FB4]  }
0x2c: {  	s7 =	sld [smem:$0x3FB5]  }
0x2d: {  	s3 =	simm.s32 $0x108;
	s8 =	sld [smem:$0x3FB6]  }
0x2e: {  	s3 =	simm.s32 @!p0 $0x1082;
	s9 =	sld [smem:$0x3FB7]  }
0x2f: {  	lr =	sadd.s32 s0, s3;
	s0 =	sld [smem:$0x3FAE]  }
0x30: {  	s3 =	sld [smem:$0x3FB1]  }
0x31: {  	[smem:$0x3FBA] =	sst s10  }
0x32: {  	s10 =	sld [smem:$0x3FB8];
	_ =	sdelay $0x3  }
0x33: {  	p0 =	seq.s32 s10, $0x1;
	s10 =	sld [smem:$0x3FBA];
	_ =	sdelay $0x3  }
0x34: {  	[smem:$0x3FBA] =	sst s10  }
0x35: {  	s10 =	sld [smem:$0x3FB9];
	_ =	sdelay $0x3  }
0x36: {  	p1 =	seq.s32 s10, $0x1;
	s10 =	sld [smem:$0x3FBA];
	_ =	sdelay $0x3  }
0x37: {  	[smem:$0x3FBA] =	sst s10  }
0x38: {  	s10 =	sld [smem:$0x3FBB]  }
0x39: {  	_ = 	snop;
	(pc) =	sbr.ind lr, $3  }
0x3a: {  	_ = 	snop  }
0x3b: {  	_ = 	snop  }
0x3c: {  	p2 =	seq.s32 s10, $0x1;
	s10 =	sld [smem:$0x3FBA]  }
0x3d: {  	_ =	shalt  }
0x3e: {  	_ =	shalt  }
0x3f: {  	_ =	shalt  }
0x40: {  	_ =	shalt  }
0x41: {  	_ =	shalt  }
0x42: {  	_ =	shalt  }
0x43: {  	_ =	shalt  }
0x44: {  	_ =	shalt  }
0x45: {  	_ =	shalt  }
0x46: {  	_ =	shalt  }
0x47: {  	_ =	shalt  }
0x48: {  	_ =	shalt  }
0x49: {  	_ =	shalt  }
0x4a: {  	_ =	shalt  }
0x4b: {  	_ =	shalt  }
0x4c: {  	_ =	shalt  }
0x4d: {  	_ =	shalt  }
0x4e: {  	_ =	shalt  }
0x4f: {  	_ =	shalt  }
0x50: {  	_ =	shalt  }
0x51: {  	_ =	shalt  }
0x52: {  	_ =	shalt  }
0x53: {  	_ =	shalt  }
0x54: {  	_ =	shalt  }
0x55: {  	_ =	shalt  }
0x56: {  	_ =	shalt  }
0x57: {  	_ =	shalt  }
0x58: {  	_ =	shalt  }
0x59: {  	_ =	shalt  }
0x5a: {  	_ =	shalt  }
0x5b: {  	_ =	shalt  }
0x5c: {  	_ =	shalt  }
0x5d: {  	_ =	shalt  }
0x5e: {  	_ =	shalt  }
0x5f: {  	_ =	shalt  }
0x60: {  	_ =	shalt  }
0x61: {  	_ =	shalt  }
0x62: {  	_ =	shalt  }
0x63: {  	_ =	shalt  }
0x64: {  	_ =	shalt  }
0x65: {  	_ =	shalt  }
0x66: {  	_ =	shalt  }
0x67: {  	_ =	shalt  }
0x68: {  	_ =	shalt  }
0x69: {  	_ =	shalt  }
0x6a: {  	_ =	shalt  }
0x6b: {  	_ =	shalt  }
0x6c: {  	_ =	shalt  }
0x6d: {  	_ =	shalt  }
0x6e: {  	_ =	shalt  }
0x6f: {  	_ =	shalt  }
0x70: {  	_ =	shalt  }
0x71: {  	_ =	shalt  }
0x72: {  	_ =	shalt  }
0x73: {  	_ =	shalt  }
0x74: {  	_ =	shalt  }
0x75: {  	_ =	shalt  }
0x76: {  	_ =	shalt  }
0x77: {  	_ =	shalt  }
0x78: {  	_ =	shalt  }
0x79: {  	_ =	shalt  }
0x7a: {  	_ =	shalt  }
0x7b: {  	_ =	shalt  }
0x7c: {  	_ =	shalt  }
0x7d: {  	_ =	shalt  }
0x7e: {  	_ =	shalt  }
0x7f: {  	_ =	shalt  }
0x80: {  	_ =	shalt  }
0x81: {  	_ =	shalt  }
0x82: {  	_ =	shalt  }
0x83: {  	_ =	shalt  }
0x84: {  	_ =	shalt  }
0x85: {  	_ =	shalt  }
0x86: {  	_ =	shalt  }
0x87: {  	_ =	shalt  }
.Lfunc_end0:
.L_simem_size_0:
called_computation.2_lowered:
.L_overlay_start_0:
0x88: {  	s2 =	sld [smem:$0x3FD9]  }
0x89: {  	s3 =	sld [smem:$0x3FFE];
	_ =	sdelay $0x1  }
0x8a: {  	s1 =	srdreg.scid  }
0x8b: {  	s0 =	sand.u32 $0x1, s1  }
0x8c: {  	s17 =	sshll.u32 s0, $0xA;
	s2 =	sadd.s32 s3, s2  }
0x8d: {  	s2 =	sadd.s32 s2, s17  }
0x8e: {  	[smem:$0x3FC6] =	sst s2  }
0x8f: {  	_ = 	snop  }
0x90: {  	s2 =	sld [smem:$0x3FD0];
	(tm) =	ssettm $0x1  }
0x91: {  	s18 =	sld [smem:$0x3FFB];
	_ =	sdelay $0x3  }
0x92: {  	_ =	strace s18  }
0x93: {  	s3 =	sld [smem:$0x3FFC];
	_ =	sdelay $0x3  }
0x94: {  	_ =	strace s3  }
0x95: {  	s3 =	sld [smem:$0x3FFD];
	_ =	sdelay $0x3  }
0x96: {  	_ =	strace s3  }
0x97: {  	_ =	strace $0x8FFFFFFF  }
0x98: {  	s19 =	sld [smem:$0x3FDB];
	_ =	sdelay $0x1  }
0x99: {  	s4 =	simm.s32 $_scs_section_size  }
0x9a: {  	s5 =	simm.s32 $_size__tile_overlayer_lowered;
	s6 =	simm.s32 $_tile_overlayer_lowered  }
0x9b: {  	s22 =	simm.s32 $0x1BFF;
	s21 =	sshll.u32 s6, $0x1;
	s3 =	sadd.s32 s4, s19  }
0x9c: {  	s7 =	simm.s32 $0x0;
	s20 =	sshll.u32 s5, $0x1;
	s5 =	sadd.s32 s21, s3  }
0x9d: {  	[timem:s7], [sflag:s22] =	dma.local [hbm:s5], s20  }
0x9e: {  	_ =	swait.ge [sflag:s22], s20  }
0x9f: {  	s4 =	ssub.s32 $0x0, s20;
	[sflag:s22] =	ssyncset.done $0x0  }
0xa0: {  	[sflag:s22] =	ssyncadd.s32 s4;
	_ =	sdelay $0x1  }
0xa1: {  	s23 =	simm.s32 $0x1B8B  }
0xa2: {  	_ =	swait.ge [sflag:s23], $0x1  }
0xa3: {  	[sflag:s23] =	ssyncset.done $0x0  }
0xa4: {  	s25 =	simm.s32 $0x1B8E;
	s24 =	sld [smem:$0x3FFE];
	[sflag:s23] =	ssyncadd.s32 $0xFFFFFFFF  }
0xa5: {  	s26 =	simm.s32 $execute0_lowered;
	[smem:$0x3FD2] =	sst s25  }
0xa6: {  	s5 =	sshll.u32 s26, $0x1;
	_ =	strace $0x8000004C;
	[dreg:$0x1] =	wrdreg $0xFFFFFFFF  }
0xa7: {  	s28 =	simm.s32 $_size_execute0_lowered;
	s3 =	sadd.s32 s3, s5;
	[dreg:$0x0] =	wrdreg $0x0  }
0xa8: {  	s5 =	sshll.u32 s28, $0x1;
	[dreg:$0x2] =	wrdreg s3  }
0xa9: {  	[dreg:$0x3] =	wrdreg s5  }
0xaa: {  	[dreg:$0x4] =	wrdreg $0xC0  }
0xab: {  	_ =	task [dreg:s7], $0x5FFFF  }
0xac: {  	[dreg:$0x1] =	wrdreg $0xFFFFFFFF  }
0xad: {  	[dreg:$0x0] =	wrdreg $0x60  }
0xae: {  	[dreg:$0x2] =	wrdreg s24  }
0xaf: {  	[dreg:$0x3] =	wrdreg s2  }
0xb0: {  	[dreg:$0x4] =	wrdreg $0x9  }
0xb1: {  	_ =	task.clear_ibuf [dreg:s7], $0x5FFFF;
	_ =	strace $0x9000004C  }
0xb2: {  	s29 =	simm.s32 $0x9;
	_ =	strace $0x8000004E  }
0xb3: {  	_ =	swait.ge [sflag:s29], $0x1  }
0xb4: {  	[sflag:s29] =	ssyncadd.s32 $0xFFFFFFFF  }
0xb5: {  	_ =	strace $0x9000004E  }
0xb6: {  	_ =	sfence  }
0xb7: {  	s30 =	sld [smem:$0x0];
	_ =	sdelay $0x2  }
0xb8: {  	s31 =	sshll.u32 s1, $0xD;
	s1 =	sshrl.u32 s1, $0x2  }
0xb9: {  	s3 =	sand.u32 $0x4000, s31;
	s1 =	sadd.s32 s1, s30  }
0xba: {  	s0 =	sor.u32 s3, s0;
	s1 =	sshll.u32 s1, $0x11  }
0xbb: {  	s0 =	sor.u32 s1, s0  }
0xbc: {  	s0 =	sadd.s32 $0x8F2B, s0  }
0xbd: {  	[sflag:s0] =	ssyncadd.remote.s32 $0x1  }
0xbe: {  	_ =	sfence.sel $0xFFFF  }
0xbf: {  	[dreg:$0x0] =	wrdreg $0xFFFFFFFF;
	(pc) =	sbr.abs _section_cstart, $3  }
0xc0: {  	[dreg:$0x1] =	wrdreg $0xFFFFFFFF  }
0xc1: {  	_ =	task.clear_ibuf [dreg:s7], $0x2FFFF;
	_ =	strace $0x9FFFFFFF  }
0xc2: {  	(tm) =	ssettm $0x7FFFFFFF  }
0xc3: {  	_ =	shalt  }
tec
execute0_lowered:
.L_overlay_start_1:
0x0: {  	(tag) =	ssettag $0x1  }
0x1: {  	v0 =	vlaneseq.u32;
	v1 =	vimm.f32 $0.0e+00;
	v3 =	vimm.s32 $0x0  }
0x2: {  	vm0 =	vmxor vm0, vm0;
	vm1 =	vmmov $0x1;
	v6 =	vimm.s32 $0xFEDCBA9  }
0x3: {  	v8 =	vimm.s32 $0x10FEDCBA;
	vm2 =	vcmask $0x3F04;
	v12 =	vimm.s32 $0xA9876543  }
0x4: {  	v13 =	vimm.s32 $0x3210FEDC;
	v14 =	vimm.s32 $0xBA987654;
	v15 =	vimm.s32 $0x43210FED  }
0x5: {  	v16 =	vimm.s32 $0xCBA98765;
	v17 =	vimm.s32 $0x543210FE;
	v18 =	vimm.s32 $0xFEDCBA98  }
0x6: {  	v19 =	vimm.s32 $0xDCBA9876;
	v20 =	vimm.s32 $0x76543210;
	v21 =	vimm.s32 $0x6543210F  }
0x7: {  	v22 =	vimm.s32 $0xEDCBA987;
	vm3 =	vcmask $0x300;
	vm4 =	vcmask $0x704  }
0x8: {  	s4 =	rddreg [dreg:$0x0];
	vm5 =	vcmask $0xB08;
	v2 =	vand.u32 $0x7, v0;
	v5 =	vadd.s32 $0xFFFFFFFF, v0  }
0x9: {  	s8 =	rddreg [dreg:$0x1];
	v7 =	vunpack.c.l.s4.s8 v6;
	v6 =	vimm.s32 $0x87654321;
	v10 =	vunpack.c.l.s4.s8 v8  }
0xa: {  	s0 =	rddreg [dreg:$0x2];
	s1 =	simm.s32 $0x0;
	v8 =	vimm.s32 $0x98765432;
	v12 =	vunpack.c.l.s4.s8 v12;
	v13 =	vunpack.c.l.s4.s8 v13  }
0xb: {  	s3 =	srdreg.scid;
	s2 =	stileid.u32;
	s11 =	simm.s32 $0x2000;
	v14 =	vunpack.c.l.s4.s8 v14;
	v15 =	vunpack.c.l.s4.s8 v15;
	v16 =	vunpack.c.l.s4.s8 v16  }
0xc: {  	s12 =	simm.s32 $0x4000;
	s13 =	simm.s32 $0x1;
	s14 =	simm.s32 $0x2;
	v18 =	vunpack.c.l.s4.s8 v18;
	v17 =	vunpack.c.l.s4.s8 v17;
	v19 =	vunpack.c.l.s4.s8 v19  }
0xd: {  	s15 =	simm.s32 $0xA000;
	s16 =	simm.s32 $0xA010;
	s17 =	simm.s32 $0xA020;
	v20 =	vunpack.c.l.s4.s8 v20;
	v21 =	vunpack.c.l.s4.s8 v21;
	v22 =	vunpack.c.l.s4.s8 v22  }
0xe: {  	s18 =	simm.s32 $0xA030;
	s19 =	simm.s32 $0x8000;
	s20 =	simm.s32 $0x3;
	v4 =	vor.u32 $0x80, v2;
	v9 =	vunpack.c.l.s4.s8 v6;
	v6 =	vimm.s32 $0x1  }
0xf: {  	s21 =	simm.s32 $0xA040;
	s22 =	simm.s32 $0x0;
	[smem:$0x7FF] =	sst s1;
	v11 =	vunpack.c.l.s4.s8 v8;
	v7 =	vunpack.c.0.s8.s32 v7;
	v12 =	vunpack.c.0.s8.s32 v12  }
0x10: {  	s5 =	sand.u32 $0x1, s3;
	s3 =	sadd.s32 $0xC00, s4;
	s7 =	sshll.u32 s2, $0x1;
	v13 =	vunpack.c.0.s8.s32 v13;
	v14 =	vunpack.c.0.s8.s32 v14;
	v15 =	vunpack.c.0.s8.s32 v15  }
.Ltmp0:
0x11: {  	s4 =	sadd.s32 $0x100C00, s4;
	s6 =	ssub.s32 $0x2, s5;
	v16 =	vunpack.c.0.s8.s32 v16;
	v23 =	vunpack.c.0.s8.s32 v18;
	v8 =	vunpack.c.0.s8.s32 v9;
	(pc) =	sbr.rel .LBB2_1-.Ltmp0, $4  }
0x12: {  	_ =	strace $0x8000004D;
	s10 =	sor.u32 s5, s7;
	s9 =	sshrl.u32 s6, $0x1;
	v9 =	vunpack.c.0.s8.s32 v10;
	v10 =	vunpack.c.0.s8.s32 v11;
	v11 =	vimm.s32 $0x210FEDCB  }
0x13: {  	s5 =	sshll.u32 s10, $0x5;
	s7 =	sshll.u32 s10, $0xF;
	s10 =	sshll.u32 s10, $0x1;
	v24 =	vunpack.c.0.s8.s32 v20;
	v17 =	vunpack.c.0.s8.s32 v17;
	v11 =	vunpack.c.l.s4.s8 v11  }
0x14: {  	v18 =	vunpack.c.0.s8.s32 v19;
	v19 =	vunpack.c.0.s8.s32 v21;
	s9 =	ssub.s32 s6, s9;
	s6 =	sadd.s32 s3, s7;
	s7 =	sadd.s32 s4, s7;
	v23 =	vand.u32 $0xF, v23  }
0x15: {  	v20 =	vunpack.c.0.s8.s32 v22;
	s8 =	sadd.s32 s8, s10;
	s10 =	simm.s32 $0x200;
	s9 =	smax.u32 s9, $0x1;
	v21 =	vcombine.low v23, v24;
	v11 =	vunpack.c.0.s8.s32 v11  }
.LBB2_15:
0x16: {  	s22 =	sadd.s32 $0x1, s22  }
0x17: {  	p0 =	sne.s32 s22, s9  }
.Ltmp1:
0x18: {  	_ = 	snop;
	(pc) =	sbr.rel @!p0 .LBB2_16-.Ltmp1, $4  }
0x19: {  	[hbm4b:s8+s1] =	stream.linear.scatter [tilespmem:s21], [sflag:$0x3], $0x10, $0x38;
	[tilespmem:$0xA050] =	vst v63  }
0x1a: {  	_ =	swait.ge [sflag:s20], $0x10  }
0x1b: {  	[sflag:s20] =	ssyncset.done $0x0  }
0x1c: {  	[sflag:s20] =	ssyncadd.s32 $0xFFFFFFF0  }
.LBB2_1:
0x1d: {  	[tilespmem:s1], [sflag:$0x1] =	stream.strided.gather [hbm4b:s6+s10], $0x4000, s11, s10, $0x38;
	[tilespmem:$0xA050] =	vst v63  }
0x1e: {  	_ = 	snop  }
0x1f: {  	[tilespmem:s12], [sflag:$0x2] =	stream.strided.gather [hbm4b:s7+s10], $0x4000, s11, s10, $0x38;
	[tilespmem:$0xA050] =	vst v63  }
0x20: {  	_ =	swait.ge [sflag:s13], $0x4000  }
0x21: {  	[sflag:s13] =	ssyncset.done $0x0  }
.Ltmp2:
0x22: {  	[sflag:s13] =	ssyncadd.s32 $0xFFFFC000;
	(pc) =	sbr.rel .LBB2_2-.Ltmp2, $4  }
0x23: {  	_ =	swait.ge [sflag:s14], $0x4000  }
0x24: {  	[sflag:s14] =	ssyncset.done $0x0  }
0x25: {  	[sflag:s14] =	ssyncadd.s32 $0xFFFFC000  }
0x26: {  	s23 =	simm.s32 $0x0;
	[tilespmem:$0xA040] =	vst v1  }
.LBB2_14:
0x27: {  	v22 =	vld [tilespmem:$0xA000];
	_ =	sdelay $0x4  }
0x28: {  	v23 =	vor.u32 $0x80000000, v0;
	vm6 =	vgt.s32 v22, $0x0  }
0x29: {  	v24 =	vnsel vm6, $0x80000000, v23  }
0x2a: {  	(xrf0) =	vmax.scan.msk.u32 $0xffff, v24;
	_ =	sdelay $0x5  }
0x2b: {  	v24, _, _ =	vpop (xrf0)  }
0x2c: {  	(v2sf) =	vpush v24, $0xF  }
0x2d: {  	v28 =	vld [tilespmem:$0xA020];
	_ =	sdelay $0x2  }
0x2e: {  	vm6 =	vgt.s32 v22, $0x1  }
0x2f: {  	v22 =	vnsel vm6, $0x1, v22  }
0x30: {  	vm6 =	vgt.s32 v28, $0x1;
	v22 =	vcvt.s32.f32 v22  }
0x31: {  	v25 =	vnsel vm6, $0x1, v28  }
0x32: {  	(erf) = vrcp.f32 v22;
	v22 =	vcvt.s32.f32 v25;
	_ =	sdelay $0x1  }
0x33: {  	(erf) = vrcp.f32 v22  }
0x34: {  	v22 =	vld [tilespmem:$0xA010]  }
0x35: {  	v32 =	vcombine.low v8, v7;
	v33 =	vcombine.low v10, v9  }
0x36: {  	v29 =	vld [tilespmem:$0xA030];
	v37 =	vcombine.low v18, v17;
	v46 =	vcombine.low v7, v8;
	vm6 =	vgt.s32 v28, $0x0  }
0x37: {  	v49 =	vcombine.low v9, v10;
	v54 =	vcombine.low v13, v14;
	v23 =	vnsel vm6, $0x80000000, v23  }
0x38: {  	v55 =	vcombine.low v15, v16;
	v56 =	vcombine.low v17, v18;
	(xrf0) =	vmax.scan.msk.u32 $0xffff, v23;
	s24 =	spop (v2sf)  }
0x39: {  	v34 =	vcombine.low v12, v11;
	v22 =	vcvt.s32.f32 v22;
	s24 =	sxor.u32 $0x80000000, s24  }
0x3a: {  	v39 =	vcombine.low v20, v19;
	v53 =	vcombine.low v11, v12;
	v23 =	vpop (erf);
	v30 =	vmov s24  }
0x3b: {  	v22 =	vmul.f32 v22, v23;
	v23 =	vcvt.s32.f32 v29;
	vm6 =	vgt.s32 v30, v5  }
0x3c: {  	v28 =	vcombine.low v14, v13;
	v29 =	vcombine.low v16, v15;
	v31 =	vpop (erf);
	vm6 =	vmand vm6, vm2  }
0x3d: {  	v23 =	vmul.f32 v23, v31;
	v30 =	vcombine.low v19, v20;
	v22 =	vnsel vm6, $0x4E6E6B28, v22  }
0x3e: {  	v26, _, _ =	vpop (xrf0);
	v25 =	vperm.xlane v22, v32;
	v24 =	vperm.xlane v22, v33  }
0x3f: {  	(v2sf) =	vpush v26, $0xF;
	v26 =	vperm.xlane v22, v34;
	v35 =	vperm.xlane v22, v28  }
0x40: {  	v36 =	vperm.xlane v22, v29;
	v29 =	vperm.xlane v22, v37  }
0x41: {  	v27 =	vsub.f32 v23, v22;
	v40 =	vperm.xlane v22, v39;
	v45 =	vperm.xlane v22, v21  }
0x42: {  	v48 =	vperm.xlane v22, v46;
	v52 =	vperm.xlane v22, v49;
	v25 =	vsub.f32 v23, v25  }
0x43: {  	v58 =	vperm.xlane v22, v56;
	v27 =	vand.u32 $0x7FFFFFFF, v27;
	v24 =	vsub.f32 v23, v24  }
0x44: {  	v26 =	vsub.f32 v23, v26;
	v38 =	vsub.f32 v23, v35;
	v25 =	vand.u32 $0x7FFFFFFF, v25  }
0x45: {  	v28 =	vsub.f32 v23, v36;
	v24 =	vand.u32 $0x7FFFFFFF, v24;
	v25 =	vmin.f32 v27, v25  }
0x46: {  	v42 =	vsub.f32 v23, v29;
	v26 =	vand.u32 $0x7FFFFFFF, v26;
	v24 =	vmin.f32 v25, v24  }
0x47: {  	v43 =	vsub.f32 v23, v40;
	v25 =	vand.u32 $0x7FFFFFFF, v38;
	v24 =	vmin.f32 v24, v26  }
0x48: {  	v47 =	vsub.f32 v23, v45;
	v41 =	vand.u32 $0x7FFFFFFF, v28;
	v24 =	vmin.f32 v24, v25  }
0x49: {  	v51 =	vsub.f32 v23, v48;
	v44 =	vand.u32 $0x7FFFFFFF, v42;
	v24 =	vmin.f32 v24, v41  }
0x4a: {  	v50 =	vand.u32 $0x7FFFFFFF, v47;
	v25 =	vand.u32 $0x7FFFFFFF, v43;
	v24 =	vmin.f32 v24, v44  }
0x4b: {  	v28 =	vperm.xlane v22, v54;
	v24 =	vmin.f32 v24, v25;
	v25 =	vperm.xlane v22, v53  }
0x4c: {  	v27 =	vsub.f32 v23, v52;
	v26 =	vand.u32 $0x7FFFFFFF, v51;
	v24 =	vmin.f32 v24, v50  }
0x4d: {  	v24 =	vmin.f32 v24, v26;
	v25 =	vsub.f32 v23, v25;
	v26 =	vperm.xlane v22, v55  }
0x4e: {  	v57 =	vsub.f32 v23, v28;
	v27 =	vand.u32 $0x7FFFFFFF, v27;
	v22 =	vperm.xlane v22, v30  }
0x4f: {  	v24 =	vmin.f32 v24, v27;
	v25 =	vand.u32 $0x7FFFFFFF, v25;
	v26 =	vsub.f32 v23, v26  }
0x50: {  	v60 =	vsub.f32 v23, v58;
	v59 =	vand.u32 $0x7FFFFFFF, v57;
	s25 =	spop (v2sf);
	v24 =	vmin.f32 v24, v25  }
0x51: {  	s25 =	sxor.u32 $0x80000000, s25;
	v22 =	vsub.f32 v23, v22;
	v24 =	vmin.f32 v24, v59;
	v23 =	vand.u32 $0x7FFFFFFF, v26  }
0x52: {  	v62 =	vand.u32 $0x7FFFFFFF, v60;
	v61 =	vmov s25;
	v23 =	vmin.f32 v24, v23  }
0x53: {  	vm6 =	vgt.s32 v61, v5;
	v22 =	vand.u32 $0x7FFFFFFF, v22;
	v23 =	vmin.f32 v23, v62  }
0x54: {  	vm6 =	vmand vm6, vm2;
	v22 =	vmin.f32 v23, v22  }
0x55: {  	v22 =	vnsel vm6, $0xBF800000, v22  }
0x56: {  	(xrf0) =	vmax.scan.msk.f32 $0xffff, v22;
	_ =	sdelay $0x5  }
0x57: {  	v22, _, _ =	vpop (xrf0)  }
0x58: {  	(v2sf) =	vpush v22, $0xF;
	_ =	sdelay $0xb  }
0x59: {  	s26 =	ssub.s32 s24, s25  }
0x5a: {  	p0 =	sgt.s32 s24, $0x0;
	p1 =	sgt.s32 s25, $0x0;
	s31 =	ssub.s32 $0x0, s26  }
0x5b: {  	p0 =	por !p0, !p1;
	s24 =	smin.u32 s26, s31  }
0x5c: {  	p0 =	por !p0, !p0;
	s24 =	scvt.s32.f32 s24;
	s25 =	spop (v2sf)  }
0x5d: {  	s25 =	simm.s32 @!p0 $0x0  }
0x5e: {  	s26 =	simm.f32 $1.000000000e+00;
	v22 =	vmov s24;
	v23 =	vmov s25  }
0x5f: {  	v63 =	vld [tilespmem:$0xA040];
	s26 =	simm.s32 @!p0 $0x0;
	v22 =	vnsel vm3, $0x0, v22;
	v23 =	vnsel vm4, $0x0, v23  }
0x60: {  	s23 =	sadd.s32 $0x1, s23;
	v22 =	vadd.f32 v23, v22;
	v23 =	vmov s26  }
0x61: {  	p0 =	sne.s32 s23, $0x20;
	v23 =	vnsel vm5, $0x0, v23  }
.Ltmp3:
0x62: {  	v22 =	vadd.f32 v22, v23;
	(pc) =	sbr.rel @!p0 .LBB2_15-.Ltmp3, $3  }
0x63: {  	_ = 	snop  }
0x64: {  	v22 =	vadd.f32 v22, v63;
	_ =	sdelay $0x1  }
0x65: {  	[tilespmem:$0xA040] =	vst v22  }
.LBB2_2:
.Ltmp4:
0x66: {  	(pc) =	sbr.rel .LBB2_3-.Ltmp4, $4  }
0x67: {  	[tilespmem:$0xA000] =	vst v3  }
0x68: {  	[tilespmem:$0xA010] =	vst v3;
	s25 =	simm.s32 $0x0;
	s24 =	sshll.u32 s23, $0x9  }
0x69: {  	[tilespmem:$0xA020] =	vst v3;
	[smem:$0x0] =	sst s25;
	v22 =	vmov s24  }
0x6a: {  	[tilespmem:$0xA030] =	vst v3;
	s26 =	simm.s32 $0x0;
	v23 =	vor.u32 s24, v2;
	v24 =	vor.u32 s24, v4;
	s24 =	simm.s32 $0x0;
	[smem:$0x1] =	sst s25;
	v25 =	vor.u32 $0x80, v22  }
.LBB2_5:
0x6b: {  	s25 =	sadd.s32 $0x20, s25  }
0x6c: {  	p0 =	sne.s32 s25, $0x100  }
.Ltmp5:
0x6d: {  	_ = 	snop;
	(pc) =	sbr.rel @!p0 .LBB2_6-.Ltmp5, $1  }
0x6e: {  	_ =	sdelay $0x3  }
.LBB2_3:
0x6f: {  	p0 =	slt.s32 s26, $0x10  }
0x70: {  	p1 =	sgt.s32 @!p0 s24, $0xF  }
0x71: {  	p0 =	por p0, !p1  }
.Ltmp6:
0x72: {  	_ = 	snop;
	(pc) =	sbr.rel @!p0 .LBB2_5-.Ltmp6, $1  }
0x73: {  	_ =	sdelay $0x3  }
0x74: {  	v26 =	vadd.s32 s25, v5  }
0x75: {  	v27 =	vmov s25;
	vm6 =	vgt.s32 v26, $0x0  }
0x76: {  	v28 =	vor.u32 s25, v0;
	v27 =	vshll.u32 v27, $0x1;
	v26 =	vnsel vm6, $0x0, v26  }
0x77: {  	v29 =	vand.u32 $0x68, v28;
	v27 =	vand.u32 $0x100, v27;
	v30 =	vshll.u32 v26, $0x1  }
0x78: {  	v27 =	vor.u32 v29, v27;
	v49 =	vand.u32 $0x78, v26;
	v48 =	vand.u32 $0xFFFFFF00, v30  }
0x79: {  	v50 =	vor.u32 v27, v23;
	v29 =	vor.u32 v49, v48  }
0x7a: {  	v26 =	vand.u32 $0x7, v26;
	v27 =	vor.u32 v24, v27;
	v31 =	vadd.s32 v22, v29  }
0x7b: {  	v31 =	vor.u32 v26, v31  }
0x7c: {  	v26 =	vor.u32 v26, v25  }
0x7d: {  	v26 =	vadd.s32 v29, v26  }
0x7e: {  	v51 =	vld.idx.msk [tilespmem:v50+s1+$0x0], $0xffff  }
0x7f: {  	v32 =	vld.idx.msk [tilespmem:v27+s1+$0x0], $0xffff  }
0x80: {  	v33 =	vld.idx.msk [tilespmem:v31+s1+$0x0], $0xffff  }
0x81: {  	v31 =	vld.idx.msk [tilespmem:v31+s12+$0x0], $0xffff  }
0x82: {  	v34 =	vld.idx.msk [tilespmem:v26+s1+$0x0], $0xffff  }
0x83: {  	v26 =	vld.idx.msk [tilespmem:v26+s12+$0x0], $0xffff  }
0x84: {  	v30 =	vld.idx.msk [tilespmem:v50+s12+$0x0], $0xffff  }
0x85: {  	p0 =	seq.s32 s25, $0x0;
	vm6 =	vmmov vm0;
	v27 =	vld.idx.msk [tilespmem:v27+s12+$0x0], $0xffff  }
0x86: {  	vm6 =	vmneg @p0 vm6  }
0x87: {  	vm6 =	vmand vm6, vm1;
	v33 =	vmin.f32 v33, v34  }
0x88: {  	v29 =	vmin.f32 v51, v32;
	v26 =	vmin.f32 v31, v26;
	vm7 =	vlt.f32 v33, $5.000000000e-01  }
0x89: {  	vm8 =	vlt.f32 v29, $5.000000000e-01;
	vm9 =	vlt.f32 v26, $5.000000000e-01;
	vm7 =	vmneg vm7  }
0x8a: {  	v26 =	vmin.f32 v30, v27;
	vm9 =	vmneg vm9;
	vm7 =	vmor vm6, vm7  }
0x8b: {  	vm10 =	vlt.f32 v26, $5.000000000e-01;
	vm6 =	vmor vm6, vm9;
	vm7 =	vmand vm8, vm7  }
0x8c: {  	vm6 =	vmand vm10, vm6;
	v26 =	vsel vm7, $0x1, v3  }
0x8d: {  	(xrf0) =	vadd.scan.msk.s32 $0xffff, v26;
	v26 =	vsel vm6, $0x1, v3  }
0x8e: {  	(xrf0) =	vadd.scan.msk.s32 $0xffff, v26;
	_ =	sdelay $0x4  }
0x8f: {  	v26, _, _ =	vpop (xrf0)  }
0x90: {  	s28 =	sadd.s32 $0x10, s25;
	v27 =	vadd.s32 s26, v26;
	v52, _, _ =	vpop (xrf0)  }
0x91: {  	v54 =	vadd.s32 s28, v5;
	vm6 =	vlt.s32 v27, $0x10;
	v53 =	vadd.s32 s24, v52  }
0x92: {  	v55 =	vmov s28;
	vm6 =	vmand vm8, vm6;
	vm7 =	vlt.s32 v53, $0x10  }
0x93: {  	v56 =	vor.u32 s28, v0;
	v27 =	vnsel vm6, $0x0, v27;
	vm6 =	vmand vm10, vm7  }
0x94: {  	v32 =	vshll.u32 v55, $0x1;
	v30 =	vnsel vm6, $0x0, v53;
	vm6 =	vgt.s32 v54, $0x0  }
0x95: {  	v57 =	vand.u32 $0x78, v56;
	v32 =	vand.u32 $0x100, v32;
	v31 =	vnsel vm6, $0x0, v54  }
0x96: {  	v32 =	vor.u32 v57, v32;
	v35 =	vshll.u32 v31, $0x1  }
0x97: {  	v60 =	vor.u32 v32, v23;
	v59 =	vand.u32 $0x78, v31;
	v58 =	vand.u32 $0xFFFFFF00, v35  }
0x98: {  	v32 =	vor.u32 v24, v32;
	v34 =	vor.u32 v59, v58;
	[tilespmem:v27+s15+$0x0] =	vst.idx.add.s32.msk $0xffff, v6  }
0x99: {  	v31 =	vand.u32 $0x7, v31;
	v36 =	vadd.s32 v22, v34;
	[tilespmem:v27+s16+$0x0] =	vst.idx.add.s32.msk $0xffff, v28  }
0x9a: {  	v27 =	vor.u32 v31, v36;
	[tilespmem:v30+s17+$0x0] =	vst.idx.add.s32.msk $0xffff, v6  }
0x9b: {  	v31 =	vor.u32 v31, v25;
	[tilespmem:v30+s18+$0x0] =	vst.idx.add.s32.msk $0xffff, v28  }
0x9c: {  	v31 =	vadd.s32 v34, v31;
	v28 =	vld.idx.msk [tilespmem:v60+s1+$0x0], $0xffff  }
0x9d: {  	v30 =	vld.idx.msk [tilespmem:v32+s1+$0x0], $0xffff  }
0x9e: {  	v35 =	vld.idx.msk [tilespmem:v60+s12+$0x0], $0xffff  }
0x9f: {  	v61 =	vld.idx.msk [tilespmem:v27+s1+$0x0], $0xffff  }
0xa0: {  	v27 =	vld.idx.msk [tilespmem:v27+s12+$0x0], $0xffff  }
0xa1: {  	v62 =	vld.idx.msk [tilespmem:v31+s1+$0x0], $0xffff  }
0xa2: {  	v31 =	vld.idx.msk [tilespmem:v31+s12+$0x0], $0xffff  }
0xa3: {  	v32 =	vld.idx.msk [tilespmem:v32+s12+$0x0], $0xffff;
	_ =	sdelay $0x2  }
0xa4: {  	(v2sf) =	vpush v26, $0xF;
	v26 =	vmin.f32 v28, v30;
	v63 =	vmin.f32 v61, v62  }
0xa5: {  	vm6 =	vlt.f32 v26, $5.000000000e-01;
	v26 =	vmin.f32 v27, v31;
	vm7 =	vlt.f32 v63, $5.000000000e-01  }
0xa6: {  	v27 =	vmin.f32 v35, v32;
	vm14 =	vlt.f32 v26, $5.000000000e-01;
	vm7 =	vmneg vm7  }
0xa7: {  	vm15 =	vlt.f32 v27, $5.000000000e-01;
	vm8 =	vmneg vm14;
	vm7 =	vmand vm6, vm7  }
0xa8: {  	(v2sf) =	vpush v52, $0xF;
	v26 =	vsel vm7, $0x1, v3;
	vm7 =	vmand vm15, vm8  }
0xa9: {  	(xrf0) =	vadd.scan.msk.s32 $0xffff, v26;
	v26 =	vsel vm7, $0x1, v3  }
0xaa: {  	(xrf0) =	vadd.scan.msk.s32 $0xffff, v26;
	_ =	sdelay $0x4  }
0xab: {  	v26, _, _ =	vpop (xrf0)  }
0xac: {  	(v2sf) =	vpush v26, $0xF;
	v27, _, _ =	vpop (xrf0)  }
0xad: {  	(v2sf) =	vpush v27, $0xF;
	_ =	sdelay $0x3  }
0xae: {  	s30 =	spop (v2sf)  }
0xaf: {  	s26 =	sadd.s32 s26, s30  }
0xb0: {  	s31 =	spop (v2sf);
	v26 =	vadd.s32 s26, v26  }
0xb1: {  	s29 =	sadd.s32 s24, s31;
	vm7 =	vlt.s32 v26, $0x10  }
0xb2: {  	v27 =	vadd.s32 s29, v27;
	vm6 =	vmand vm6, vm7  }
0xb3: {  	v26 =	vnsel vm6, $0x0, v26;
	vm6 =	vlt.s32 v27, $0x10  }
0xb4: {  	vm6 =	vmand vm15, vm6  }
0xb5: {  	v27 =	vnsel vm6, $0x0, v27;
	_ =	sdelay $0x1  }
.Ltmp7:
0xb6: {  	_ = 	snop;
	(pc) =	sbr.rel .LBB2_5-.Ltmp7, $4  }
0xb7: {  	[tilespmem:v26+s15+$0x0] =	vst.idx.add.s32.msk $0xffff, v6;
	s30 =	spop (v2sf)  }
0xb8: {  	[tilespmem:v26+s16+$0x0] =	vst.idx.add.s32.msk $0xffff, v56;
	s26 =	sadd.s32 s26, s30;
	s31 =	spop (v2sf)  }
0xb9: {  	[tilespmem:v27+s17+$0x0] =	vst.idx.add.s32.msk $0xffff, v6;
	[smem:$0x0] =	sst s26;
	s24 =	sadd.s32 s29, s31  }
0xba: {  	[tilespmem:v27+s18+$0x0] =	vst.idx.add.s32.msk $0xffff, v56;
	[smem:$0x1] =	sst s24  }
.LBB2_6:
0xbb: {  	p0 =	sgt.s32 s26, $0xF  }
.Ltmp8:
0xbc: {  	_ = 	snop;
	(pc) =	sbr.rel @p0 .LBB2_10-.Ltmp8, $3  }
0xbd: {  	_ =	sdelay $0x1  }
0xbe: {  	s25 =	sadd.s32 s5, s23  }
0xbf: {  	s25 =	sshll.u32 s25, $0xA  }
0xc0: {  	p0 =	por $0x0, $0x0  }
0xc1: {  	v22 =	vlaneseq.u32 @!p0  }
0xc2: {  	s26 =	simm.s32 $0x0;
	v23 =	vadd.s32 @!p0 $0xFFFFFFFF, v22  }
0xc3: {  	v23 =	vadd.s32 @!p0 s26, v23  }
0xc4: {  	vm6 =	vgt.s32 @!p0 v23, $0x0  }
0xc5: {  	v24 =	vmov @!p0 s26;
	v23 =	vnsel @!p0 vm6, $0x0, v23  }
0xc6: {  	s28 =	sadd.s32 s3, s25;
	v25 =	vor.u32 @!p0 s26, v22;
	v24 =	vshll.u32 @!p0 v24, $0x1;
	v26 =	vshll.u32 @!p0 v23, $0x1  }
0xc7: {  	[tilespmem:s19], [sflag:$0x3] =	stream.linear.gather [hbm4b:s28+s26], $0x2000, $0x38;
	v22 =	vand.u32 @!p0 $0x7, v22;
	v23 =	vand.u32 @!p0 $0x7F, v23;
	v26 =	vand.u32 @!p0 $0xFFFFFF00, v26;
	[tilespmem:$0xA050] =	vst v63  }
0xc8: {  	_ =	swait.ge [sflag:s20], $0x2000;
	v24 =	vand.u32 @!p0 $0x1F00, v24;
	v27 =	vand.u32 @!p0 $0x7F, v25;
	v23 =	vor.u32 @!p0 v23, v26  }
0xc9: {  	[sflag:s20] =	ssyncset.done $0x0;
	v24 =	vor.u32 @!p0 v27, v24;
	v26 =	vor.u32 @!p0 $0xFFFFFF78, v22;
	v27 =	vor.u32 @!p0 $0x80, v23  }
0xca: {  	[sflag:s20] =	ssyncadd.s32 $0xFFFFE000;
	v28 =	vand.u32 @!p0 $0x1F78, v24;
	v22 =	vor.u32 @!p0 $0x80, v22;
	v24 =	vand.u32 @!p0 v26, v24  }
0xcb: {  	[tilespmem:$0xA000] =	vst v3;
	v22 =	vor.u32 @!p0 v22, v28  }
0xcc: {  	s28 =	simm.s32 @!p0 $0x8000;
	[tilespmem:$0xA010] =	vst v3  }
0xcd: {  	v23 =	vld.idx.msk @!p0 [tilespmem:v23+s28+$0x0], $0xffff  }
0xce: {  	v26 =	vld.idx.msk @!p0 [tilespmem:v27+s28+$0x0], $0xffff  }
0xcf: {  	v24 =	vld.idx.msk @!p0 [tilespmem:v24+s28+$0x0], $0xffff  }
0xd0: {  	v22 =	vld.idx.msk @!p0 [tilespmem:v22+s28+$0x0], $0xffff;
	_ =	sdelay $0x1  }
0xd1: {  	p1 =	por @!p0 $0x1, $0x1  }
0xd2: {  	p1 =	por !p1, p0;
	vm6 =	vmxor @!p0 vm6, vm6;
	v23 =	vmin.f32 @!p0 v23, v26  }
0xd3: {  	vm7 =	vmmov @!p0 $0x1;
	vm6 =	vmneg @!p1 vm6;
	vm8 =	vlt.f32 @!p0 v23, $5.000000000e-01  }
0xd4: {  	vm6 =	vmand @!p0 vm6, vm7;
	v22 =	vmin.f32 @!p0 v24, v22;
	vm7 =	vmneg @!p0 vm8  }
0xd5: {  	vm8 =	vlt.f32 @!p0 v22, $5.000000000e-01;
	vm6 =	vmor @!p0 vm6, vm7  }
0xd6: {  	v22 =	vimm.s32 @!p0 $0x0;
	vm6 =	vmand @!p0 vm8, vm6  }
0xd7: {  	v22 =	vsel @!p0 vm6, $0x1, v22  }
0xd8: {  	(xrf0) =	vadd.scan.msk.s32 @!p0 $0xffff, v22;
	_ =	sdelay $0x5  }
0xd9: {  	v22, _, _ =	vpop @!p0 (xrf0)  }
0xda: {  	(v2sf) =	vpush @!p0 v22, $0xF;
	_ =	sdelay $0x6  }
0xdb: {  	v22 =	vadd.s32 @!p0 s26, v22  }
0xdc: {  	vm6 =	vlt.s32 @!p0 v22, $0x10  }
0xdd: {  	vm6 =	vmand @!p0 vm8, vm6  }
0xde: {  	v22 =	vnsel @!p0 vm6, $0x0, v22;
	_ =	sdelay $0x3  }
0xdf: {  	s28 =	simm.s32 @!p0 $0xA000;
	v23 =	vimm.s32 @!p0 $0x1  }
0xe0: {  	[tilespmem:v22+s28+$0x0] =	vst.idx.add.s32.msk @!p0 $0xffff, v23;
	s28 =	simm.s32 @!p0 $0xA010;
	s29 =	spop @!p0 (v2sf)  }
0xe1: {  	[smem:$0x0] =	sst s26;
	[tilespmem:v22+s28+$0x0] =	vst.idx.add.s32.msk @!p0 $0xffff, v25;
	s28 =	simm.s32 $0x10;
	s29 =	sadd.s32 @!p0 $0x0, s29  }
.LBB2_8:
0xe2: {  	s30 =	smov.u32 s26  }
0xe3: {  	s26 =	smov.u32 s29;
	[smem:$0x0] =	sst @!p0 s29  }
0xe4: {  	s26 =	smov.u32 @p0 s30;
	s29 =	smov.u32 s28;
	s28 =	sadd.s32 $0x10, s28  }
0xe5: {  	p0 =	sgt.s32 s26, $0xF;
	p1 =	sne.s32 s28, $0x1000  }
0xe6: {  	v22 =	vmov @!p0 s29;
	v23 =	vlaneseq.u32 @!p0;
	p2 =	seq.s32 @!p0 s29, $0x0;
	vm6 =	vmxor @!p0 vm6, vm6  }
0xe7: {  	v24 =	vor.u32 @!p0 s29, v23;
	v25 =	vadd.s32 @!p0 $0xFFFFFFFF, v23;
	v22 =	vshll.u32 @!p0 v22, $0x1;
	p2 =	por !p2, p0  }
0xe8: {  	v25 =	vadd.s32 @!p0 s29, v25;
	v22 =	vand.u32 @!p0 $0x1F00, v22;
	v26 =	vand.u32 @!p0 $0x7F, v24  }
0xe9: {  	v23 =	vand.u32 @!p0 $0x7, v23;
	vm7 =	vgt.s32 @!p0 v25, $0x0;
	v22 =	vor.u32 @!p0 v26, v22  }
0xea: {  	v26 =	vor.u32 @!p0 $0xFFFFFF78, v23;
	v25 =	vnsel @!p0 vm7, $0x0, v25;
	v27 =	vand.u32 @!p0 $0x1F78, v22  }
0xeb: {  	v23 =	vor.u32 @!p0 $0x80, v23;
	v28 =	vshll.u32 @!p0 v25, $0x1;
	v25 =	vand.u32 @!p0 $0x7F, v25  }
0xec: {  	v22 =	vand.u32 @!p0 v26, v22;
	v23 =	vor.u32 @!p0 v23, v27;
	v28 =	vand.u32 @!p0 $0xFFFFFF00, v28  }
0xed: {  	vm6 =	vmneg @!p2 vm6;
	vm7 =	vmmov @!p0 $0x1;
	v25 =	vor.u32 @!p0 v25, v28  }
0xee: {  	vm6 =	vmand @!p0 vm6, vm7;
	v26 =	vor.u32 @!p0 $0x80, v25;
	_ =	sdelay $0x1  }
0xef: {  	s29 =	simm.s32 @!p0 $0x8000  }
0xf0: {  	v22 =	vld.idx.msk @!p0 [tilespmem:v22+s29+$0x0], $0xffff  }
0xf1: {  	v25 =	vld.idx.msk @!p0 [tilespmem:v25+s29+$0x0], $0xffff  }
0xf2: {  	v26 =	vld.idx.msk @!p0 [tilespmem:v26+s29+$0x0], $0xffff  }
0xf3: {  	v23 =	vld.idx.msk @!p0 [tilespmem:v23+s29+$0x0], $0xffff;
	_ =	sdelay $0x4  }
0xf4: {  	v25 =	vmin.f32 @!p0 v25, v26  }
0xf5: {  	v22 =	vmin.f32 @!p0 v22, v23;
	vm7 =	vlt.f32 @!p0 v25, $5.000000000e-01  }
0xf6: {  	vm8 =	vlt.f32 @!p0 v22, $5.000000000e-01;
	vm7 =	vmneg @!p0 vm7  }
0xf7: {  	vm6 =	vmor @!p0 vm6, vm7  }
0xf8: {  	v22 =	vimm.s32 @!p0 $0x0;
	vm6 =	vmand @!p0 vm8, vm6  }
0xf9: {  	v22 =	vsel @!p0 vm6, $0x1, v22  }
0xfa: {  	(xrf0) =	vadd.scan.msk.s32 @!p0 $0xffff, v22;
	_ =	sdelay $0x5  }
0xfb: {  	v22, _, _ =	vpop @!p0 (xrf0)  }
0xfc: {  	v23 =	vadd.s32 @!p0 s26, v22;
	(v2sf) =	vpush @!p0 v22, $0xF  }
0xfd: {  	vm6 =	vlt.s32 @!p0 v23, $0x10  }
0xfe: {  	vm6 =	vmand @!p0 vm8, vm6  }
0xff: {  	v22 =	vnsel @!p0 vm6, $0x0, v23;
	_ =	sdelay $0x3  }
0x100: {  	s29 =	simm.s32 @!p0 $0xA000;
	v23 =	vimm.s32 @!p0 $0x1  }
0x101: {  	[tilespmem:v22+s29+$0x0] =	vst.idx.add.s32.msk @!p0 $0xffff, v23;
	s29 =	simm.s32 @!p0 $0xA010  }
0x102: {  	[tilespmem:v22+s29+$0x0] =	vst.idx.add.s32.msk @!p0 $0xffff, v24;
	_ =	sdelay $0x2  }
.Ltmp9:
0x103: {  	(pc) =	sbr.rel @p1 .LBB2_8-.Ltmp9, $3  }
0x104: {  	_ =	sdelay $0x1  }
0x105: {  	s29 =	spop @!p0 (v2sf)  }
0x106: {  	s29 =	sadd.s32 @!p0 s26, s29  }
0x107: {  	[smem:$0x0] =	sst @!p0 s29  }
.LBB2_10:
0x108: {  	p0 =	sgt.s32 s24, $0xF  }
.Ltmp10:
0x109: {  	_ = 	snop;
	(pc) =	sbr.rel @p0 .LBB2_14-.Ltmp10, $1  }
0x10a: {  	_ =	sdelay $0x3  }
0x10b: {  	p0 =	por $0x0, $0x0  }
0x10c: {  	v22 =	vlaneseq.u32 @!p0  }
0x10d: {  	s24 =	simm.s32 $0x0;
	v23 =	vadd.s32 @!p0 $0xFFFFFFFF, v22  }
0x10e: {  	v23 =	vadd.s32 @!p0 s24, v23  }
0x10f: {  	vm6 =	vgt.s32 @!p0 v23, $0x0  }
0x110: {  	v24 =	vmov @!p0 s24;
	v23 =	vnsel @!p0 vm6, $0x0, v23  }
0x111: {  	s25 =	sadd.s32 s4, s25;
	v25 =	vor.u32 @!p0 s24, v22;
	v24 =	vshll.u32 @!p0 v24, $0x1;
	v26 =	vshll.u32 @!p0 v23, $0x1  }
0x112: {  	[tilespmem:s19], [sflag:$0x3] =	stream.linear.gather [hbm4b:s25+s24], $0x2000, $0x38;
	v22 =	vand.u32 @!p0 $0x7, v22;
	v23 =	vand.u32 @!p0 $0x7F, v23;
	v26 =	vand.u32 @!p0 $0xFFFFFF00, v26;
	[tilespmem:$0xA050] =	vst v63  }
0x113: {  	_ =	swait.ge [sflag:s20], $0x2000;
	v24 =	vand.u32 @!p0 $0x1F00, v24;
	v27 =	vand.u32 @!p0 $0x7F, v25;
	v23 =	vor.u32 @!p0 v23, v26  }
0x114: {  	[sflag:s20] =	ssyncset.done $0x0;
	v24 =	vor.u32 @!p0 v27, v24;
	v26 =	vor.u32 @!p0 $0xFFFFFF78, v22;
	v27 =	vor.u32 @!p0 $0x80, v23  }
0x115: {  	[sflag:s20] =	ssyncadd.s32 $0xFFFFE000;
	v28 =	vand.u32 @!p0 $0x1F78, v24;
	v22 =	vor.u32 @!p0 $0x80, v22;
	v24 =	vand.u32 @!p0 v26, v24  }
0x116: {  	[tilespmem:$0xA020] =	vst v3;
	v22 =	vor.u32 @!p0 v22, v28  }
0x117: {  	s25 =	simm.s32 @!p0 $0x8000;
	[tilespmem:$0xA030] =	vst v3  }
0x118: {  	v23 =	vld.idx.msk @!p0 [tilespmem:v23+s25+$0x0], $0xffff  }
0x119: {  	v26 =	vld.idx.msk @!p0 [tilespmem:v27+s25+$0x0], $0xffff  }
0x11a: {  	v24 =	vld.idx.msk @!p0 [tilespmem:v24+s25+$0x0], $0xffff  }
0x11b: {  	v22 =	vld.idx.msk @!p0 [tilespmem:v22+s25+$0x0], $0xffff;
	_ =	sdelay $0x1  }
0x11c: {  	p1 =	por @!p0 $0x1, $0x1  }
0x11d: {  	p1 =	por !p1, p0;
	vm6 =	vmxor @!p0 vm6, vm6;
	v23 =	vmin.f32 @!p0 v23, v26  }
0x11e: {  	vm7 =	vmmov @!p0 $0x1;
	vm6 =	vmneg @!p1 vm6;
	vm8 =	vlt.f32 @!p0 v23, $5.000000000e-01  }
0x11f: {  	vm6 =	vmand @!p0 vm6, vm7;
	v22 =	vmin.f32 @!p0 v24, v22;
	vm7 =	vmneg @!p0 vm8  }
0x120: {  	vm8 =	vlt.f32 @!p0 v22, $5.000000000e-01;
	vm6 =	vmor @!p0 vm6, vm7  }
0x121: {  	v22 =	vimm.s32 @!p0 $0x0;
	vm6 =	vmand @!p0 vm8, vm6  }
0x122: {  	v22 =	vsel @!p0 vm6, $0x1, v22  }
0x123: {  	(xrf0) =	vadd.scan.msk.s32 @!p0 $0xffff, v22;
	_ =	sdelay $0x5  }
0x124: {  	v22, _, _ =	vpop @!p0 (xrf0)  }
0x125: {  	(v2sf) =	vpush @!p0 v22, $0xF;
	_ =	sdelay $0x6  }
0x126: {  	v22 =	vadd.s32 @!p0 s24, v22  }
0x127: {  	vm6 =	vlt.s32 @!p0 v22, $0x10  }
0x128: {  	vm6 =	vmand @!p0 vm8, vm6  }
0x129: {  	v22 =	vnsel @!p0 vm6, $0x0, v22;
	_ =	sdelay $0x3  }
0x12a: {  	s25 =	simm.s32 @!p0 $0xA020;
	v23 =	vimm.s32 @!p0 $0x1  }
0x12b: {  	[tilespmem:v22+s25+$0x0] =	vst.idx.add.s32.msk @!p0 $0xffff, v23;
	s25 =	simm.s32 @!p0 $0xA030;
	s26 =	spop @!p0 (v2sf)  }
0x12c: {  	[smem:$0x1] =	sst s24;
	[tilespmem:v22+s25+$0x0] =	vst.idx.add.s32.msk @!p0 $0xffff, v25;
	s25 =	simm.s32 $0x10;
	s26 =	sadd.s32 @!p0 $0x0, s26  }
.LBB2_12:
0x12d: {  	s28 =	smov.u32 s24  }
0x12e: {  	s24 =	smov.u32 s26;
	[smem:$0x1] =	sst @!p0 s26  }
0x12f: {  	s24 =	smov.u32 @p0 s28;
	s26 =	smov.u32 s25;
	s25 =	sadd.s32 $0x10, s25  }
0x130: {  	p0 =	sgt.s32 s24, $0xF;
	p1 =	sne.s32 s25, $0x1000  }
0x131: {  	v22 =	vmov @!p0 s26;
	v23 =	vlaneseq.u32 @!p0;
	p2 =	seq.s32 @!p0 s26, $0x0;
	vm6 =	vmxor @!p0 vm6, vm6  }
0x132: {  	v24 =	vor.u32 @!p0 s26, v23;
	v25 =	vadd.s32 @!p0 $0xFFFFFFFF, v23;
	v22 =	vshll.u32 @!p0 v22, $0x1;
	p2 =	por !p2, p0  }
0x133: {  	v25 =	vadd.s32 @!p0 s26, v25;
	v22 =	vand.u32 @!p0 $0x1F00, v22;
	v26 =	vand.u32 @!p0 $0x7F, v24  }
0x134: {  	v23 =	vand.u32 @!p0 $0x7, v23;
	vm7 =	vgt.s32 @!p0 v25, $0x0;
	v22 =	vor.u32 @!p0 v26, v22  }
0x135: {  	v26 =	vor.u32 @!p0 $0xFFFFFF78, v23;
	v25 =	vnsel @!p0 vm7, $0x0, v25;
	v27 =	vand.u32 @!p0 $0x1F78, v22  }
0x136: {  	v23 =	vor.u32 @!p0 $0x80, v23;
	v28 =	vshll.u32 @!p0 v25, $0x1;
	v25 =	vand.u32 @!p0 $0x7F, v25  }
0x137: {  	v22 =	vand.u32 @!p0 v26, v22;
	v23 =	vor.u32 @!p0 v23, v27;
	v28 =	vand.u32 @!p0 $0xFFFFFF00, v28  }
0x138: {  	vm6 =	vmneg @!p2 vm6;
	vm7 =	vmmov @!p0 $0x1;
	v25 =	vor.u32 @!p0 v25, v28  }
0x139: {  	vm6 =	vmand @!p0 vm6, vm7;
	v26 =	vor.u32 @!p0 $0x80, v25;
	_ =	sdelay $0x1  }
0x13a: {  	s26 =	simm.s32 @!p0 $0x8000  }
0x13b: {  	v22 =	vld.idx.msk @!p0 [tilespmem:v22+s26+$0x0], $0xffff  }
0x13c: {  	v25 =	vld.idx.msk @!p0 [tilespmem:v25+s26+$0x0], $0xffff  }
0x13d: {  	v26 =	vld.idx.msk @!p0 [tilespmem:v26+s26+$0x0], $0xffff  }
0x13e: {  	v23 =	vld.idx.msk @!p0 [tilespmem:v23+s26+$0x0], $0xffff;
	_ =	sdelay $0x4  }
0x13f: {  	v25 =	vmin.f32 @!p0 v25, v26  }
0x140: {  	v22 =	vmin.f32 @!p0 v22, v23;
	vm7 =	vlt.f32 @!p0 v25, $5.000000000e-01  }
0x141: {  	vm8 =	vlt.f32 @!p0 v22, $5.000000000e-01;
	vm7 =	vmneg @!p0 vm7  }
0x142: {  	vm6 =	vmor @!p0 vm6, vm7  }
0x143: {  	v22 =	vimm.s32 @!p0 $0x0;
	vm6 =	vmand @!p0 vm8, vm6  }
0x144: {  	v22 =	vsel @!p0 vm6, $0x1, v22  }
0x145: {  	(xrf0) =	vadd.scan.msk.s32 @!p0 $0xffff, v22;
	_ =	sdelay $0x5  }
0x146: {  	v22, _, _ =	vpop @!p0 (xrf0)  }
0x147: {  	v23 =	vadd.s32 @!p0 s24, v22;
	(v2sf) =	vpush @!p0 v22, $0xF  }
0x148: {  	vm6 =	vlt.s32 @!p0 v23, $0x10  }
0x149: {  	vm6 =	vmand @!p0 vm8, vm6  }
0x14a: {  	v22 =	vnsel @!p0 vm6, $0x0, v23;
	_ =	sdelay $0x3  }
0x14b: {  	s26 =	simm.s32 @!p0 $0xA020;
	v23 =	vimm.s32 @!p0 $0x1  }
0x14c: {  	[tilespmem:v22+s26+$0x0] =	vst.idx.add.s32.msk @!p0 $0xffff, v23;
	s26 =	simm.s32 @!p0 $0xA030  }
0x14d: {  	[tilespmem:v22+s26+$0x0] =	vst.idx.add.s32.msk @!p0 $0xffff, v24;
	_ =	sdelay $0x2  }
.Ltmp11:
0x14e: {  	(pc) =	sbr.rel @p1 .LBB2_12-.Ltmp11, $3  }
0x14f: {  	_ =	sdelay $0x1  }
0x150: {  	s26 =	spop @!p0 (v2sf)  }
0x151: {  	s26 =	sadd.s32 @!p0 s24, s26  }
.Ltmp12:
0x152: {  	(pc) =	sbr.rel .LBB2_14-.Ltmp12, $2  }
0x153: {  	_ =	sdelay $0x2  }
0x154: {  	[smem:$0x1] =	sst @!p0 s26  }
.LBB2_16:
0x155: {  	_ =	sfence.sel $0x180000  }
0x156: {  	[bflag:$0x0] =	sbarrier.arrive $0xFFFF  }
0x157: {  	p0 =	sne.s32 s2, $0x0;
	_ =	strace $0x9000004D  }
0x158: {  	s0 =	sadd.s32 @!p0 $0x100000, s0;
	[bflag:$0x2] =	sbarrier.arrive $0xFFFF  }
0x159: {  	[sflag:s0] =	ssyncadd.tile.s32 @!p0 $0x1;
	_ =	shalt  }
.Lfunc_end2:
_tile_overlayer_lowered:
.L_overlay_start_2:
0x15a: {  	(tag) =	ssettag $0x2  }
0x15b: {  	s0 =	rddreg [dreg:$0x0];
	s2 =	stileid.u32  }
0x15c: {  	s1 =	rddreg [dreg:$0x1];
	p0 =	sne.s32 s2, $0x0  }
0x15d: {  	s3 =	rddreg [dreg:$0x2];
	[bflag:$0x3] =	sbarrier.arrive $0xFFFF;
	s2 =	simm.s32 @!p0 $0x1C03  }
0x15e: {  	[timem:s3], [sflag:s2] =	dma.local @!p0 [hbm:s0], s1  }
0x15f: {  	s0 =	simm.s32 @!p0 $0x3  }
0x160: {  	_ =	swait.ge @!p0 [sflag:s0], s1  }
0x161: {  	s1 =	ssub.s32 @!p0 $0x0, s1;
	[sflag:s0] =	ssyncset.done @!p0 $0x0  }
0x162: {  	[sflag:s0] =	ssyncadd.s32 @!p0 s1  }
0x163: {  	[bflag:$0x3] =	sbarrier.arrive $0xFFFF  }
0x164: {  	_ =	shalt  }

// kernel: sparse-core-data-format-call.1.cloned.1.call-start
scs
called_computation.1_lowered:
.L_overlay_start_0:
0x0: {  	s2 =	sld [smem:$0x3FD9]  }
0x1: {  	s3 =	sld [smem:$0x3FFE];
	_ =	sdelay $0x1  }
0x2: {  	s1 =	srdreg.scid  }
0x3: {  	s0 =	sand.u32 $0x1, s1  }
0x4: {  	s18 =	sshll.u32 s0, $0xA;
	s2 =	sadd.s32 s3, s2  }
0x5: {  	s2 =	sadd.s32 s2, s18  }
0x6: {  	[smem:$0x3FC6] =	sst s2  }
0x7: {  	_ = 	snop  }
0x8: {  	s2 =	sld [smem:$0x3FC9];
	(tm) =	ssettm $0x1  }
0x9: {  	s19 =	sld [smem:$0x3FFB];
	_ =	sdelay $0x3  }
0xa: {  	_ =	strace s19  }
0xb: {  	s3 =	sld [smem:$0x3FFC];
	_ =	sdelay $0x3  }
0xc: {  	_ =	strace s3  }
0xd: {  	s3 =	sld [smem:$0x3FFD];
	_ =	sdelay $0x3  }
0xe: {  	_ =	strace s3  }
0xf: {  	_ =	strace $0x8FFFFFFF  }
0x10: {  	s20 =	sld [smem:$0x3FDB];
	_ =	sdelay $0x1  }
0x11: {  	s4 =	simm.s32 $_scs_section_size  }
0x12: {  	s5 =	simm.s32 $_size__tile_overlayer_lowered;
	s6 =	simm.s32 $_tile_overlayer_lowered  }
0x13: {  	s23 =	simm.s32 $0x1BFF;
	s22 =	sshll.u32 s6, $0x1;
	s3 =	sadd.s32 s4, s20  }
0x14: {  	s7 =	simm.s32 $0x0;
	s21 =	sshll.u32 s5, $0x1;
	s5 =	sadd.s32 s22, s3  }
0x15: {  	[timem:s7], [sflag:s23] =	dma.local [hbm:s5], s21  }
0x16: {  	_ =	swait.ge [sflag:s23], s21  }
0x17: {  	s4 =	ssub.s32 $0x0, s21;
	[sflag:s23] =	ssyncset.done $0x0  }
0x18: {  	[sflag:s23] =	ssyncadd.s32 s4;
	_ =	sdelay $0x1  }
0x19: {  	s24 =	simm.s32 $0x1B8B  }
0x1a: {  	_ =	swait.ge [sflag:s24], $0x1  }
0x1b: {  	[sflag:s24] =	ssyncset.done $0x0  }
0x1c: {  	s26 =	simm.s32 $0x1B8E;
	s25 =	sld [smem:$0x3FFE];
	[sflag:s24] =	ssyncadd.s32 $0xFFFFFFFF  }
0x1d: {  	s27 =	simm.s32 $execute0_lowered;
	[smem:$0x3FD2] =	sst s26  }
0x1e: {  	s5 =	sshll.u32 s27, $0x1;
	_ =	strace $0x80000046;
	[dreg:$0x1] =	wrdreg $0xFFFFFFFF  }
0x1f: {  	s28 =	simm.s32 $_size_execute0_lowered;
	s3 =	sadd.s32 s3, s5;
	[dreg:$0x0] =	wrdreg $0x0  }
0x20: {  	s5 =	sshll.u32 s28, $0x1;
	[dreg:$0x2] =	wrdreg s3  }
0x21: {  	[dreg:$0x3] =	wrdreg s5  }
0x22: {  	[dreg:$0x4] =	wrdreg $0xC0  }
0x23: {  	_ =	task [dreg:s7], $0x5FFFF  }
0x24: {  	[dreg:$0x1] =	wrdreg $0xFFFFFFFF  }
0x25: {  	[dreg:$0x0] =	wrdreg $0x60  }
0x26: {  	[dreg:$0x2] =	wrdreg s2  }
0x27: {  	[dreg:$0x3] =	wrdreg s25  }
0x28: {  	[dreg:$0x4] =	wrdreg $0xA  }
0x29: {  	_ =	task.clear_ibuf [dreg:s7], $0x5FFFF;
	_ =	strace $0x90000046  }
0x2a: {  	s29 =	simm.s32 $0xA;
	_ =	strace $0x80000048  }
0x2b: {  	_ =	swait.ge [sflag:s29], $0x1  }
0x2c: {  	[sflag:s29] =	ssyncadd.s32 $0xFFFFFFFF  }
0x2d: {  	_ =	strace $0x90000048  }
0x2e: {  	_ =	sfence  }
0x2f: {  	s30 =	sld [smem:$0x0];
	_ =	sdelay $0x2  }
0x30: {  	s31 =	sshll.u32 s1, $0xD;
	s1 =	sshrl.u32 s1, $0x2  }
0x31: {  	s3 =	sand.u32 $0x4000, s31;
	s1 =	sadd.s32 s1, s30  }
0x32: {  	s0 =	sor.u32 s3, s0;
	s1 =	sshll.u32 s1, $0x11  }
0x33: {  	s0 =	sor.u32 s1, s0  }
0x34: {  	s0 =	sadd.s32 $0x8F2B, s0  }
0x35: {  	[sflag:s0] =	ssyncadd.remote.s32 $0x1  }
0x36: {  	_ =	sfence.sel $0xFFFF  }
0x37: {  	[dreg:$0x0] =	wrdreg $0xFFFFFFFF;
	(pc) =	sbr.abs _section_cstart, $3  }
0x38: {  	[dreg:$0x1] =	wrdreg $0xFFFFFFFF  }
0x39: {  	_ =	task.clear_ibuf [dreg:s7], $0x2FFFF;
	_ =	strace $0x9FFFFFFF  }
0x3a: {  	(tm) =	ssettm $0x7FFFFFFF  }
0x3b: {  	_ =	shalt  }
tec
execute0_lowered:
.L_overlay_start_1:
0x0: {  	(tag) =	ssettag $0x1  }
0x1: {  	s2 =	rddreg [dreg:$0x0]  }
0x2: {  	s1 =	rddreg [dreg:$0x1]  }
0x3: {  	s0 =	rddreg [dreg:$0x2];
	_ =	strace $0x80000047;
	s4 =	srdreg.scid  }
0x4: {  	s6 =	simm.s32 $0x2;
	s11 =	simm.s32 $0x0;
	p0 =	por $0x0, $0x0  }
.Ltmp0:
0x5: {  	s7 =	simm.s32 $0x2000;
	s12 =	simm.s32 $0x0;
	(pc) =	sbr.rel .LBB1_1-.Ltmp0, $4  }
0x6: {  	s9 =	simm.s32 $0x0;
	s3 =	sadd.s32 $0xC00, s1;
	s5 =	sshll.u32 s4, $0x4  }
0x7: {  	s1 =	stileid.u32;
	s4 =	simm.s32 $0x1;
	s5 =	sand.u32 $0x10, s5  }
0x8: {  	s8 =	simm.s32 $0x0;
	[sflag:s4] =	ssyncpa.u1 $0x0;
	s5 =	sor.u32 s1, s5  }
0x9: {  	[sflag:s6] =	ssyncpa.u1 $0x0;
	s6 =	simm.s32 $0x800;
	s10 =	smov.u32 s5  }
.LBB1_7:
0xa: {  	s13 =	sadd.s32 $0x10, s9  }
0xb: {  	s11 =	sadd.s32 $0x20, s10;
	s15 =	smov.u32 s10;
	p2 =	sgt.s32 s13, $0x3F  }
0xc: {  	p1 =	slt.u32 s8, $0x2;
	s15 =	smov.u32 @p2 s11  }
0xd: {  	s8 =	sadd.s32 $0x1, s8;
	s13 =	simm.s32 @p2 $0x0;
	p2 =	sgt.s32 s15, $0x7F  }
0xe: {  	s15 =	smov.u32 @p2 s5;
	p2 =	sne.s32 s8, $0x12  }
.Ltmp1:
0xf: {  	_ = 	snop;
	(pc) =	sbr.rel @!p2 .LBB1_8-.Ltmp1, $4  }
0x10: {  	s14 =	simm.s32 @!p1 $0x2  }
0x11: {  	s12 =	smov.u32 s10;
	_ =	swait.ge @!p1 [sflag:s14], $0x4000  }
0x12: {  	p0 =	por !p0, !p0;
	s11 =	smov.u32 s9;
	[sflag:s14] =	ssyncset.done @!p1 $0x0  }
0x13: {  	s9 =	smov.u32 s13;
	[sflag:s14] =	ssyncadd.s32 @!p1 $0xFFFFC000;
	s10 =	smov.u32 s15  }
.LBB1_1:
0x14: {  	p1 =	sgt.u32 s8, $0xF  }
0x15: {  	s13 =	sxor.u32 @!p1 $0xFFFFFFFF, s8;
	s14 =	sshll.u32 @!p1 s10, $0xD  }
0x16: {  	s15 =	sshll.u32 @!p1 s9, $0x7;
	s13 =	sshll.u32 @!p1 s13, $0xE;
	s14 =	sadd.s32 @!p1 s2, s14  }
0x17: {  	s13 =	sand.u32 @!p1 $0x4000, s13;
	s14 =	sadd.s32 @!p1 s15, s14;
	s15 =	simm.s32 @!p1 $0x0  }
0x18: {  	[tilespmem:s13], [sflag:$0x1] =	stream.linear.gather @!p1 [hbm4b:s14+s15], $0x4000, $0x38;
	[tilespmem:$0x10000] =	vst v63  }
0x19: {  	p1 =	seq.s32 s8, $0x0  }
0x1a: {  	p2 =	seq.s32 @!p1 s8, $0x11  }
0x1b: {  	p1 =	por p1, p2  }
.Ltmp2:
0x1c: {  	_ = 	snop;
	(pc) =	sbr.rel @p1 .LBB1_7-.Ltmp2, $1  }
0x1d: {  	_ =	sdelay $0x3  }
0x1e: {  	s13 =	simm.s32 $0x1;
	_ =	swait.ge [sflag:s4], $0x4000;
	s16 =	sshll.u32 s8, $0xE  }
0x1f: {  	s13 =	simm.s32 @!p0 $0x0;
	[sflag:s4] =	ssyncset.done $0x0;
	s31 =	sand.u32 $0x4000, s16  }
0x20: {  	s16 =	simm.s32 $0x0;
	s14 =	sshll.u32 s13, $0xE;
	[sflag:s4] =	ssyncadd.s32 $0xFFFFC000  }
0x21: {  	s13 =	sor.u32 $0x8040, s14;
	s15 =	sor.u32 $0x40, s14;
	s14 =	sor.u32 $0x8000, s31  }
.LBB1_3:
0x22: {  	v0 =	vmov s15;
	_ =	sdelay $0x3  }
0x23: {  	s18 =	simm.s32 $0x0  }
0x24: {  	v6 =	vld.idx.msk [tilespmem:v0+s18+$0x30 ss:$0x1], $0xffff  }
0x25: {  	v7 =	vld.idx.msk [tilespmem:v0+s18+$0xFFFFFFC0 ss:$0x1], $0xffff  }
0x26: {  	v5 =	vld.idx.msk [tilespmem:v0+s18+$0xFFFFFFD0 ss:$0x1], $0xffff  }
0x27: {  	v4 =	vld.idx.msk [tilespmem:v0+s18+$0xFFFFFFE0 ss:$0x1], $0xffff  }
0x28: {  	v3 =	vld.idx.msk [tilespmem:v0+s18+$0xFFFFFFF0 ss:$0x1], $0xffff  }
0x29: {  	v1 =	vld.idx.msk [tilespmem:v0+s18+$0x0 ss:$0x1], $0xffff  }
0x2a: {  	v2 =	vld.idx.msk [tilespmem:v0+s18+$0x10 ss:$0x1], $0xffff;
	[tilespmem:s13+$0x30] =	vst v6  }
0x2b: {  	s17 =	simm.s32 $0x80;
	s19 =	simm.s32 $0x400;
	[tilespmem:s13+$0xFFFFFFC0] =	vst v7;
	v6 =	vld.idx.msk [tilespmem:v0+s18+$0x20 ss:$0x1], $0xffff;
	s18 =	smov.u32 s13  }
.LBB1_4:
0x2c: {  	p1 =	sne.s32 s19, $0xE00;
	v7 =	vld.idx.msk [tilespmem:v0+s17+$0x30 ss:$0x1], $0xffff;
	[tilespmem:s18+$0xFFFFFFD0] =	vst v5  }
0x2d: {  	v8 =	vld.idx.msk [tilespmem:v0+s17+$0xFFFFFFC0 ss:$0x1], $0xffff;
	[tilespmem:s18+$0xFFFFFFE0] =	vst v4  }
0x2e: {  	v5 =	vld.idx.msk [tilespmem:v0+s17+$0xFFFFFFD0 ss:$0x1], $0xffff;
	[tilespmem:s18+$0xFFFFFFF0] =	vst v3  }
.Ltmp3:
0x2f: {  	v4 =	vld.idx.msk [tilespmem:v0+s17+$0xFFFFFFE0 ss:$0x1], $0xffff;
	[tilespmem:s18+$0x0] =	vst v1;
	(pc) =	sbr.rel @p1 .LBB1_4-.Ltmp3, $4  }
0x30: {  	v3 =	vld.idx.msk [tilespmem:v0+s17+$0xFFFFFFF0 ss:$0x1], $0xffff;
	[tilespmem:s18+$0x10] =	vst v2  }
0x31: {  	v1 =	vld.idx.msk [tilespmem:v0+s17+$0x0 ss:$0x1], $0xffff;
	[tilespmem:s18+$0x20] =	vst v6;
	s18 =	sadd.s32 $0x800, s18  }
0x32: {  	v2 =	vld.idx.msk [tilespmem:v0+s17+$0x10 ss:$0x1], $0xffff;
	[tilespmem:s18+$0x30] =	vst v7  }
0x33: {  	[tilespmem:s18+$0xFFFFFFC0] =	vst v8;
	v6 =	vld.idx.msk [tilespmem:v0+s17+$0x20 ss:$0x1], $0xffff;
	s17 =	sshra.s32 s19, $0x2;
	s19 =	sadd.s32 $0x200, s19  }
0x34: {  	_ =	sdelay $0x2  }
0x35: {  	[tilespmem:s18+$0xFFFFFFD0] =	vst v5  }
0x36: {  	v56 =	vld.idx.msk [tilespmem:v0+s17+$0x30 ss:$0x1], $0xffff;
	[tilespmem:s18+$0xFFFFFFE0] =	vst v4  }
0x37: {  	v57 =	vld.idx.msk [tilespmem:v0+s17+$0xFFFFFFC0 ss:$0x1], $0xffff;
	[tilespmem:s18+$0xFFFFFFF0] =	vst v3  }
0x38: {  	v58 =	vld.idx.msk [tilespmem:v0+s17+$0xFFFFFFD0 ss:$0x1], $0xffff;
	[tilespmem:s18+$0x0] =	vst v1  }
0x39: {  	v59 =	vld.idx.msk [tilespmem:v0+s17+$0xFFFFFFE0 ss:$0x1], $0xffff;
	[tilespmem:s18+$0x10] =	vst v2  }
0x3a: {  	v60 =	vld.idx.msk [tilespmem:v0+s17+$0xFFFFFFF0 ss:$0x1], $0xffff;
	s31 =	sadd.s32 $0x800, s18;
	[tilespmem:s18+$0x20] =	vst v6  }
0x3b: {  	v61 =	vld.idx.msk [tilespmem:v0+s17+$0x0 ss:$0x1], $0xffff;
	[tilespmem:s31+$0x30] =	vst v56  }
0x3c: {  	v62 =	vld.idx.msk [tilespmem:v0+s17+$0x10 ss:$0x1], $0xffff;
	s16 =	sadd.s32 $0x1, s16;
	[tilespmem:s31+$0xFFFFFFC0] =	vst v57  }
0x3d: {  	v63 =	vld.idx.msk [tilespmem:v0+s17+$0x20 ss:$0x1], $0xffff;
	p1 =	sne.s32 s16, $0x10;
	[tilespmem:s31+$0xFFFFFFD0] =	vst v58  }
.Ltmp4:
0x3e: {  	[tilespmem:s31+$0xFFFFFFE0] =	vst v59;
	(pc) =	sbr.rel @p1 .LBB1_3-.Ltmp4, $4  }
0x3f: {  	[tilespmem:s31+$0xFFFFFFF0] =	vst v60  }
0x40: {  	[tilespmem:s31+$0x0] =	vst v61  }
0x41: {  	[tilespmem:s31+$0x10] =	vst v62  }
0x42: {  	s13 =	sadd.s32 $0x80, s13;
	s15 =	sadd.s32 $0x400, s15;
	[tilespmem:s31+$0x20] =	vst v63  }
.Ltmp5:
0x43: {  	(pc) =	sbr.rel .LBB1_7-.Ltmp5, $4  }
0x44: {  	s12 =	sshll.u32 s12, $0xD;
	s11 =	sshll.u32 s11, $0x4  }
0x45: {  	s11 =	sand.u32 $0x3F0, s11;
	s12 =	sadd.s32 s3, s12  }
0x46: {  	s11 =	sadd.s32 s11, s12  }
0x47: {  	[hbm4b:s11+s6] =	stream.strided.scatter [tilespmem:s14], [sflag:$0x2], $0x4000, s7, s6, $0x38;
	[tilespmem:$0x10000] =	vst v63  }
.LBB1_8:
0x48: {  	_ =	sfence.sel $0x180000  }
0x49: {  	s2 =	simm.s32 $0x1;
	[bflag:$0x0] =	sbarrier.arrive $0xFFFF  }
0x4a: {  	s31 =	simm.s32 $0x2;
	[sflag:s2] =	ssyncpa.u1 $0x1  }
0x4b: {  	[sflag:s31] =	ssyncpa.u1 $0x1  }
0x4c: {  	p0 =	sne.s32 s1, $0x0;
	_ =	strace $0x90000047  }
0x4d: {  	s0 =	sadd.s32 @!p0 $0x100000, s0;
	[bflag:$0x2] =	sbarrier.arrive $0xFFFF  }
0x4e: {  	[sflag:s0] =	ssyncadd.tile.s32 @!p0 $0x1;
	_ =	shalt  }
.Lfunc_end1:
_tile_overlayer_lowered:
.L_overlay_start_2:
0x4f: {  	(tag) =	ssettag $0x2  }
0x50: {  	s0 =	rddreg [dreg:$0x0];
	s2 =	stileid.u32  }
0x51: {  	s1 =	rddreg [dreg:$0x1];
	p0 =	sne.s32 s2, $0x0  }
0x52: {  	s3 =	rddreg [dreg:$0x2];
	[bflag:$0x3] =	sbarrier.arrive $0xFFFF;
	s2 =	simm.s32 @!p0 $0x1C01  }
0x53: {  	[timem:s3], [sflag:s2] =	dma.local @!p0 [hbm:s0], s1  }
0x54: {  	s0 =	simm.s32 @!p0 $0x1  }
0x55: {  	_ =	swait.ge @!p0 [sflag:s0], s1  }
0x56: {  	s1 =	ssub.s32 @!p0 $0x0, s1;
	[sflag:s0] =	ssyncset.done @!p0 $0x0  }
0x57: {  	[sflag:s0] =	ssyncadd.s32 @!p0 s1  }
0x58: {  	[bflag:$0x3] =	sbarrier.arrive $0xFFFF  }
0x59: {  	_ =	shalt  }

// kernel: sparse-core-data-format-call.cloned.1.call-start
scs
called_computation_lowered:
.L_overlay_start_0:
0x0: {  	s2 =	sld [smem:$0x3FD9]  }
0x1: {  	s3 =	sld [smem:$0x3FFE];
	_ =	sdelay $0x1  }
0x2: {  	s1 =	srdreg.scid  }
0x3: {  	s0 =	sand.u32 $0x1, s1  }
0x4: {  	s18 =	sshll.u32 s0, $0xA;
	s2 =	sadd.s32 s3, s2  }
0x5: {  	s2 =	sadd.s32 s2, s18  }
0x6: {  	[smem:$0x3FC6] =	sst s2  }
0x7: {  	_ = 	snop  }
0x8: {  	s19 =	sld [smem:$0x3FC8];
	(tm) =	ssettm $0x1  }
0x9: {  	s20 =	sld [smem:$0x3FFB];
	_ =	sdelay $0x3  }
0xa: {  	_ =	strace s20  }
0xb: {  	s2 =	sld [smem:$0x3FFC];
	_ =	sdelay $0x3  }
0xc: {  	_ =	strace s2  }
0xd: {  	s2 =	sld [smem:$0x3FFD];
	_ =	sdelay $0x3  }
0xe: {  	_ =	strace s2  }
0xf: {  	_ =	strace $0x8FFFFFFF  }
0x10: {  	s21 =	sld [smem:$0x3FDB];
	_ =	sdelay $0x1  }
0x11: {  	s4 =	simm.s32 $_scs_section_size  }
0x12: {  	s5 =	simm.s32 $_size__tile_overlayer_lowered;
	s6 =	simm.s32 $_tile_overlayer_lowered  }
0x13: {  	s7 =	simm.s32 $0x1BFF;
	s22 =	sshll.u32 s6, $0x1;
	s4 =	sadd.s32 s4, s21  }
0x14: {  	s23 =	simm.s32 $0x0;
	s5 =	sshll.u32 s5, $0x1;
	s6 =	sadd.s32 s22, s4  }
0x15: {  	[timem:s23], [sflag:s7] =	dma.local [hbm:s6], s5  }
0x16: {  	_ =	swait.ge [sflag:s7], s5  }
0x17: {  	s5 =	ssub.s32 $0x0, s5;
	[sflag:s7] =	ssyncset.done $0x0  }
0x18: {  	[sflag:s7] =	ssyncadd.s32 s5;
	_ =	sdelay $0x1  }
0x19: {  	s24 =	simm.s32 $0x1B8B  }
0x1a: {  	_ =	swait.ge [sflag:s24], $0x1  }
0x1b: {  	[sflag:s24] =	ssyncset.done $0x0  }
0x1c: {  	[sflag:s24] =	ssyncadd.s32 $0xFFFFFFFF  }
0x1d: {  	s5 =	sld [smem:$0x0]  }
0x1e: {  	s6 =	sand.u32 $0xFFFFFFFE, s1  }
0x1f: {  	p0 =	sne.s32 s1, s6  }
0x20: {  	s6 =	sshll.u32 @p0 s6, $0xE  }
0x21: {  	s6 =	sadd.s32 @p0 $0x11B8D, s6;
	s7 =	sshll.u32 @p0 s5, $0x11  }
0x22: {  	s6 =	sor.u32 @p0 s7, s6  }
0x23: {  	[sflag:s6] =	ssyncadd.remote.s32 @p0 $0x1;
	_ =	sdelay $0x1  }
0x24: {  	s6 =	simm.s32 @p0 $0x1B8D  }
0x25: {  	_ =	swait.eq @p0 [sflag:s6], $0x1  }
0x26: {  	[sflag:s6] =	ssyncadd.s32 @p0 $0xFFFFFFFF  }
0x27: {  	s7 =	sshll.u32 @!p0 s1, $0xE  }
0x28: {  	s7 =	sor.u32 @!p0 $0x4000, s7;
	s6 =	simm.s32 @!p0 $0x1B8D  }
0x29: {  	s5 =	sshll.u32 @!p0 s5, $0x11;
	s7 =	sadd.s32 @!p0 $0x11B8D, s7;
	_ =	swait.eq @!p0 [sflag:s6], $0x1  }
0x2a: {  	s5 =	sor.u32 @!p0 s5, s7;
	[sflag:s6] =	ssyncadd.s32 @!p0 $0xFFFFFFFF  }
0x2b: {  	s26 =	simm.s32 $0x1B8E;
	s25 =	sld [smem:$0x3FFE];
	[sflag:s5] =	ssyncadd.remote.s32 @!p0 $0x1  }
0x2c: {  	s27 =	simm.s32 $execute0_lowered;
	[smem:$0x3FD2] =	sst s26  }
0x2d: {  	s6 =	sshll.u32 s27, $0x1;
	_ =	strace $0x80000049;
	[dreg:$0x1] =	wrdreg $0xFFFFFFFF  }
0x2e: {  	s28 =	simm.s32 $_size_execute0_lowered;
	s4 =	sadd.s32 s4, s6;
	[dreg:$0x0] =	wrdreg $0x0  }
0x2f: {  	s6 =	sshll.u32 s28, $0x1;
	[dreg:$0x2] =	wrdreg s4  }
0x30: {  	[dreg:$0x3] =	wrdreg s6  }
0x31: {  	[dreg:$0x4] =	wrdreg $0xC0  }
0x32: {  	_ =	task [dreg:s23], $0x5FFFF  }
0x33: {  	[dreg:$0x1] =	wrdreg $0xFFFFFFFF  }
0x34: {  	[dreg:$0x0] =	wrdreg $0x60  }
0x35: {  	[dreg:$0x2] =	wrdreg s19  }
0x36: {  	[dreg:$0x3] =	wrdreg s25  }
0x37: {  	[dreg:$0x4] =	wrdreg $0x9  }
0x38: {  	_ =	task.clear_ibuf [dreg:s23], $0x5FFFF;
	_ =	strace $0x90000049  }
0x39: {  	s29 =	simm.s32 $0x9;
	_ =	strace $0x8000004B  }
0x3a: {  	_ =	swait.ge [sflag:s29], $0x1  }
0x3b: {  	[sflag:s29] =	ssyncadd.s32 $0xFFFFFFFF  }
0x3c: {  	_ =	strace $0x9000004B  }
0x3d: {  	_ =	sfence  }
0x3e: {  	s30 =	sld [smem:$0x0];
	_ =	sdelay $0x2  }
0x3f: {  	s31 =	sshll.u32 s1, $0xD;
	s1 =	sshrl.u32 s1, $0x2  }
0x40: {  	s4 =	sand.u32 $0x4000, s31;
	s1 =	sadd.s32 s1, s30  }
0x41: {  	s0 =	sor.u32 s4, s0;
	s1 =	sshll.u32 s1, $0x11  }
0x42: {  	s0 =	sor.u32 s1, s0  }
0x43: {  	s0 =	sadd.s32 $0x8F2B, s0  }
0x44: {  	[sflag:s0] =	ssyncadd.remote.s32 $0x1  }
0x45: {  	_ =	sfence.sel $0xFFFF  }
0x46: {  	[dreg:$0x0] =	wrdreg $0xFFFFFFFF;
	(pc) =	sbr.abs _section_cstart, $3  }
0x47: {  	[dreg:$0x1] =	wrdreg $0xFFFFFFFF  }
0x48: {  	_ =	task.clear_ibuf [dreg:s23], $0x2FFFF;
	_ =	strace $0x9FFFFFFF  }
0x49: {  	(tm) =	ssettm $0x7FFFFFFF  }
tec
execute0_lowered:
.L_overlay_start_1:
0x0: {  	(tag) =	ssettag $0x1  }
0x1: {  	s2 =	rddreg [dreg:$0x0]  }
0x2: {  	s1 =	rddreg [dreg:$0x1]  }
0x3: {  	s0 =	rddreg [dreg:$0x2];
	_ =	strace $0x8000004A;
	s4 =	srdreg.scid  }
0x4: {  	s6 =	simm.s32 $0x2;
	s11 =	simm.s32 $0x0;
	p0 =	por $0x0, $0x0  }
.Ltmp0:
0x5: {  	s7 =	simm.s32 $0x2000;
	s12 =	simm.s32 $0x0;
	(pc) =	sbr.rel .LBB1_1-.Ltmp0, $4  }
0x6: {  	s9 =	simm.s32 $0x0;
	s3 =	sadd.s32 $0x100C00, s1;
	s5 =	sshll.u32 s4, $0x4  }
0x7: {  	s1 =	stileid.u32;
	s4 =	simm.s32 $0x1;
	s5 =	sand.u32 $0x10, s5  }
0x8: {  	s8 =	simm.s32 $0x0;
	[sflag:s4] =	ssyncpa.u1 $0x0;
	s5 =	sor.u32 s1, s5  }
0x9: {  	[sflag:s6] =	ssyncpa.u1 $0x0;
	s6 =	simm.s32 $0x800;
	s10 =	smov.u32 s5  }
.LBB1_7:
0xa: {  	s13 =	sadd.s32 $0x10, s9  }
0xb: {  	s11 =	sadd.s32 $0x20, s10;
	s15 =	smov.u32 s10;
	p2 =	sgt.s32 s13, $0x3F  }
0xc: {  	p1 =	slt.u32 s8, $0x2;
	s15 =	smov.u32 @p2 s11  }
0xd: {  	s8 =	sadd.s32 $0x1, s8;
	s13 =	simm.s32 @p2 $0x0;
	p2 =	sgt.s32 s15, $0x7F  }
0xe: {  	s15 =	smov.u32 @p2 s5;
	p2 =	sne.s32 s8, $0x12  }
.Ltmp1:
0xf: {  	_ = 	snop;
	(pc) =	sbr.rel @!p2 .LBB1_8-.Ltmp1, $4  }
0x10: {  	s14 =	simm.s32 @!p1 $0x2  }
0x11: {  	s12 =	smov.u32 s10;
	_ =	swait.ge @!p1 [sflag:s14], $0x4000  }
0x12: {  	p0 =	por !p0, !p0;
	s11 =	smov.u32 s9;
	[sflag:s14] =	ssyncset.done @!p1 $0x0  }
0x13: {  	s9 =	smov.u32 s13;
	[sflag:s14] =	ssyncadd.s32 @!p1 $0xFFFFC000;
	s10 =	smov.u32 s15  }
.LBB1_1:
0x14: {  	p1 =	sgt.u32 s8, $0xF  }
0x15: {  	s13 =	sxor.u32 @!p1 $0xFFFFFFFF, s8;
	s14 =	sshll.u32 @!p1 s10, $0xD  }
0x16: {  	s15 =	sshll.u32 @!p1 s9, $0x7;
	s13 =	sshll.u32 @!p1 s13, $0xE;
	s14 =	sadd.s32 @!p1 s2, s14  }
0x17: {  	s13 =	sand.u32 @!p1 $0x4000, s13;
	s14 =	sadd.s32 @!p1 s15, s14;
	s15 =	simm.s32 @!p1 $0x0  }
0x18: {  	[tilespmem:s13], [sflag:$0x1] =	stream.linear.gather @!p1 [hbm4b:s14+s15], $0x4000, $0x38;
	[tilespmem:$0x10000] =	vst v63  }
0x19: {  	p1 =	seq.s32 s8, $0x0  }
0x1a: {  	p2 =	seq.s32 @!p1 s8, $0x11  }
0x1b: {  	p1 =	por p1, p2  }
.Ltmp2:
0x1c: {  	_ = 	snop;
	(pc) =	sbr.rel @p1 .LBB1_7-.Ltmp2, $1  }
0x1d: {  	_ =	sdelay $0x3  }
0x1e: {  	s13 =	simm.s32 $0x1;
	_ =	swait.ge [sflag:s4], $0x4000;
	s16 =	sshll.u32 s8, $0xE  }
0x1f: {  	s13 =	simm.s32 @!p0 $0x0;
	[sflag:s4] =	ssyncset.done $0x0;
	s31 =	sand.u32 $0x4000, s16  }
0x20: {  	s16 =	simm.s32 $0x0;
	s14 =	sshll.u32 s13, $0xE;
	[sflag:s4] =	ssyncadd.s32 $0xFFFFC000  }
0x21: {  	s13 =	sor.u32 $0x8040, s14;
	s15 =	sor.u32 $0x40, s14;
	s14 =	sor.u32 $0x8000, s31  }
.LBB1_3:
0x22: {  	v0 =	vmov s15;
	_ =	sdelay $0x3  }
0x23: {  	s18 =	simm.s32 $0x0  }
0x24: {  	v6 =	vld.idx.msk [tilespmem:v0+s18+$0x30 ss:$0x1], $0xffff  }
0x25: {  	v7 =	vld.idx.msk [tilespmem:v0+s18+$0xFFFFFFC0 ss:$0x1], $0xffff  }
0x26: {  	v5 =	vld.idx.msk [tilespmem:v0+s18+$0xFFFFFFD0 ss:$0x1], $0xffff  }
0x27: {  	v4 =	vld.idx.msk [tilespmem:v0+s18+$0xFFFFFFE0 ss:$0x1], $0xffff  }
0x28: {  	v3 =	vld.idx.msk [tilespmem:v0+s18+$0xFFFFFFF0 ss:$0x1], $0xffff  }
0x29: {  	v1 =	vld.idx.msk [tilespmem:v0+s18+$0x0 ss:$0x1], $0xffff  }
0x2a: {  	v2 =	vld.idx.msk [tilespmem:v0+s18+$0x10 ss:$0x1], $0xffff;
	[tilespmem:s13+$0x30] =	vst v6  }
0x2b: {  	s17 =	simm.s32 $0x80;
	s19 =	simm.s32 $0x400;
	[tilespmem:s13+$0xFFFFFFC0] =	vst v7;
	v6 =	vld.idx.msk [tilespmem:v0+s18+$0x20 ss:$0x1], $0xffff;
	s18 =	smov.u32 s13  }
.LBB1_4:
0x2c: {  	p1 =	sne.s32 s19, $0xE00;
	v7 =	vld.idx.msk [tilespmem:v0+s17+$0x30 ss:$0x1], $0xffff;
	[tilespmem:s18+$0xFFFFFFD0] =	vst v5  }
0x2d: {  	v8 =	vld.idx.msk [tilespmem:v0+s17+$0xFFFFFFC0 ss:$0x1], $0xffff;
	[tilespmem:s18+$0xFFFFFFE0] =	vst v4  }
0x2e: {  	v5 =	vld.idx.msk [tilespmem:v0+s17+$0xFFFFFFD0 ss:$0x1], $0xffff;
	[tilespmem:s18+$0xFFFFFFF0] =	vst v3  }
.Ltmp3:
0x2f: {  	v4 =	vld.idx.msk [tilespmem:v0+s17+$0xFFFFFFE0 ss:$0x1], $0xffff;
	[tilespmem:s18+$0x0] =	vst v1;
	(pc) =	sbr.rel @p1 .LBB1_4-.Ltmp3, $4  }
0x30: {  	v3 =	vld.idx.msk [tilespmem:v0+s17+$0xFFFFFFF0 ss:$0x1], $0xffff;
	[tilespmem:s18+$0x10] =	vst v2  }
0x31: {  	v1 =	vld.idx.msk [tilespmem:v0+s17+$0x0 ss:$0x1], $0xffff;
	[tilespmem:s18+$0x20] =	vst v6;
	s18 =	sadd.s32 $0x800, s18  }
0x32: {  	v2 =	vld.idx.msk [tilespmem:v0+s17+$0x10 ss:$0x1], $0xffff;
	[tilespmem:s18+$0x30] =	vst v7  }
0x33: {  	[tilespmem:s18+$0xFFFFFFC0] =	vst v8;
	v6 =	vld.idx.msk [tilespmem:v0+s17+$0x20 ss:$0x1], $0xffff;
	s17 =	sshra.s32 s19, $0x2;
	s19 =	sadd.s32 $0x200, s19  }
0x34: {  	_ =	sdelay $0x2  }
0x35: {  	[tilespmem:s18+$0xFFFFFFD0] =	vst v5  }
0x36: {  	v56 =	vld.idx.msk [tilespmem:v0+s17+$0x30 ss:$0x1], $0xffff;
	[tilespmem:s18+$0xFFFFFFE0] =	vst v4  }
0x37: {  	v57 =	vld.idx.msk [tilespmem:v0+s17+$0xFFFFFFC0 ss:$0x1], $0xffff;
	[tilespmem:s18+$0xFFFFFFF0] =	vst v3  }
0x38: {  	v58 =	vld.idx.msk [tilespmem:v0+s17+$0xFFFFFFD0 ss:$0x1], $0xffff;
	[tilespmem:s18+$0x0] =	vst v1  }
0x39: {  	v59 =	vld.idx.msk [tilespmem:v0+s17+$0xFFFFFFE0 ss:$0x1], $0xffff;
	[tilespmem:s18+$0x10] =	vst v2  }
0x3a: {  	v60 =	vld.idx.msk [tilespmem:v0+s17+$0xFFFFFFF0 ss:$0x1], $0xffff;
	s31 =	sadd.s32 $0x800, s18;
	[tilespmem:s18+$0x20] =	vst v6  }
0x3b: {  	v61 =	vld.idx.msk [tilespmem:v0+s17+$0x0 ss:$0x1], $0xffff;
	[tilespmem:s31+$0x30] =	vst v56  }
0x3c: {  	v62 =	vld.idx.msk [tilespmem:v0+s17+$0x10 ss:$0x1], $0xffff;
	s16 =	sadd.s32 $0x1, s16;
	[tilespmem:s31+$0xFFFFFFC0] =	vst v57  }
0x3d: {  	v63 =	vld.idx.msk [tilespmem:v0+s17+$0x20 ss:$0x1], $0xffff;
	p1 =	sne.s32 s16, $0x10;
	[tilespmem:s31+$0xFFFFFFD0] =	vst v58  }
.Ltmp4:
0x3e: {  	[tilespmem:s31+$0xFFFFFFE0] =	vst v59;
	(pc) =	sbr.rel @p1 .LBB1_3-.Ltmp4, $4  }
0x3f: {  	[tilespmem:s31+$0xFFFFFFF0] =	vst v60  }
0x40: {  	[tilespmem:s31+$0x0] =	vst v61  }
0x41: {  	[tilespmem:s31+$0x10] =	vst v62  }
0x42: {  	s13 =	sadd.s32 $0x80, s13;
	s15 =	sadd.s32 $0x400, s15;
	[tilespmem:s31+$0x20] =	vst v63  }
.Ltmp5:
0x43: {  	(pc) =	sbr.rel .LBB1_7-.Ltmp5, $4  }
0x44: {  	s12 =	sshll.u32 s12, $0xD;
	s11 =	sshll.u32 s11, $0x4  }
0x45: {  	s11 =	sand.u32 $0x3F0, s11;
	s12 =	sadd.s32 s3, s12  }
0x46: {  	s11 =	sadd.s32 s11, s12  }
0x47: {  	[hbm4b:s11+s6] =	stream.strided.scatter [tilespmem:s14], [sflag:$0x2], $0x4000, s7, s6, $0x38;
	[tilespmem:$0x10000] =	vst v63  }
.LBB1_8:
0x48: {  	_ =	sfence.sel $0x180000  }
0x49: {  	s2 =	simm.s32 $0x1;
	[bflag:$0x0] =	sbarrier.arrive $0xFFFF  }
0x4a: {  	s31 =	simm.s32 $0x2;
	[sflag:s2] =	ssyncpa.u1 $0x1  }
0x4b: {  	[sflag:s31] =	ssyncpa.u1 $0x1  }
0x4c: {  	p0 =	sne.s32 s1, $0x0;
	_ =	strace $0x9000004A  }
0x4d: {  	s0 =	sadd.s32 @!p0 $0x100000, s0;
	[bflag:$0x2] =	sbarrier.arrive $0xFFFF  }
0x4e: {  	[sflag:s0] =	ssyncadd.tile.s32 @!p0 $0x1;
	_ =	shalt  }
.Lfunc_end1:
_tile_overlayer_lowered:
.L_overlay_start_2:
0x4f: {  	(tag) =	ssettag $0x2  }
0x50: {  	s0 =	rddreg [dreg:$0x0];
	s2 =	stileid.u32  }
0x51: {  	s1 =	rddreg [dreg:$0x1];
	p0 =	sne.s32 s2, $0x0  }
0x52: {  	s3 =	rddreg [dreg:$0x2];
	[bflag:$0x3] =	sbarrier.arrive $0xFFFF;
	s2 =	simm.s32 @!p0 $0x1C01  }
0x53: {  	[timem:s3], [sflag:s2] =	dma.local @!p0 [hbm:s0], s1  }
0x54: {  	s0 =	simm.s32 @!p0 $0x1  }
0x55: {  	_ =	swait.ge @!p0 [sflag:s0], s1  }
0x56: {  	s1 =	ssub.s32 @!p0 $0x0, s1;
	[sflag:s0] =	ssyncset.done @!p0 $0x0  }
0x57: {  	[sflag:s0] =	ssyncadd.s32 @!p0 s1  }
0x58: {  	[bflag:$0x3] =	sbarrier.arrive $0xFFFF  }
0x59: {  	_ =	shalt  }

</sc_bundles>
